<compile_context>
chip_gen: v7x
topology: tpu7x:2x2x1
jax: 0.10.2.dev20260603
libtpu: 0.0.44.dev20260713+nightly
codegen_flags: <defaults>
</compile_context>

<pallas_src>
import functools
import math

import jax
import jax.numpy as jnp
import numpy as np
from jax import lax
from jax.experimental import pallas as pl
from jax.experimental.pallas import tpu as pltpu
from jax.experimental.pallas import tpu_sc as plsc

B, T, D = 1, 2048, 1024
H, DH, DC = 16, 64, 256
HID, NG, EPG, NE, TOPK = 2048, 2, 4, 8, 2
BT = 256
NBT = T // BT

_f32 = jnp.float32


def _dotT(a, b):
    return jax.lax.dot_general(a, b, (((1,), (1,)), ((), ())),
                               preferred_element_type=_f32)


def _rotary_tables():
    inv_freq = 1.0 / (10000.0 ** (np.arange(0, DH, 2, dtype=np.float64) / DH))
    pos = np.arange(T, dtype=np.float64)
    ang = np.einsum('i,j->ij', pos, inv_freq)
    cos = np.cos(ang).astype(np.float32)
    sin = np.sin(ang).astype(np.float32)
    return jnp.asarray(cos), jnp.asarray(sin)


def _head_perm():
    p = np.concatenate([np.arange(0, DH, 2), np.arange(1, DH, 2)])
    full = np.concatenate([h * DH + p for h in range(H)])
    return jnp.asarray(full, dtype=jnp.int32)



def _proj_body(x_ref, n1_ref, wq_ref, wkc_ref, wvc_ref, wk_ref, wv_ref,
               cos_ref, sin_ref, q_ref, k_ref, v_ref):
    x = x_ref[...]
    var = jnp.mean(x * x, axis=-1, keepdims=True)
    h = x / jnp.sqrt(var + 1e-6) * n1_ref[...]
    q = _dotT(h, wq_ref[...])
    kc = _dotT(h, wkc_ref[...])
    vc = _dotT(h, wvc_ref[...])
    k = _dotT(kc, wk_ref[...])
    v = _dotT(vc, wv_ref[...])
    cos = cos_ref[...]
    sin = sin_ref[...]

    for hh in range(H):
        for z, ref in ((q, q_ref), (k, k_ref)):
            x1 = z[:, hh * DH:hh * DH + DH // 2]
            x2 = z[:, hh * DH + DH // 2:(hh + 1) * DH]
            ref[hh] = jnp.concatenate(
                [x1 * cos - x2 * sin, x1 * sin + x2 * cos], axis=1)
        v_ref[hh] = v[:, hh * DH:(hh + 1) * DH]


def _proj(x2d, n1, wq_p, wkc, wvc, wk_p, wv, cos, sin):
    grid = (NBT,)
    return pl.pallas_call(
        _proj_body,
        grid=grid,
        in_specs=[
            pl.BlockSpec((BT, D), lambda i: (i, 0)),
            pl.BlockSpec((1, D), lambda i: (0, 0)),
            pl.BlockSpec((D, D), lambda i: (0, 0)),
            pl.BlockSpec((DC, D), lambda i: (0, 0)),
            pl.BlockSpec((DC, D), lambda i: (0, 0)),
            pl.BlockSpec((D, DC), lambda i: (0, 0)),
            pl.BlockSpec((D, DC), lambda i: (0, 0)),
            pl.BlockSpec((BT, DH // 2), lambda i: (i, 0)),
            pl.BlockSpec((BT, DH // 2), lambda i: (i, 0)),
        ],
        out_specs=[
            pl.BlockSpec((H, BT, DH), lambda i: (0, i, 0)),
            pl.BlockSpec((H, BT, DH), lambda i: (0, i, 0)),
            pl.BlockSpec((H, BT, DH), lambda i: (0, i, 0)),
        ],
        out_shape=[jax.ShapeDtypeStruct((H, T, DH), _f32)] * 3,
    )(x2d, n1, wq_p, wkc, wvc, wk_p, wv, cos, sin)



def _attn_body(q_ref, k_ref, v_ref, o_ref):
    q = q_ref[0]
    s = jax.lax.dot_general(q, k_ref[0], (((1,), (1,)), ((), ())),
                            preferred_element_type=_f32)
    s = s * (1.0 / math.sqrt(DH))
    m = jnp.max(s, axis=-1, keepdims=True)
    p = jnp.exp(s - m)
    l = jnp.sum(p, axis=-1, keepdims=True)
    o = jax.lax.dot_general(p, v_ref[0], (((1,), (0,)), ((), ())),
                            preferred_element_type=_f32)
    o_ref[0] = o / l


def _attn(q, k, v):
    grid = (H, NBT)
    return pl.pallas_call(
        _attn_body,
        grid=grid,
        in_specs=[
            pl.BlockSpec((1, BT, DH), lambda h, i: (h, i, 0)),
            pl.BlockSpec((1, T, DH), lambda h, i: (h, 0, 0)),
            pl.BlockSpec((1, T, DH), lambda h, i: (h, 0, 0)),
        ],
        out_specs=pl.BlockSpec((1, BT, DH), lambda h, i: (h, i, 0)),
        out_shape=jax.ShapeDtypeStruct((H, T, DH), _f32),
    )(q, k, v)



def _post_body(o_ref, x_ref, wo_ref, n2_ref, xa_ref, h2_ref):
    o2 = jnp.concatenate([o_ref[hh] for hh in range(H)], axis=1)
    xa = x_ref[...] + _dotT(o2, wo_ref[...])
    xa_ref[...] = xa
    var = jnp.mean(xa * xa, axis=-1, keepdims=True)
    h2_ref[...] = xa / jnp.sqrt(var + 1e-6) * n2_ref[...]


def _post(o, x2d, wo, n2):
    return pl.pallas_call(
        _post_body,
        grid=(NBT,),
        in_specs=[
            pl.BlockSpec((H, BT, DH), lambda i: (0, i, 0)),
            pl.BlockSpec((BT, D), lambda i: (i, 0)),
            pl.BlockSpec((D, D), lambda i: (0, 0)),
            pl.BlockSpec((1, D), lambda i: (0, 0)),
        ],
        out_specs=[
            pl.BlockSpec((BT, D), lambda i: (i, 0)),
            pl.BlockSpec((BT, D), lambda i: (i, 0)),
        ],
        out_shape=[jax.ShapeDtypeStruct((T, D), _f32)] * 2,
    )(o, x2d, wo, n2)



def _gates_body(h2_ref, gg_ref, eg_ref, gb_ref, eb_ref, topi_ref, topv_ref):
    h2 = h2_ref[...]
    glog = _dotT(h2, gg_ref[...]) + gb_ref[...]
    gm = jnp.max(glog, axis=-1, keepdims=True)
    ge = jnp.exp(glog - gm)
    gprobs = ge / jnp.sum(ge, axis=-1, keepdims=True)
    g_idx = (gprobs[:, 1:2] > gprobs[:, 0:1]).astype(jnp.int32)
    g_prob = jnp.max(gprobs, axis=-1, keepdims=True)

    elog = _dotT(h2, eg_ref[...]) + eb_ref[...]
    idx8 = jax.lax.broadcasted_iota(jnp.int32, (BT, NE), 1)
    allowed = (idx8 // EPG) == g_idx
    masked = jnp.where(allowed, elog, -jnp.inf)
    m = jnp.max(masked, axis=-1, keepdims=True)
    ex = jnp.exp(masked - m)
    eprobs = ex / jnp.sum(ex, axis=-1, keepdims=True)
    p = eprobs * g_prob

    m1 = jnp.max(p, axis=-1, keepdims=True)
    i1 = jnp.min(jnp.where(p == m1, idx8, NE), axis=-1, keepdims=True)
    p2 = jnp.where(idx8 == i1, -1.0, p)
    m2 = jnp.max(p2, axis=-1, keepdims=True)
    i2 = jnp.min(jnp.where(p2 == m2, idx8, NE), axis=-1, keepdims=True)
    topi_ref[...] = jnp.concatenate([i1, i2], axis=1)
    topv_ref[...] = jnp.concatenate([m1, m2], axis=1)


def _gates(h2, gg, eg, gb, eb):
    return pl.pallas_call(
        _gates_body,
        grid=(NBT,),
        in_specs=[
            pl.BlockSpec((BT, D), lambda i: (i, 0)),
            pl.BlockSpec((NG, D), lambda i: (0, 0)),
            pl.BlockSpec((NE, D), lambda i: (0, 0)),
            pl.BlockSpec((1, NG), lambda i: (0, 0)),
            pl.BlockSpec((1, NE), lambda i: (0, 0)),
        ],
        out_specs=[
            pl.BlockSpec((BT, TOPK), lambda i: (i, 0)),
            pl.BlockSpec((BT, TOPK), lambda i: (i, 0)),
        ],
        out_shape=[
            jax.ShapeDtypeStruct((T, TOPK), jnp.int32),
            jax.ShapeDtypeStruct((T, TOPK), _f32),
        ],
    )(h2, gg, eg, gb, eb)



def _swiglu(z):
    a = z[:, :HID]
    b = z[:, HID:]
    return a * jax.lax.logistic(a) * b


def _ffn_up_body(h2_ref, w_ref, out_ref):
    out_ref[...] = _swiglu(_dotT(h2_ref[...], w_ref[...]))


def _ffn_up(h2, w):
    return pl.pallas_call(
        _ffn_up_body,
        grid=(NBT,),
        in_specs=[
            pl.BlockSpec((BT, D), lambda i: (i, 0)),
            pl.BlockSpec((2 * HID, D), lambda i: (0, 0)),
        ],
        out_specs=pl.BlockSpec((BT, HID), lambda i: (i, 0)),
        out_shape=jax.ShapeDtypeStruct((T, HID), _f32),
    )(h2, w)



TILE = 256
NTILES = 24
P = NTILES * TILE


def _route_body(topi_ref, d0_ref, d1_ref, te_ref):
    topi = topi_ref[...]
    idx8a = jax.lax.broadcasted_iota(jnp.int32, (T, NE), 1)
    oh0 = (topi[:, 0:1] == idx8a).astype(_f32)
    oh1 = (topi[:, 1:2] == idx8a).astype(_f32)
    oh2 = oh0 + oh1

    r = jax.lax.broadcasted_iota(jnp.int32, (TILE, TILE), 0)
    c = jax.lax.broadcasted_iota(jnp.int32, (TILE, TILE), 1)
    ltri = (r > c).astype(_f32)
    ones_row = jnp.ones((1, TILE), _f32)

    excl_parts = []
    carry = jnp.zeros((1, NE), _f32)
    for b in range(T // TILE):
        blk = oh2[b * TILE:(b + 1) * TILE, :]
        excl_parts.append(
            jax.lax.dot_general(ltri, blk, (((1,), (0,)), ((), ())),
                                preferred_element_type=_f32) + carry)
        carry = carry + jax.lax.dot_general(
            ones_row, blk, (((1,), (0,)), ((), ())),
            preferred_element_type=_f32)
    excl = jnp.concatenate(excl_parts, axis=0)
    totals = carry

    tiles = jnp.floor((totals + (TILE - 1)) * (1.0 / TILE))
    e1 = jax.lax.broadcasted_iota(jnp.int32, (NE, NE), 0)
    e2 = jax.lax.broadcasted_iota(jnp.int32, (NE, NE), 1)
    u8 = (e1 < e2).astype(_f32)
    pofft = jax.lax.dot_general(tiles, u8, (((1,), (0,)), ((), ())),
                                preferred_element_type=_f32)
    poffe = pofft * float(TILE)

    base0 = jnp.sum(oh0 * poffe, axis=1, keepdims=True)
    rank0 = jnp.sum(oh0 * excl, axis=1, keepdims=True)
    base1 = jnp.sum(oh1 * poffe, axis=1, keepdims=True)
    rank1 = jnp.sum(oh1 * excl, axis=1, keepdims=True)
    d0_ref[...] = (base0 + rank0).astype(jnp.int32)
    d1_ref[...] = (base1 + rank1).astype(jnp.int32)

    t32 = jax.lax.broadcasted_iota(jnp.int32, (32, NE), 0).astype(_f32)
    covered = (t32 >= pofft).astype(_f32)
    te_ref[...] = (jnp.sum(covered, axis=1, keepdims=True) - 1.0
                   ).astype(jnp.int32)


def _route(topi):
    return pl.pallas_call(
        _route_body,
        grid=(1,),
        in_specs=[pl.BlockSpec((T, TOPK), lambda i: (0, 0))],
        out_specs=[
            pl.BlockSpec((T, 1), lambda i: (0, 0)),
            pl.BlockSpec((T, 1), lambda i: (0, 0)),
            pl.BlockSpec((32, 1), lambda i: (0, 0)),
        ],
        out_shape=[
            jax.ShapeDtypeStruct((T, 1), jnp.int32),
            jax.ShapeDtypeStruct((T, 1), jnp.int32),
            jax.ShapeDtypeStruct((32, 1), jnp.int32),
        ],
    )(topi)



_SC_MESH = dict(core_axis_name="c", subcore_axis_name="s")
_NW = 32


def _sc_scatter_hmid(h_mid, d0, d1):
    rows_per_w = T // _NW
    nch = rows_per_w // 16

    @functools.partial(
        pl.kernel,
        mesh=plsc.VectorSubcoreMesh(**_SC_MESH),
        out_type=jax.ShapeDtypeStruct((P, HID), _f32),
        scratch_types=[
            pltpu.VMEM((16,), jnp.int32),
            pltpu.VMEM((16, HID), _f32),
            pltpu.SemaphoreType.DMA,
        ],
    )
    def k(hm_hbm, d0_hbm, d1_hbm, out_hbm, idx_v, rows_v, sem):
        wid = lax.axis_index("s") * 2 + lax.axis_index("c")
        for d_hbm in (d0_hbm, d1_hbm):
            for ch in range(nch):
                s0 = wid * rows_per_w + ch * 16
                pltpu.sync_copy(d_hbm.at[pl.ds(s0, 16)], idx_v)
                idx = idx_v[...]
                pltpu.sync_copy(hm_hbm.at[pl.ds(s0, 16)], rows_v)
                pltpu.async_copy(rows_v, out_hbm.at[idx], sem).wait()

    return k(h_mid, d0, d1)


def _sc_gather_z(y, d0, d1):
    rows_per_w = T // _NW
    nch = rows_per_w // 16

    @functools.partial(
        pl.kernel,
        mesh=plsc.VectorSubcoreMesh(**_SC_MESH),
        out_type=jax.ShapeDtypeStruct((TOPK * T, D), _f32),
        scratch_types=[
            pltpu.VMEM((16,), jnp.int32),
            pltpu.VMEM((16, D), _f32),
            pltpu.SemaphoreType.DMA,
        ],
    )
    def k(y_hbm, d0_hbm, d1_hbm, z_hbm, idx_v, rows_v, sem):
        wid = lax.axis_index("s") * 2 + lax.axis_index("c")
        for kk, d_hbm in ((0, d0_hbm), (1, d1_hbm)):
            for ch in range(nch):
                s0 = wid * rows_per_w + ch * 16
                pltpu.sync_copy(d_hbm.at[pl.ds(s0, 16)], idx_v)
                idx = idx_v[...]
                pltpu.async_copy(y_hbm.at[idx], rows_v, sem).wait()
                pltpu.sync_copy(rows_v, z_hbm.at[pl.ds(kk * T + s0, 16)])

    return k(y, d0, d1)



def _gmm_body(te_ref, hg_ref, w2_ref, y_ref):
    del te_ref
    y_ref[...] = jax.lax.dot_general(
        hg_ref[...], w2_ref[0], (((1,), (1,)), ((), ())),
        preferred_element_type=_f32)


def _gmm(hg, w2, te):
    grid_spec = pltpu.PrefetchScalarGridSpec(
        num_scalar_prefetch=1,
        grid=(NTILES,),
        in_specs=[
            pl.BlockSpec((TILE, HID), lambda t, te_ref: (t, 0)),
            pl.BlockSpec((1, D, HID), lambda t, te_ref: (te_ref[t], 0, 0)),
        ],
        out_specs=pl.BlockSpec((TILE, D), lambda t, te_ref: (t, 0)),
    )
    return pl.pallas_call(
        _gmm_body,
        grid_spec=grid_spec,
        out_shape=jax.ShapeDtypeStruct((P, D), _f32),
    )(te, hg, w2)



def _final_body(xa_ref, hid1_ref, so_ref, z0_ref, z1_ref, tv_ref, out_ref):
    sh = _dotT(hid1_ref[...], so_ref[...])
    tv = tv_ref[...]
    routed = z0_ref[...] * tv[:, 0:1] + z1_ref[...] * tv[:, 1:2]
    out_ref[...] = xa_ref[...] + sh + routed


def _final(xa, hid1, so, z, topv):
    return pl.pallas_call(
        _final_body,
        grid=(NBT,),
        in_specs=[
            pl.BlockSpec((BT, D), lambda i: (i, 0)),
            pl.BlockSpec((BT, HID), lambda i: (i, 0)),
            pl.BlockSpec((D, HID), lambda i: (0, 0)),
            pl.BlockSpec((BT, D), lambda i: (i, 0)),
            pl.BlockSpec((BT, D), lambda i: (i + NBT, 0)),
            pl.BlockSpec((BT, TOPK), lambda i: (i, 0)),
        ],
        out_specs=pl.BlockSpec((BT, D), lambda i: (i, 0)),
        out_shape=jax.ShapeDtypeStruct((T, D), _f32),
    )(xa, hid1, so, z, z, topv)


def kernel(x, Wq, Wk_c, Wv_c, Wk, Wv, Wo, norm1_w, norm2_w, shared_in,
           shared_out, w1_shared, w2_expert, group_gate, expert_gate,
           group_bias, expert_bias):
    x2d = x.reshape(T, D)
    perm = _head_perm()
    wq_p = Wq[perm, :]
    wk_p = Wk[perm, :]
    cos, sin = _rotary_tables()

    q, k, v = _proj(x2d, norm1_w.reshape(1, D), wq_p, Wk_c, Wv_c, wk_p, Wv,
                    cos, sin)
    o = _attn(q, k, v)
    xa, h2 = _post(o, x2d, Wo, norm2_w.reshape(1, D))

    topi, topv = _gates(h2, group_gate, expert_gate, group_bias.reshape(1, NG),
                        expert_bias.reshape(1, NE))
    d0, d1, te32 = _route(topi)
    h_mid = _ffn_up(h2, w1_shared)
    d0f = d0.reshape(T)
    d1f = d1.reshape(T)
    hg = _sc_scatter_hmid(h_mid, d0f, d1f)
    hid1 = _ffn_up(h2, shared_in)
    te = te32.reshape(32)[:NTILES]
    y = _gmm(hg, w2_expert, te)
    z = _sc_gather_z(y, d0f, d1f)
    out = _final(xa, hid1, shared_out, z, topv)
    return out.reshape(B, T, D)

# --- scband reference (transcript-rebuilt; emitter-appended) ---
"""Pipeline reference for scband-mo-etransformer-encoder-layer-71451075936555 (READ-ONLY COPY).

The authoritative reference and input builder live on the scoring server;
editing this copy changes nothing except your own understanding.
"""

import jax, jax.numpy as jnp
import numpy as np

B, T, D = 1, 2048, 1024
H, DH, DC = 16, 64, 256
HID, NG, EPG, NE, TOPK = 2048, 2, 4, 8, 2

def _rms(x, w):
    var = jnp.mean(x * x, axis=-1, keepdims=True)
    return x / jnp.sqrt(var + 1e-6) * w

def _swiglu(x):
    a, b = jnp.split(x, 2, axis=-1)
    return jax.nn.silu(a) * b

def _rotary(x):
    t = x.shape[2]
    inv_freq = 1.0 / (10000.0 ** (jnp.arange(0, DH, 2, dtype=jnp.float32) / DH))
    pos = jnp.arange(t, dtype=jnp.float32)
    ang = jnp.einsum('i,j->ij', pos, inv_freq)
    sin = jnp.sin(ang)[None, None]
    cos = jnp.cos(ang)[None, None]
    x1 = x[..., ::2]
    x2 = x[..., 1::2]
    out = jnp.stack([x1 * cos - x2 * sin, x1 * sin + x2 * cos], axis=-1)
    return out.reshape(x.shape)

def setup_inputs(seed: int = 0):
    key = jax.random.key(seed)
    ks = jax.random.split(key, 14)
    w = lambda k, s: jax.random.normal(k, s, dtype=jnp.float32) * 0.02
    return {
        'x': jax.random.normal(ks[0], (B, T, D), dtype=jnp.float32),
        'Wq': w(ks[1], (D, D)), 'Wk_c': w(ks[2], (DC, D)), 'Wv_c': w(ks[3], (DC, D)),
        'Wk': w(ks[4], (D, DC)), 'Wv': w(ks[5], (D, DC)), 'Wo': w(ks[6], (D, D)),
        'norm1_w': jnp.ones((D,), jnp.float32), 'norm2_w': jnp.ones((D,), jnp.float32),
        'shared_in': w(ks[7], (2 * HID, D)), 'shared_out': w(ks[8], (D, HID)),
        'w1_shared': w(ks[9], (2 * HID, D)), 'w2_expert': w(ks[10], (NE, D, HID)),
        'group_gate': w(ks[11], (NG, D)), 'expert_gate': w(ks[12], (NE, D)),
        'group_bias': jnp.zeros((NG,), jnp.float32), 'expert_bias': jnp.zeros((NE,), jnp.float32),
    }

def reference(x, Wq, Wk_c, Wv_c, Wk, Wv, Wo, norm1_w, norm2_w, shared_in, shared_out, w1_shared, w2_expert, group_gate, expert_gate, group_bias, expert_bias):
    b, t, d = x.shape
    # pre-norm self attention (LatentAttention)
    h = _rms(x, norm1_w)
    q = (h @ Wq.T).reshape(b, t, H, DH).transpose(0, 2, 1, 3)
    kc = h @ Wk_c.T
    vc = h @ Wv_c.T
    k = (kc @ Wk.T).reshape(b, t, H, DH).transpose(0, 2, 1, 3)
    v = (vc @ Wv.T).reshape(b, t, H, DH).transpose(0, 2, 1, 3)
    q = _rotary(q)
    k = _rotary(k)
    attn = jnp.einsum('bhqd,bhkd->bhqk', q, k) / np.sqrt(DH).astype(np.float32)
    attn = jax.nn.softmax(attn, axis=-1)
    o = jnp.einsum('bhqk,bhkd->bhqd', attn, v)
    o = o.transpose(0, 2, 1, 3).reshape(b, t, d) @ Wo.T
    x = x + o
    # pre-norm hierarchical MoE FFN (HierDSFeedForward)
    h2 = _rms(x, norm2_w)
    flat = h2.reshape(b * t, d)
    S = b * t
    hid = _swiglu(flat @ shared_in.T)
    sh_out = hid @ shared_out.T
    g_logits = flat @ group_gate.T + group_bias
    g_probs = jax.nn.softmax(g_logits, axis=-1)
    g_idx = jnp.argmax(g_probs, axis=-1)
    e_logits = flat @ expert_gate.T + expert_bias
    grp_of_e = jnp.arange(NE) // EPG
    allowed = grp_of_e[None, :] == g_idx[:, None]
    masked = jnp.where(allowed, e_logits, -jnp.inf)
    e_probs = jax.nn.softmax(masked, axis=-1)
    g_prob = jnp.take_along_axis(g_probs, g_idx[:, None], axis=1)
    p_expert = e_probs * g_prob
    topv, topi = jax.lax.top_k(p_expert, TOPK)
    wgt = jnp.zeros((S, NE), jnp.float32).at[jnp.arange(S)[:, None], topi].add(topv)
    h_mid = _swiglu(flat @ w1_shared.T)
    routed = jnp.zeros((S, d), jnp.float32)
    for eid in range(NE):
        routed = routed + (h_mid @ w2_expert[eid].T) * wgt[:, eid:eid + 1]
    out = sh_out + routed
    return x + out.reshape(b, t, d)

if __name__ == "__main__":
    import jax
    _d = setup_inputs()
    print(jax.jit(kernel)(*tuple(_d.values())))

</pallas_src>

<mosaic_0001>
#map = affine_map<(d0, d1) -> (0, 0)>
#map1 = affine_map<(d0, d1) -> (0)>
module attributes {stable_mosaic.version = 14 : i64} {
  func.func @k(%arg0: i32, %arg1: i32, %arg2: memref<6144x1024xf32, #tpu.memory_space<hbm>>, %arg3: memref<2048xi32, #tpu.memory_space<hbm>>, %arg4: memref<2048xi32, #tpu.memory_space<hbm>>, %arg5: memref<4096x1024xf32, #tpu.memory_space<hbm>>, %arg6: memref<16xi32, #tpu.memory_space<vmem>>, %arg7: memref<16x1024xf32, #tpu.memory_space<vmem>>, %arg8: memref<!tpu.dma_semaphore, #tpu.memory_space<semaphore_mem>>) attributes {dimension_semantics = [#tpu.dimension_semantics<core_parallel>, #tpu.dimension_semantics<subcore_parallel>], iteration_bounds = array<i64: 2, 16>, scalar_prefetch = 0 : i64, scratch_operands = 3 : i64, tpu.core_type = #tpu.core_type<sc_vector_subcore>, window_params = [{transform_indices = #map}, {transform_indices = #map1}, {transform_indices = #map1}, {transform_indices = #map}]} {
    %mul3A = arith.constant 2 : i32
    %mul3A_0 = arith.muli %arg1, %mul3A : i32
    %add3A = arith.addi %mul3A_0, %arg0 : i32
    %mul3A_1 = arith.constant 64 : i32
    %mul3A_2 = arith.muli %add3A, %mul3A_1 : i32
    %add3A_3 = arith.constant 0 : i32
    %add3A_4 = arith.addi %mul3A_2, %add3A_3 : i32
    "tpu.region"() ({
      %run_scoped3A = tpu.sem_alloc : memref<!tpu.dma_semaphore, #tpu.memory_space<semaphore_mem>>
      %dma_start3A_118 = tpu.memref_slice %arg3[%add3A_4] : memref<2048xi32, #tpu.memory_space<hbm>> -> memref<16xi32, #tpu.memory_space<hbm>>
      %dma_start3A_119 = tpu.memref_slice %arg3[%add3A_4] : memref<2048xi32, #tpu.memory_space<hbm>> -> memref<16xi32, #tpu.memory_space<hbm>>
      tpu.enqueue_dma source(%dma_start3A_119 : memref<16xi32, #tpu.memory_space<hbm>>) target(%arg6 : memref<16xi32, #tpu.memory_space<vmem>>) target_semaphore(%run_scoped3A : memref<!tpu.dma_semaphore, #tpu.memory_space<semaphore_mem>>)
      %dma_wait3A_120 = tpu.memref_slice %arg3[%add3A_4] : memref<2048xi32, #tpu.memory_space<hbm>> -> memref<16xi32, #tpu.memory_space<hbm>>
      %dma_wait3A_121 = tpu.memref_slice %arg3[%add3A_4] : memref<2048xi32, #tpu.memory_space<hbm>> -> memref<16xi32, #tpu.memory_space<hbm>>
      tpu.wait_dma2 semaphore(%run_scoped3A : memref<!tpu.dma_semaphore, #tpu.memory_space<semaphore_mem>>) src(%dma_wait3A_121 : memref<16xi32, #tpu.memory_space<hbm>>) dst(%arg6 : memref<16xi32, #tpu.memory_space<vmem>>)
      tpu.yield
    }) : () -> ()
    %get3A = arith.constant 0 : index
    %get3A_5 = tpu.vector_load %arg6[%get3A] {strides = array<i32>} : memref<16xi32, #tpu.memory_space<vmem>>, vector<16xi32>,
    %get3A_6 = vector.shape_cast %get3A_5 : vector<16xi32> to vector<16xi32>
    %dma_start3A = arith.constant 0 : i32
    %dma_start3A_7 = arith.constant 0 : i32
    %dma_start3A_8 = tpu.memref_slice %arg2[%dma_start3A, %dma_start3A_7] : memref<6144x1024xf32, #tpu.memory_space<hbm>> -> memref<6144x1024xf32, #tpu.memory_space<hbm>>
    tpu.enqueue_indirect_dma source(%dma_start3A_8 : memref<6144x1024xf32, #tpu.memory_space<hbm>>) target(%arg7 : memref<16x1024xf32, #tpu.memory_space<vmem>>) offsets(%get3A_6 : vector<16xi32>) semaphore(%arg8 : memref<!tpu.dma_semaphore, #tpu.memory_space<semaphore_mem>>)
    %dma_wait3A = arith.constant 0 : i32
    %dma_wait3A_9 = arith.constant 0 : i32
    %dma_wait3A_10 = tpu.memref_slice %arg2[%dma_wait3A, %dma_wait3A_9] : memref<6144x1024xf32, #tpu.memory_space<hbm>> -> memref<6144x1024xf32, #tpu.memory_space<hbm>>
    tpu.wait_indirect_dma semaphore(%arg8 : memref<!tpu.dma_semaphore, #tpu.memory_space<semaphore_mem>>) src(%dma_wait3A_10 : memref<6144x1024xf32, #tpu.memory_space<hbm>>) dst(%arg7 : memref<16x1024xf32, #tpu.memory_space<vmem>>)
    %add3A_11 = arith.constant 0 : i32
    %add3A_12 = arith.addi %add3A_11, %add3A_4 : i32
    "tpu.region"() ({
      %run_scoped3A = tpu.sem_alloc : memref<!tpu.dma_semaphore, #tpu.memory_space<semaphore_mem>>
      %dma_start3A_118 = arith.constant 0 : i32
      %dma_start3A_119 = tpu.memref_slice %arg5[%add3A_12, %dma_start3A_118] : memref<4096x1024xf32, #tpu.memory_space<hbm>> -> memref<16x1024xf32, #tpu.memory_space<hbm>>
      %dma_start3A_120 = arith.constant 0 : i32
      %dma_start3A_121 = tpu.memref_slice %arg5[%add3A_12, %dma_start3A_120] : memref<4096x1024xf32, #tpu.memory_space<hbm>> -> memref<16x1024xf32, #tpu.memory_space<hbm>>
      tpu.enqueue_dma source(%arg7 : memref<16x1024xf32, #tpu.memory_space<vmem>>) target(%dma_start3A_121 : memref<16x1024xf32, #tpu.memory_space<hbm>>) target_semaphore(%run_scoped3A : memref<!tpu.dma_semaphore, #tpu.memory_space<semaphore_mem>>)
      %dma_wait3A_122 = arith.constant 0 : i32
      %dma_wait3A_123 = tpu.memref_slice %arg5[%add3A_12, %dma_wait3A_122] : memref<4096x1024xf32, #tpu.memory_space<hbm>> -> memref<16x1024xf32, #tpu.memory_space<hbm>>
      %dma_wait3A_124 = arith.constant 0 : i32
      %dma_wait3A_125 = tpu.memref_slice %arg5[%add3A_12, %dma_wait3A_124] : memref<4096x1024xf32, #tpu.memory_space<hbm>> -> memref<16x1024xf32, #tpu.memory_space<hbm>>
      tpu.wait_dma2 semaphore(%run_scoped3A : memref<!tpu.dma_semaphore, #tpu.memory_space<semaphore_mem>>) src(%arg7 : memref<16x1024xf32, #tpu.memory_space<vmem>>) dst(%dma_wait3A_125 : memref<16x1024xf32, #tpu.memory_space<hbm>>)
      tpu.yield
    }) : () -> ()
    %mul3A_13 = arith.constant 64 : i32
    %mul3A_14 = arith.muli %add3A, %mul3A_13 : i32
    %add3A_15 = arith.constant 16 : i32
    %add3A_16 = arith.addi %mul3A_14, %add3A_15 : i32
    "tpu.region"() ({
      %run_scoped3A = tpu.sem_alloc : memref<!tpu.dma_semaphore, #tpu.memory_space<semaphore_mem>>
      %dma_start3A_118 = tpu.memref_slice %arg3[%add3A_16] : memref<2048xi32, #tpu.memory_space<hbm>> -> memref<16xi32, #tpu.memory_space<hbm>>
      %dma_start3A_119 = tpu.memref_slice %arg3[%add3A_16] : memref<2048xi32, #tpu.memory_space<hbm>> -> memref<16xi32, #tpu.memory_space<hbm>>
      tpu.enqueue_dma source(%dma_start3A_119 : memref<16xi32, #tpu.memory_space<hbm>>) target(%arg6 : memref<16xi32, #tpu.memory_space<vmem>>) target_semaphore(%run_scoped3A : memref<!tpu.dma_semaphore, #tpu.memory_space<semaphore_mem>>)
      %dma_wait3A_120 = tpu.memref_slice %arg3[%add3A_16] : memref<2048xi32, #tpu.memory_space<hbm>> -> memref<16xi32, #tpu.memory_space<hbm>>
      %dma_wait3A_121 = tpu.memref_slice %arg3[%add3A_16] : memref<2048xi32, #tpu.memory_space<hbm>> -> memref<16xi32, #tpu.memory_space<hbm>>
      tpu.wait_dma2 semaphore(%run_scoped3A : memref<!tpu.dma_semaphore, #tpu.memory_space<semaphore_mem>>) src(%dma_wait3A_121 : memref<16xi32, #tpu.memory_space<hbm>>) dst(%arg6 : memref<16xi32, #tpu.memory_space<vmem>>)
      tpu.yield
    }) : () -> ()
    %get3A_17 = arith.constant 0 : index
    %get3A_18 = tpu.vector_load %arg6[%get3A_17] {strides = array<i32>} : memref<16xi32, #tpu.memory_space<vmem>>, vector<16xi32>,
    %get3A_19 = vector.shape_cast %get3A_18 : vector<16xi32> to vector<16xi32>
    %dma_start3A_20 = arith.constant 0 : i32
    %dma_start3A_21 = arith.constant 0 : i32
    %dma_start3A_22 = tpu.memref_slice %arg2[%dma_start3A_20, %dma_start3A_21] : memref<6144x1024xf32, #tpu.memory_space<hbm>> -> memref<6144x1024xf32, #tpu.memory_space<hbm>>
    tpu.enqueue_indirect_dma source(%dma_start3A_22 : memref<6144x1024xf32, #tpu.memory_space<hbm>>) target(%arg7 : memref<16x1024xf32, #tpu.memory_space<vmem>>) offsets(%get3A_19 : vector<16xi32>) semaphore(%arg8 : memref<!tpu.dma_semaphore, #tpu.memory_space<semaphore_mem>>)
    %dma_wait3A_23 = arith.constant 0 : i32
    %dma_wait3A_24 = arith.constant 0 : i32
    %dma_wait3A_25 = tpu.memref_slice %arg2[%dma_wait3A_23, %dma_wait3A_24] : memref<6144x1024xf32, #tpu.memory_space<hbm>> -> memref<6144x1024xf32, #tpu.memory_space<hbm>>
    tpu.wait_indirect_dma semaphore(%arg8 : memref<!tpu.dma_semaphore, #tpu.memory_space<semaphore_mem>>) src(%dma_wait3A_25 : memref<6144x1024xf32, #tpu.memory_space<hbm>>) dst(%arg7 : memref<16x1024xf32, #tpu.memory_space<vmem>>)
    %add3A_26 = arith.constant 0 : i32
    %add3A_27 = arith.addi %add3A_26, %add3A_16 : i32
    "tpu.region"() ({
      %run_scoped3A = tpu.sem_alloc : memref<!tpu.dma_semaphore, #tpu.memory_space<semaphore_mem>>
      %dma_start3A_118 = arith.constant 0 : i32
      %dma_start3A_119 = tpu.memref_slice %arg5[%add3A_27, %dma_start3A_118] : memref<4096x1024xf32, #tpu.memory_space<hbm>> -> memref<16x1024xf32, #tpu.memory_space<hbm>>
      %dma_start3A_120 = arith.constant 0 : i32
      %dma_start3A_121 = tpu.memref_slice %arg5[%add3A_27, %dma_start3A_120] : memref<4096x1024xf32, #tpu.memory_space<hbm>> -> memref<16x1024xf32, #tpu.memory_space<hbm>>
      tpu.enqueue_dma source(%arg7 : memref<16x1024xf32, #tpu.memory_space<vmem>>) target(%dma_start3A_121 : memref<16x1024xf32, #tpu.memory_space<hbm>>) target_semaphore(%run_scoped3A : memref<!tpu.dma_semaphore, #tpu.memory_space<semaphore_mem>>)
      %dma_wait3A_122 = arith.constant 0 : i32
      %dma_wait3A_123 = tpu.memref_slice %arg5[%add3A_27, %dma_wait3A_122] : memref<4096x1024xf32, #tpu.memory_space<hbm>> -> memref<16x1024xf32, #tpu.memory_space<hbm>>
      %dma_wait3A_124 = arith.constant 0 : i32
      %dma_wait3A_125 = tpu.memref_slice %arg5[%add3A_27, %dma_wait3A_124] : memref<4096x1024xf32, #tpu.memory_space<hbm>> -> memref<16x1024xf32, #tpu.memory_space<hbm>>
      tpu.wait_dma2 semaphore(%run_scoped3A : memref<!tpu.dma_semaphore, #tpu.memory_space<semaphore_mem>>) src(%arg7 : memref<16x1024xf32, #tpu.memory_space<vmem>>) dst(%dma_wait3A_125 : memref<16x1024xf32, #tpu.memory_space<hbm>>)
      tpu.yield
    }) : () -> ()
    %mul3A_28 = arith.constant 64 : i32
    %mul3A_29 = arith.muli %add3A, %mul3A_28 : i32
    %add3A_30 = arith.constant 32 : i32
    %add3A_31 = arith.addi %mul3A_29, %add3A_30 : i32
    "tpu.region"() ({
      %run_scoped3A = tpu.sem_alloc : memref<!tpu.dma_semaphore, #tpu.memory_space<semaphore_mem>>
      %dma_start3A_118 = tpu.memref_slice %arg3[%add3A_31] : memref<2048xi32, #tpu.memory_space<hbm>> -> memref<16xi32, #tpu.memory_space<hbm>>
      %dma_start3A_119 = tpu.memref_slice %arg3[%add3A_31] : memref<2048xi32, #tpu.memory_space<hbm>> -> memref<16xi32, #tpu.memory_space<hbm>>
      tpu.enqueue_dma source(%dma_start3A_119 : memref<16xi32, #tpu.memory_space<hbm>>) target(%arg6 : memref<16xi32, #tpu.memory_space<vmem>>) target_semaphore(%run_scoped3A : memref<!tpu.dma_semaphore, #tpu.memory_space<semaphore_mem>>)
      %dma_wait3A_120 = tpu.memref_slice %arg3[%add3A_31] : memref<2048xi32, #tpu.memory_space<hbm>> -> memref<16xi32, #tpu.memory_space<hbm>>
      %dma_wait3A_121 = tpu.memref_slice %arg3[%add3A_31] : memref<2048xi32, #tpu.memory_space<hbm>> -> memref<16xi32, #tpu.memory_space<hbm>>
      tpu.wait_dma2 semaphore(%run_scoped3A : memref<!tpu.dma_semaphore, #tpu.memory_space<semaphore_mem>>) src(%dma_wait3A_121 : memref<16xi32, #tpu.memory_space<hbm>>) dst(%arg6 : memref<16xi32, #tpu.memory_space<vmem>>)
      tpu.yield
    }) : () -> ()
    %get3A_32 = arith.constant 0 : index
    %get3A_33 = tpu.vector_load %arg6[%get3A_32] {strides = array<i32>} : memref<16xi32, #tpu.memory_space<vmem>>, vector<16xi32>,
    %get3A_34 = vector.shape_cast %get3A_33 : vector<16xi32> to vector<16xi32>
    %dma_start3A_35 = arith.constant 0 : i32
    %dma_start3A_36 = arith.constant 0 : i32
    %dma_start3A_37 = tpu.memref_slice %arg2[%dma_start3A_35, %dma_start3A_36] : memref<6144x1024xf32, #tpu.memory_space<hbm>> -> memref<6144x1024xf32, #tpu.memory_space<hbm>>
    tpu.enqueue_indirect_dma source(%dma_start3A_37 : memref<6144x1024xf32, #tpu.memory_space<hbm>>) target(%arg7 : memref<16x1024xf32, #tpu.memory_space<vmem>>) offsets(%get3A_34 : vector<16xi32>) semaphore(%arg8 : memref<!tpu.dma_semaphore, #tpu.memory_space<semaphore_mem>>)
    %dma_wait3A_38 = arith.constant 0 : i32
    %dma_wait3A_39 = arith.constant 0 : i32
    %dma_wait3A_40 = tpu.memref_slice %arg2[%dma_wait3A_38, %dma_wait3A_39] : memref<6144x1024xf32, #tpu.memory_space<hbm>> -> memref<6144x1024xf32, #tpu.memory_space<hbm>>
    tpu.wait_indirect_dma semaphore(%arg8 : memref<!tpu.dma_semaphore, #tpu.memory_space<semaphore_mem>>) src(%dma_wait3A_40 : memref<6144x1024xf32, #tpu.memory_space<hbm>>) dst(%arg7 : memref<16x1024xf32, #tpu.memory_space<vmem>>)
    %add3A_41 = arith.constant 0 : i32
    %add3A_42 = arith.addi %add3A_41, %add3A_31 : i32
    "tpu.region"() ({
      %run_scoped3A = tpu.sem_alloc : memref<!tpu.dma_semaphore, #tpu.memory_space<semaphore_mem>>
      %dma_start3A_118 = arith.constant 0 : i32
      %dma_start3A_119 = tpu.memref_slice %arg5[%add3A_42, %dma_start3A_118] : memref<4096x1024xf32, #tpu.memory_space<hbm>> -> memref<16x1024xf32, #tpu.memory_space<hbm>>
      %dma_start3A_120 = arith.constant 0 : i32
      %dma_start3A_121 = tpu.memref_slice %arg5[%add3A_42, %dma_start3A_120] : memref<4096x1024xf32, #tpu.memory_space<hbm>> -> memref<16x1024xf32, #tpu.memory_space<hbm>>
      tpu.enqueue_dma source(%arg7 : memref<16x1024xf32, #tpu.memory_space<vmem>>) target(%dma_start3A_121 : memref<16x1024xf32, #tpu.memory_space<hbm>>) target_semaphore(%run_scoped3A : memref<!tpu.dma_semaphore, #tpu.memory_space<semaphore_mem>>)
      %dma_wait3A_122 = arith.constant 0 : i32
      %dma_wait3A_123 = tpu.memref_slice %arg5[%add3A_42, %dma_wait3A_122] : memref<4096x1024xf32, #tpu.memory_space<hbm>> -> memref<16x1024xf32, #tpu.memory_space<hbm>>
      %dma_wait3A_124 = arith.constant 0 : i32
      %dma_wait3A_125 = tpu.memref_slice %arg5[%add3A_42, %dma_wait3A_124] : memref<4096x1024xf32, #tpu.memory_space<hbm>> -> memref<16x1024xf32, #tpu.memory_space<hbm>>
      tpu.wait_dma2 semaphore(%run_scoped3A : memref<!tpu.dma_semaphore, #tpu.memory_space<semaphore_mem>>) src(%arg7 : memref<16x1024xf32, #tpu.memory_space<vmem>>) dst(%dma_wait3A_125 : memref<16x1024xf32, #tpu.memory_space<hbm>>)
      tpu.yield
    }) : () -> ()
    %mul3A_43 = arith.constant 64 : i32
    %mul3A_44 = arith.muli %add3A, %mul3A_43 : i32
    %add3A_45 = arith.constant 48 : i32
    %add3A_46 = arith.addi %mul3A_44, %add3A_45 : i32
    "tpu.region"() ({
      %run_scoped3A = tpu.sem_alloc : memref<!tpu.dma_semaphore, #tpu.memory_space<semaphore_mem>>
      %dma_start3A_118 = tpu.memref_slice %arg3[%add3A_46] : memref<2048xi32, #tpu.memory_space<hbm>> -> memref<16xi32, #tpu.memory_space<hbm>>
      %dma_start3A_119 = tpu.memref_slice %arg3[%add3A_46] : memref<2048xi32, #tpu.memory_space<hbm>> -> memref<16xi32, #tpu.memory_space<hbm>>
      tpu.enqueue_dma source(%dma_start3A_119 : memref<16xi32, #tpu.memory_space<hbm>>) target(%arg6 : memref<16xi32, #tpu.memory_space<vmem>>) target_semaphore(%run_scoped3A : memref<!tpu.dma_semaphore, #tpu.memory_space<semaphore_mem>>)
      %dma_wait3A_120 = tpu.memref_slice %arg3[%add3A_46] : memref<2048xi32, #tpu.memory_space<hbm>> -> memref<16xi32, #tpu.memory_space<hbm>>
      %dma_wait3A_121 = tpu.memref_slice %arg3[%add3A_46] : memref<2048xi32, #tpu.memory_space<hbm>> -> memref<16xi32, #tpu.memory_space<hbm>>
      tpu.wait_dma2 semaphore(%run_scoped3A : memref<!tpu.dma_semaphore, #tpu.memory_space<semaphore_mem>>) src(%dma_wait3A_121 : memref<16xi32, #tpu.memory_space<hbm>>) dst(%arg6 : memref<16xi32, #tpu.memory_space<vmem>>)
      tpu.yield
    }) : () -> ()
    %get3A_47 = arith.constant 0 : index
    %get3A_48 = tpu.vector_load %arg6[%get3A_47] {strides = array<i32>} : memref<16xi32, #tpu.memory_space<vmem>>, vector<16xi32>,
    %get3A_49 = vector.shape_cast %get3A_48 : vector<16xi32> to vector<16xi32>
    %dma_start3A_50 = arith.constant 0 : i32
    %dma_start3A_51 = arith.constant 0 : i32
    %dma_start3A_52 = tpu.memref_slice %arg2[%dma_start3A_50, %dma_start3A_51] : memref<6144x1024xf32, #tpu.memory_space<hbm>> -> memref<6144x1024xf32, #tpu.memory_space<hbm>>
    tpu.enqueue_indirect_dma source(%dma_start3A_52 : memref<6144x1024xf32, #tpu.memory_space<hbm>>) target(%arg7 : memref<16x1024xf32, #tpu.memory_space<vmem>>) offsets(%get3A_49 : vector<16xi32>) semaphore(%arg8 : memref<!tpu.dma_semaphore, #tpu.memory_space<semaphore_mem>>)
    %dma_wait3A_53 = arith.constant 0 : i32
    %dma_wait3A_54 = arith.constant 0 : i32
    %dma_wait3A_55 = tpu.memref_slice %arg2[%dma_wait3A_53, %dma_wait3A_54] : memref<6144x1024xf32, #tpu.memory_space<hbm>> -> memref<6144x1024xf32, #tpu.memory_space<hbm>>
    tpu.wait_indirect_dma semaphore(%arg8 : memref<!tpu.dma_semaphore, #tpu.memory_space<semaphore_mem>>) src(%dma_wait3A_55 : memref<6144x1024xf32, #tpu.memory_space<hbm>>) dst(%arg7 : memref<16x1024xf32, #tpu.memory_space<vmem>>)
    %add3A_56 = arith.constant 0 : i32
    %add3A_57 = arith.addi %add3A_56, %add3A_46 : i32
    "tpu.region"() ({
      %run_scoped3A = tpu.sem_alloc : memref<!tpu.dma_semaphore, #tpu.memory_space<semaphore_mem>>
      %dma_start3A_118 = arith.constant 0 : i32
      %dma_start3A_119 = tpu.memref_slice %arg5[%add3A_57, %dma_start3A_118] : memref<4096x1024xf32, #tpu.memory_space<hbm>> -> memref<16x1024xf32, #tpu.memory_space<hbm>>
      %dma_start3A_120 = arith.constant 0 : i32
      %dma_start3A_121 = tpu.memref_slice %arg5[%add3A_57, %dma_start3A_120] : memref<4096x1024xf32, #tpu.memory_space<hbm>> -> memref<16x1024xf32, #tpu.memory_space<hbm>>
      tpu.enqueue_dma source(%arg7 : memref<16x1024xf32, #tpu.memory_space<vmem>>) target(%dma_start3A_121 : memref<16x1024xf32, #tpu.memory_space<hbm>>) target_semaphore(%run_scoped3A : memref<!tpu.dma_semaphore, #tpu.memory_space<semaphore_mem>>)
      %dma_wait3A_122 = arith.constant 0 : i32
      %dma_wait3A_123 = tpu.memref_slice %arg5[%add3A_57, %dma_wait3A_122] : memref<4096x1024xf32, #tpu.memory_space<hbm>> -> memref<16x1024xf32, #tpu.memory_space<hbm>>
      %dma_wait3A_124 = arith.constant 0 : i32
      %dma_wait3A_125 = tpu.memref_slice %arg5[%add3A_57, %dma_wait3A_124] : memref<4096x1024xf32, #tpu.memory_space<hbm>> -> memref<16x1024xf32, #tpu.memory_space<hbm>>
      tpu.wait_dma2 semaphore(%run_scoped3A : memref<!tpu.dma_semaphore, #tpu.memory_space<semaphore_mem>>) src(%arg7 : memref<16x1024xf32, #tpu.memory_space<vmem>>) dst(%dma_wait3A_125 : memref<16x1024xf32, #tpu.memory_space<hbm>>)
      tpu.yield
    }) : () -> ()
    %mul3A_58 = arith.constant 64 : i32
    %mul3A_59 = arith.muli %add3A, %mul3A_58 : i32
    %add3A_60 = arith.constant 0 : i32
    %add3A_61 = arith.addi %mul3A_59, %add3A_60 : i32
    "tpu.region"() ({
      %run_scoped3A = tpu.sem_alloc : memref<!tpu.dma_semaphore, #tpu.memory_space<semaphore_mem>>
      %dma_start3A_118 = tpu.memref_slice %arg4[%add3A_61] : memref<2048xi32, #tpu.memory_space<hbm>> -> memref<16xi32, #tpu.memory_space<hbm>>
      %dma_start3A_119 = tpu.memref_slice %arg4[%add3A_61] : memref<2048xi32, #tpu.memory_space<hbm>> -> memref<16xi32, #tpu.memory_space<hbm>>
      tpu.enqueue_dma source(%dma_start3A_119 : memref<16xi32, #tpu.memory_space<hbm>>) target(%arg6 : memref<16xi32, #tpu.memory_space<vmem>>) target_semaphore(%run_scoped3A : memref<!tpu.dma_semaphore, #tpu.memory_space<semaphore_mem>>)
      %dma_wait3A_120 = tpu.memref_slice %arg4[%add3A_61] : memref<2048xi32, #tpu.memory_space<hbm>> -> memref<16xi32, #tpu.memory_space<hbm>>
      %dma_wait3A_121 = tpu.memref_slice %arg4[%add3A_61] : memref<2048xi32, #tpu.memory_space<hbm>> -> memref<16xi32, #tpu.memory_space<hbm>>
      tpu.wait_dma2 semaphore(%run_scoped3A : memref<!tpu.dma_semaphore, #tpu.memory_space<semaphore_mem>>) src(%dma_wait3A_121 : memref<16xi32, #tpu.memory_space<hbm>>) dst(%arg6 : memref<16xi32, #tpu.memory_space<vmem>>)
      tpu.yield
    }) : () -> ()
    %get3A_62 = arith.constant 0 : index
    %get3A_63 = tpu.vector_load %arg6[%get3A_62] {strides = array<i32>} : memref<16xi32, #tpu.memory_space<vmem>>, vector<16xi32>,
    %get3A_64 = vector.shape_cast %get3A_63 : vector<16xi32> to vector<16xi32>
    %dma_start3A_65 = arith.constant 0 : i32
    %dma_start3A_66 = arith.constant 0 : i32
    %dma_start3A_67 = tpu.memref_slice %arg2[%dma_start3A_65, %dma_start3A_66] : memref<6144x1024xf32, #tpu.memory_space<hbm>> -> memref<6144x1024xf32, #tpu.memory_space<hbm>>
    tpu.enqueue_indirect_dma source(%dma_start3A_67 : memref<6144x1024xf32, #tpu.memory_space<hbm>>) target(%arg7 : memref<16x1024xf32, #tpu.memory_space<vmem>>) offsets(%get3A_64 : vector<16xi32>) semaphore(%arg8 : memref<!tpu.dma_semaphore, #tpu.memory_space<semaphore_mem>>)
    %dma_wait3A_68 = arith.constant 0 : i32
    %dma_wait3A_69 = arith.constant 0 : i32
    %dma_wait3A_70 = tpu.memref_slice %arg2[%dma_wait3A_68, %dma_wait3A_69] : memref<6144x1024xf32, #tpu.memory_space<hbm>> -> memref<6144x1024xf32, #tpu.memory_space<hbm>>
    tpu.wait_indirect_dma semaphore(%arg8 : memref<!tpu.dma_semaphore, #tpu.memory_space<semaphore_mem>>) src(%dma_wait3A_70 : memref<6144x1024xf32, #tpu.memory_space<hbm>>) dst(%arg7 : memref<16x1024xf32, #tpu.memory_space<vmem>>)
    %add3A_71 = arith.constant 2048 : i32
    %add3A_72 = arith.addi %add3A_71, %add3A_61 : i32
    "tpu.region"() ({
      %run_scoped3A = tpu.sem_alloc : memref<!tpu.dma_semaphore, #tpu.memory_space<semaphore_mem>>
      %dma_start3A_118 = arith.constant 0 : i32
      %dma_start3A_119 = tpu.memref_slice %arg5[%add3A_72, %dma_start3A_118] : memref<4096x1024xf32, #tpu.memory_space<hbm>> -> memref<16x1024xf32, #tpu.memory_space<hbm>>
      %dma_start3A_120 = arith.constant 0 : i32
      %dma_start3A_121 = tpu.memref_slice %arg5[%add3A_72, %dma_start3A_120] : memref<4096x1024xf32, #tpu.memory_space<hbm>> -> memref<16x1024xf32, #tpu.memory_space<hbm>>
      tpu.enqueue_dma source(%arg7 : memref<16x1024xf32, #tpu.memory_space<vmem>>) target(%dma_start3A_121 : memref<16x1024xf32, #tpu.memory_space<hbm>>) target_semaphore(%run_scoped3A : memref<!tpu.dma_semaphore, #tpu.memory_space<semaphore_mem>>)
      %dma_wait3A_122 = arith.constant 0 : i32
      %dma_wait3A_123 = tpu.memref_slice %arg5[%add3A_72, %dma_wait3A_122] : memref<4096x1024xf32, #tpu.memory_space<hbm>> -> memref<16x1024xf32, #tpu.memory_space<hbm>>
      %dma_wait3A_124 = arith.constant 0 : i32
      %dma_wait3A_125 = tpu.memref_slice %arg5[%add3A_72, %dma_wait3A_124] : memref<4096x1024xf32, #tpu.memory_space<hbm>> -> memref<16x1024xf32, #tpu.memory_space<hbm>>
      tpu.wait_dma2 semaphore(%run_scoped3A : memref<!tpu.dma_semaphore, #tpu.memory_space<semaphore_mem>>) src(%arg7 : memref<16x1024xf32, #tpu.memory_space<vmem>>) dst(%dma_wait3A_125 : memref<16x1024xf32, #tpu.memory_space<hbm>>)
      tpu.yield
    }) : () -> ()
    %mul3A_73 = arith.constant 64 : i32
    %mul3A_74 = arith.muli %add3A, %mul3A_73 : i32
    %add3A_75 = arith.constant 16 : i32
    %add3A_76 = arith.addi %mul3A_74, %add3A_75 : i32
    "tpu.region"() ({
      %run_scoped3A = tpu.sem_alloc : memref<!tpu.dma_semaphore, #tpu.memory_space<semaphore_mem>>
      %dma_start3A_118 = tpu.memref_slice %arg4[%add3A_76] : memref<2048xi32, #tpu.memory_space<hbm>> -> memref<16xi32, #tpu.memory_space<hbm>>
      %dma_start3A_119 = tpu.memref_slice %arg4[%add3A_76] : memref<2048xi32, #tpu.memory_space<hbm>> -> memref<16xi32, #tpu.memory_space<hbm>>
      tpu.enqueue_dma source(%dma_start3A_119 : memref<16xi32, #tpu.memory_space<hbm>>) target(%arg6 : memref<16xi32, #tpu.memory_space<vmem>>) target_semaphore(%run_scoped3A : memref<!tpu.dma_semaphore, #tpu.memory_space<semaphore_mem>>)
      %dma_wait3A_120 = tpu.memref_slice %arg4[%add3A_76] : memref<2048xi32, #tpu.memory_space<hbm>> -> memref<16xi32, #tpu.memory_space<hbm>>
      %dma_wait3A_121 = tpu.memref_slice %arg4[%add3A_76] : memref<2048xi32, #tpu.memory_space<hbm>> -> memref<16xi32, #tpu.memory_space<hbm>>
      tpu.wait_dma2 semaphore(%run_scoped3A : memref<!tpu.dma_semaphore, #tpu.memory_space<semaphore_mem>>) src(%dma_wait3A_121 : memref<16xi32, #tpu.memory_space<hbm>>) dst(%arg6 : memref<16xi32, #tpu.memory_space<vmem>>)
      tpu.yield
    }) : () -> ()
    %get3A_77 = arith.constant 0 : index
    %get3A_78 = tpu.vector_load %arg6[%get3A_77] {strides = array<i32>} : memref<16xi32, #tpu.memory_space<vmem>>, vector<16xi32>,
    %get3A_79 = vector.shape_cast %get3A_78 : vector<16xi32> to vector<16xi32>
    %dma_start3A_80 = arith.constant 0 : i32
    %dma_start3A_81 = arith.constant 0 : i32
    %dma_start3A_82 = tpu.memref_slice %arg2[%dma_start3A_80, %dma_start3A_81] : memref<6144x1024xf32, #tpu.memory_space<hbm>> -> memref<6144x1024xf32, #tpu.memory_space<hbm>>
    tpu.enqueue_indirect_dma source(%dma_start3A_82 : memref<6144x1024xf32, #tpu.memory_space<hbm>>) target(%arg7 : memref<16x1024xf32, #tpu.memory_space<vmem>>) offsets(%get3A_79 : vector<16xi32>) semaphore(%arg8 : memref<!tpu.dma_semaphore, #tpu.memory_space<semaphore_mem>>)
    %dma_wait3A_83 = arith.constant 0 : i32
    %dma_wait3A_84 = arith.constant 0 : i32
    %dma_wait3A_85 = tpu.memref_slice %arg2[%dma_wait3A_83, %dma_wait3A_84] : memref<6144x1024xf32, #tpu.memory_space<hbm>> -> memref<6144x1024xf32, #tpu.memory_space<hbm>>
    tpu.wait_indirect_dma semaphore(%arg8 : memref<!tpu.dma_semaphore, #tpu.memory_space<semaphore_mem>>) src(%dma_wait3A_85 : memref<6144x1024xf32, #tpu.memory_space<hbm>>) dst(%arg7 : memref<16x1024xf32, #tpu.memory_space<vmem>>)
    %add3A_86 = arith.constant 2048 : i32
    %add3A_87 = arith.addi %add3A_86, %add3A_76 : i32
    "tpu.region"() ({
      %run_scoped3A = tpu.sem_alloc : memref<!tpu.dma_semaphore, #tpu.memory_space<semaphore_mem>>
      %dma_start3A_118 = arith.constant 0 : i32
      %dma_start3A_119 = tpu.memref_slice %arg5[%add3A_87, %dma_start3A_118] : memref<4096x1024xf32, #tpu.memory_space<hbm>> -> memref<16x1024xf32, #tpu.memory_space<hbm>>
      %dma_start3A_120 = arith.constant 0 : i32
      %dma_start3A_121 = tpu.memref_slice %arg5[%add3A_87, %dma_start3A_120] : memref<4096x1024xf32, #tpu.memory_space<hbm>> -> memref<16x1024xf32, #tpu.memory_space<hbm>>
      tpu.enqueue_dma source(%arg7 : memref<16x1024xf32, #tpu.memory_space<vmem>>) target(%dma_start3A_121 : memref<16x1024xf32, #tpu.memory_space<hbm>>) target_semaphore(%run_scoped3A : memref<!tpu.dma_semaphore, #tpu.memory_space<semaphore_mem>>)
      %dma_wait3A_122 = arith.constant 0 : i32
      %dma_wait3A_123 = tpu.memref_slice %arg5[%add3A_87, %dma_wait3A_122] : memref<4096x1024xf32, #tpu.memory_space<hbm>> -> memref<16x1024xf32, #tpu.memory_space<hbm>>
      %dma_wait3A_124 = arith.constant 0 : i32
      %dma_wait3A_125 = tpu.memref_slice %arg5[%add3A_87, %dma_wait3A_124] : memref<4096x1024xf32, #tpu.memory_space<hbm>> -> memref<16x1024xf32, #tpu.memory_space<hbm>>
      tpu.wait_dma2 semaphore(%run_scoped3A : memref<!tpu.dma_semaphore, #tpu.memory_space<semaphore_mem>>) src(%arg7 : memref<16x1024xf32, #tpu.memory_space<vmem>>) dst(%dma_wait3A_125 : memref<16x1024xf32, #tpu.memory_space<hbm>>)
      tpu.yield
    }) : () -> ()
    %mul3A_88 = arith.constant 64 : i32
    %mul3A_89 = arith.muli %add3A, %mul3A_88 : i32
    %add3A_90 = arith.constant 32 : i32
    %add3A_91 = arith.addi %mul3A_89, %add3A_90 : i32
    "tpu.region"() ({
      %run_scoped3A = tpu.sem_alloc : memref<!tpu.dma_semaphore, #tpu.memory_space<semaphore_mem>>
      %dma_start3A_118 = tpu.memref_slice %arg4[%add3A_91] : memref<2048xi32, #tpu.memory_space<hbm>> -> memref<16xi32, #tpu.memory_space<hbm>>
      %dma_start3A_119 = tpu.memref_slice %arg4[%add3A_91] : memref<2048xi32, #tpu.memory_space<hbm>> -> memref<16xi32, #tpu.memory_space<hbm>>
      tpu.enqueue_dma source(%dma_start3A_119 : memref<16xi32, #tpu.memory_space<hbm>>) target(%arg6 : memref<16xi32, #tpu.memory_space<vmem>>) target_semaphore(%run_scoped3A : memref<!tpu.dma_semaphore, #tpu.memory_space<semaphore_mem>>)
      %dma_wait3A_120 = tpu.memref_slice %arg4[%add3A_91] : memref<2048xi32, #tpu.memory_space<hbm>> -> memref<16xi32, #tpu.memory_space<hbm>>
      %dma_wait3A_121 = tpu.memref_slice %arg4[%add3A_91] : memref<2048xi32, #tpu.memory_space<hbm>> -> memref<16xi32, #tpu.memory_space<hbm>>
      tpu.wait_dma2 semaphore(%run_scoped3A : memref<!tpu.dma_semaphore, #tpu.memory_space<semaphore_mem>>) src(%dma_wait3A_121 : memref<16xi32, #tpu.memory_space<hbm>>) dst(%arg6 : memref<16xi32, #tpu.memory_space<vmem>>)
      tpu.yield
    }) : () -> ()
    %get3A_92 = arith.constant 0 : index
    %get3A_93 = tpu.vector_load %arg6[%get3A_92] {strides = array<i32>} : memref<16xi32, #tpu.memory_space<vmem>>, vector<16xi32>,
    %get3A_94 = vector.shape_cast %get3A_93 : vector<16xi32> to vector<16xi32>
    %dma_start3A_95 = arith.constant 0 : i32
    %dma_start3A_96 = arith.constant 0 : i32
    %dma_start3A_97 = tpu.memref_slice %arg2[%dma_start3A_95, %dma_start3A_96] : memref<6144x1024xf32, #tpu.memory_space<hbm>> -> memref<6144x1024xf32, #tpu.memory_space<hbm>>
    tpu.enqueue_indirect_dma source(%dma_start3A_97 : memref<6144x1024xf32, #tpu.memory_space<hbm>>) target(%arg7 : memref<16x1024xf32, #tpu.memory_space<vmem>>) offsets(%get3A_94 : vector<16xi32>) semaphore(%arg8 : memref<!tpu.dma_semaphore, #tpu.memory_space<semaphore_mem>>)
    %dma_wait3A_98 = arith.constant 0 : i32
    %dma_wait3A_99 = arith.constant 0 : i32
    %dma_wait3A_100 = tpu.memref_slice %arg2[%dma_wait3A_98, %dma_wait3A_99] : memref<6144x1024xf32, #tpu.memory_space<hbm>> -> memref<6144x1024xf32, #tpu.memory_space<hbm>>
    tpu.wait_indirect_dma semaphore(%arg8 : memref<!tpu.dma_semaphore, #tpu.memory_space<semaphore_mem>>) src(%dma_wait3A_100 : memref<6144x1024xf32, #tpu.memory_space<hbm>>) dst(%arg7 : memref<16x1024xf32, #tpu.memory_space<vmem>>)
    %add3A_101 = arith.constant 2048 : i32
    %add3A_102 = arith.addi %add3A_101, %add3A_91 : i32
    "tpu.region"() ({
      %run_scoped3A = tpu.sem_alloc : memref<!tpu.dma_semaphore, #tpu.memory_space<semaphore_mem>>
      %dma_start3A_118 = arith.constant 0 : i32
      %dma_start3A_119 = tpu.memref_slice %arg5[%add3A_102, %dma_start3A_118] : memref<4096x1024xf32, #tpu.memory_space<hbm>> -> memref<16x1024xf32, #tpu.memory_space<hbm>>
      %dma_start3A_120 = arith.constant 0 : i32
      %dma_start3A_121 = tpu.memref_slice %arg5[%add3A_102, %dma_start3A_120] : memref<4096x1024xf32, #tpu.memory_space<hbm>> -> memref<16x1024xf32, #tpu.memory_space<hbm>>
      tpu.enqueue_dma source(%arg7 : memref<16x1024xf32, #tpu.memory_space<vmem>>) target(%dma_start3A_121 : memref<16x1024xf32, #tpu.memory_space<hbm>>) target_semaphore(%run_scoped3A : memref<!tpu.dma_semaphore, #tpu.memory_space<semaphore_mem>>)
      %dma_wait3A_122 = arith.constant 0 : i32
      %dma_wait3A_123 = tpu.memref_slice %arg5[%add3A_102, %dma_wait3A_122] : memref<4096x1024xf32, #tpu.memory_space<hbm>> -> memref<16x1024xf32, #tpu.memory_space<hbm>>
      %dma_wait3A_124 = arith.constant 0 : i32
      %dma_wait3A_125 = tpu.memref_slice %arg5[%add3A_102, %dma_wait3A_124] : memref<4096x1024xf32, #tpu.memory_space<hbm>> -> memref<16x1024xf32, #tpu.memory_space<hbm>>
      tpu.wait_dma2 semaphore(%run_scoped3A : memref<!tpu.dma_semaphore, #tpu.memory_space<semaphore_mem>>) src(%arg7 : memref<16x1024xf32, #tpu.memory_space<vmem>>) dst(%dma_wait3A_125 : memref<16x1024xf32, #tpu.memory_space<hbm>>)
      tpu.yield
    }) : () -> ()
    %mul3A_103 = arith.constant 64 : i32
    %mul3A_104 = arith.muli %add3A, %mul3A_103 : i32
    %add3A_105 = arith.constant 48 : i32
    %add3A_106 = arith.addi %mul3A_104, %add3A_105 : i32
    "tpu.region"() ({
      %run_scoped3A = tpu.sem_alloc : memref<!tpu.dma_semaphore, #tpu.memory_space<semaphore_mem>>
      %dma_start3A_118 = tpu.memref_slice %arg4[%add3A_106] : memref<2048xi32, #tpu.memory_space<hbm>> -> memref<16xi32, #tpu.memory_space<hbm>>
      %dma_start3A_119 = tpu.memref_slice %arg4[%add3A_106] : memref<2048xi32, #tpu.memory_space<hbm>> -> memref<16xi32, #tpu.memory_space<hbm>>
      tpu.enqueue_dma source(%dma_start3A_119 : memref<16xi32, #tpu.memory_space<hbm>>) target(%arg6 : memref<16xi32, #tpu.memory_space<vmem>>) target_semaphore(%run_scoped3A : memref<!tpu.dma_semaphore, #tpu.memory_space<semaphore_mem>>)
      %dma_wait3A_120 = tpu.memref_slice %arg4[%add3A_106] : memref<2048xi32, #tpu.memory_space<hbm>> -> memref<16xi32, #tpu.memory_space<hbm>>
      %dma_wait3A_121 = tpu.memref_slice %arg4[%add3A_106] : memref<2048xi32, #tpu.memory_space<hbm>> -> memref<16xi32, #tpu.memory_space<hbm>>
      tpu.wait_dma2 semaphore(%run_scoped3A : memref<!tpu.dma_semaphore, #tpu.memory_space<semaphore_mem>>) src(%dma_wait3A_121 : memref<16xi32, #tpu.memory_space<hbm>>) dst(%arg6 : memref<16xi32, #tpu.memory_space<vmem>>)
      tpu.yield
    }) : () -> ()
    %get3A_107 = arith.constant 0 : index
    %get3A_108 = tpu.vector_load %arg6[%get3A_107] {strides = array<i32>} : memref<16xi32, #tpu.memory_space<vmem>>, vector<16xi32>,
    %get3A_109 = vector.shape_cast %get3A_108 : vector<16xi32> to vector<16xi32>
    %dma_start3A_110 = arith.constant 0 : i32
    %dma_start3A_111 = arith.constant 0 : i32
    %dma_start3A_112 = tpu.memref_slice %arg2[%dma_start3A_110, %dma_start3A_111] : memref<6144x1024xf32, #tpu.memory_space<hbm>> -> memref<6144x1024xf32, #tpu.memory_space<hbm>>
    tpu.enqueue_indirect_dma source(%dma_start3A_112 : memref<6144x1024xf32, #tpu.memory_space<hbm>>) target(%arg7 : memref<16x1024xf32, #tpu.memory_space<vmem>>) offsets(%get3A_109 : vector<16xi32>) semaphore(%arg8 : memref<!tpu.dma_semaphore, #tpu.memory_space<semaphore_mem>>)
    %dma_wait3A_113 = arith.constant 0 : i32
    %dma_wait3A_114 = arith.constant 0 : i32
    %dma_wait3A_115 = tpu.memref_slice %arg2[%dma_wait3A_113, %dma_wait3A_114] : memref<6144x1024xf32, #tpu.memory_space<hbm>> -> memref<6144x1024xf32, #tpu.memory_space<hbm>>
    tpu.wait_indirect_dma semaphore(%arg8 : memref<!tpu.dma_semaphore, #tpu.memory_space<semaphore_mem>>) src(%dma_wait3A_115 : memref<6144x1024xf32, #tpu.memory_space<hbm>>) dst(%arg7 : memref<16x1024xf32, #tpu.memory_space<vmem>>)
    %add3A_116 = arith.constant 2048 : i32
    %add3A_117 = arith.addi %add3A_116, %add3A_106 : i32
    "tpu.region"() ({
      %run_scoped3A = tpu.sem_alloc : memref<!tpu.dma_semaphore, #tpu.memory_space<semaphore_mem>>
      %dma_start3A_118 = arith.constant 0 : i32
      %dma_start3A_119 = tpu.memref_slice %arg5[%add3A_117, %dma_start3A_118] : memref<4096x1024xf32, #tpu.memory_space<hbm>> -> memref<16x1024xf32, #tpu.memory_space<hbm>>
      %dma_start3A_120 = arith.constant 0 : i32
      %dma_start3A_121 = tpu.memref_slice %arg5[%add3A_117, %dma_start3A_120] : memref<4096x1024xf32, #tpu.memory_space<hbm>> -> memref<16x1024xf32, #tpu.memory_space<hbm>>
      tpu.enqueue_dma source(%arg7 : memref<16x1024xf32, #tpu.memory_space<vmem>>) target(%dma_start3A_121 : memref<16x1024xf32, #tpu.memory_space<hbm>>) target_semaphore(%run_scoped3A : memref<!tpu.dma_semaphore, #tpu.memory_space<semaphore_mem>>)
      %dma_wait3A_122 = arith.constant 0 : i32
      %dma_wait3A_123 = tpu.memref_slice %arg5[%add3A_117, %dma_wait3A_122] : memref<4096x1024xf32, #tpu.memory_space<hbm>> -> memref<16x1024xf32, #tpu.memory_space<hbm>>
      %dma_wait3A_124 = arith.constant 0 : i32
      %dma_wait3A_125 = tpu.memref_slice %arg5[%add3A_117, %dma_wait3A_124] : memref<4096x1024xf32, #tpu.memory_space<hbm>> -> memref<16x1024xf32, #tpu.memory_space<hbm>>
      tpu.wait_dma2 semaphore(%run_scoped3A : memref<!tpu.dma_semaphore, #tpu.memory_space<semaphore_mem>>) src(%arg7 : memref<16x1024xf32, #tpu.memory_space<vmem>>) dst(%dma_wait3A_125 : memref<16x1024xf32, #tpu.memory_space<hbm>>)
      tpu.yield
    }) : () -> ()
    return
  }
}

#map = affine_map<(d0, d1) -> (0, 0)>
#map1 = affine_map<(d0, d1) -> (0)>
module attributes {stable_mosaic.version = 14 : i64} {
  func.func @k(%arg0: i32, %arg1: i32, %arg2: memref<2048x2048xf32, #tpu.memory_space<hbm>>, %arg3: memref<2048xi32, #tpu.memory_space<hbm>>, %arg4: memref<2048xi32, #tpu.memory_space<hbm>>, %arg5: memref<6144x2048xf32, #tpu.memory_space<hbm>>, %arg6: memref<16xi32, #tpu.memory_space<vmem>>, %arg7: memref<16x2048xf32, #tpu.memory_space<vmem>>, %arg8: memref<!tpu.dma_semaphore, #tpu.memory_space<semaphore_mem>>) attributes {dimension_semantics = [#tpu.dimension_semantics<core_parallel>, #tpu.dimension_semantics<subcore_parallel>], iteration_bounds = array<i64: 2, 16>, scalar_prefetch = 0 : i64, scratch_operands = 3 : i64, tpu.core_type = #tpu.core_type<sc_vector_subcore>, window_params = [{transform_indices = #map}, {transform_indices = #map1}, {transform_indices = #map1}, {transform_indices = #map}]} {
    %mul3A = arith.constant 2 : i32
    %mul3A_0 = arith.muli %arg1, %mul3A : i32
    %add3A = arith.addi %mul3A_0, %arg0 : i32
    %mul3A_1 = arith.constant 64 : i32
    %mul3A_2 = arith.muli %add3A, %mul3A_1 : i32
    %add3A_3 = arith.constant 0 : i32
    %add3A_4 = arith.addi %mul3A_2, %add3A_3 : i32
    "tpu.region"() ({
      %run_scoped3A = tpu.sem_alloc : memref<!tpu.dma_semaphore, #tpu.memory_space<semaphore_mem>>
      %dma_start3A_102 = tpu.memref_slice %arg3[%add3A_4] : memref<2048xi32, #tpu.memory_space<hbm>> -> memref<16xi32, #tpu.memory_space<hbm>>
      %dma_start3A_103 = tpu.memref_slice %arg3[%add3A_4] : memref<2048xi32, #tpu.memory_space<hbm>> -> memref<16xi32, #tpu.memory_space<hbm>>
      tpu.enqueue_dma source(%dma_start3A_103 : memref<16xi32, #tpu.memory_space<hbm>>) target(%arg6 : memref<16xi32, #tpu.memory_space<vmem>>) target_semaphore(%run_scoped3A : memref<!tpu.dma_semaphore, #tpu.memory_space<semaphore_mem>>)
      %dma_wait3A_104 = tpu.memref_slice %arg3[%add3A_4] : memref<2048xi32, #tpu.memory_space<hbm>> -> memref<16xi32, #tpu.memory_space<hbm>>
      %dma_wait3A_105 = tpu.memref_slice %arg3[%add3A_4] : memref<2048xi32, #tpu.memory_space<hbm>> -> memref<16xi32, #tpu.memory_space<hbm>>
      tpu.wait_dma2 semaphore(%run_scoped3A : memref<!tpu.dma_semaphore, #tpu.memory_space<semaphore_mem>>) src(%dma_wait3A_105 : memref<16xi32, #tpu.memory_space<hbm>>) dst(%arg6 : memref<16xi32, #tpu.memory_space<vmem>>)
      tpu.yield
    }) : () -> ()
    %get3A = arith.constant 0 : index
    %get3A_5 = tpu.vector_load %arg6[%get3A] {strides = array<i32>} : memref<16xi32, #tpu.memory_space<vmem>>, vector<16xi32>,
    %get3A_6 = vector.shape_cast %get3A_5 : vector<16xi32> to vector<16xi32>
    "tpu.region"() ({
      %run_scoped3A = tpu.sem_alloc : memref<!tpu.dma_semaphore, #tpu.memory_space<semaphore_mem>>
      %dma_start3A_102 = arith.constant 0 : i32
      %dma_start3A_103 = tpu.memref_slice %arg2[%add3A_4, %dma_start3A_102] : memref<2048x2048xf32, #tpu.memory_space<hbm>> -> memref<16x2048xf32, #tpu.memory_space<hbm>>
      %dma_start3A_104 = arith.constant 0 : i32
      %dma_start3A_105 = tpu.memref_slice %arg2[%add3A_4, %dma_start3A_104] : memref<2048x2048xf32, #tpu.memory_space<hbm>> -> memref<16x2048xf32, #tpu.memory_space<hbm>>
      tpu.enqueue_dma source(%dma_start3A_105 : memref<16x2048xf32, #tpu.memory_space<hbm>>) target(%arg7 : memref<16x2048xf32, #tpu.memory_space<vmem>>) target_semaphore(%run_scoped3A : memref<!tpu.dma_semaphore, #tpu.memory_space<semaphore_mem>>)
      %dma_wait3A_106 = arith.constant 0 : i32
      %dma_wait3A_107 = tpu.memref_slice %arg2[%add3A_4, %dma_wait3A_106] : memref<2048x2048xf32, #tpu.memory_space<hbm>> -> memref<16x2048xf32, #tpu.memory_space<hbm>>
      %dma_wait3A_108 = arith.constant 0 : i32
      %dma_wait3A_109 = tpu.memref_slice %arg2[%add3A_4, %dma_wait3A_108] : memref<2048x2048xf32, #tpu.memory_space<hbm>> -> memref<16x2048xf32, #tpu.memory_space<hbm>>
      tpu.wait_dma2 semaphore(%run_scoped3A : memref<!tpu.dma_semaphore, #tpu.memory_space<semaphore_mem>>) src(%dma_wait3A_109 : memref<16x2048xf32, #tpu.memory_space<hbm>>) dst(%arg7 : memref<16x2048xf32, #tpu.memory_space<vmem>>)
      tpu.yield
    }) : () -> ()
    %dma_start3A = arith.constant 0 : i32
    %dma_start3A_7 = arith.constant 0 : i32
    %dma_start3A_8 = tpu.memref_slice %arg5[%dma_start3A, %dma_start3A_7] : memref<6144x2048xf32, #tpu.memory_space<hbm>> -> memref<6144x2048xf32, #tpu.memory_space<hbm>>
    tpu.enqueue_indirect_dma source(%arg7 : memref<16x2048xf32, #tpu.memory_space<vmem>>) target(%dma_start3A_8 : memref<6144x2048xf32, #tpu.memory_space<hbm>>) offsets(%get3A_6 : vector<16xi32>) semaphore(%arg8 : memref<!tpu.dma_semaphore, #tpu.memory_space<semaphore_mem>>)
    %dma_wait3A = arith.constant 0 : i32
    %dma_wait3A_9 = arith.constant 0 : i32
    %dma_wait3A_10 = tpu.memref_slice %arg5[%dma_wait3A, %dma_wait3A_9] : memref<6144x2048xf32, #tpu.memory_space<hbm>> -> memref<6144x2048xf32, #tpu.memory_space<hbm>>
    tpu.wait_indirect_dma semaphore(%arg8 : memref<!tpu.dma_semaphore, #tpu.memory_space<semaphore_mem>>) src(%arg7 : memref<16x2048xf32, #tpu.memory_space<vmem>>) dst(%dma_wait3A_10 : memref<6144x2048xf32, #tpu.memory_space<hbm>>)
    %mul3A_11 = arith.constant 64 : i32
    %mul3A_12 = arith.muli %add3A, %mul3A_11 : i32
    %add3A_13 = arith.constant 16 : i32
    %add3A_14 = arith.addi %mul3A_12, %add3A_13 : i32
    "tpu.region"() ({
      %run_scoped3A = tpu.sem_alloc : memref<!tpu.dma_semaphore, #tpu.memory_space<semaphore_mem>>
      %dma_start3A_102 = tpu.memref_slice %arg3[%add3A_14] : memref<2048xi32, #tpu.memory_space<hbm>> -> memref<16xi32, #tpu.memory_space<hbm>>
      %dma_start3A_103 = tpu.memref_slice %arg3[%add3A_14] : memref<2048xi32, #tpu.memory_space<hbm>> -> memref<16xi32, #tpu.memory_space<hbm>>
      tpu.enqueue_dma source(%dma_start3A_103 : memref<16xi32, #tpu.memory_space<hbm>>) target(%arg6 : memref<16xi32, #tpu.memory_space<vmem>>) target_semaphore(%run_scoped3A : memref<!tpu.dma_semaphore, #tpu.memory_space<semaphore_mem>>)
      %dma_wait3A_104 = tpu.memref_slice %arg3[%add3A_14] : memref<2048xi32, #tpu.memory_space<hbm>> -> memref<16xi32, #tpu.memory_space<hbm>>
      %dma_wait3A_105 = tpu.memref_slice %arg3[%add3A_14] : memref<2048xi32, #tpu.memory_space<hbm>> -> memref<16xi32, #tpu.memory_space<hbm>>
      tpu.wait_dma2 semaphore(%run_scoped3A : memref<!tpu.dma_semaphore, #tpu.memory_space<semaphore_mem>>) src(%dma_wait3A_105 : memref<16xi32, #tpu.memory_space<hbm>>) dst(%arg6 : memref<16xi32, #tpu.memory_space<vmem>>)
      tpu.yield
    }) : () -> ()
    %get3A_15 = arith.constant 0 : index
    %get3A_16 = tpu.vector_load %arg6[%get3A_15] {strides = array<i32>} : memref<16xi32, #tpu.memory_space<vmem>>, vector<16xi32>,
    %get3A_17 = vector.shape_cast %get3A_16 : vector<16xi32> to vector<16xi32>
    "tpu.region"() ({
      %run_scoped3A = tpu.sem_alloc : memref<!tpu.dma_semaphore, #tpu.memory_space<semaphore_mem>>
      %dma_start3A_102 = arith.constant 0 : i32
      %dma_start3A_103 = tpu.memref_slice %arg2[%add3A_14, %dma_start3A_102] : memref<2048x2048xf32, #tpu.memory_space<hbm>> -> memref<16x2048xf32, #tpu.memory_space<hbm>>
      %dma_start3A_104 = arith.constant 0 : i32
      %dma_start3A_105 = tpu.memref_slice %arg2[%add3A_14, %dma_start3A_104] : memref<2048x2048xf32, #tpu.memory_space<hbm>> -> memref<16x2048xf32, #tpu.memory_space<hbm>>
      tpu.enqueue_dma source(%dma_start3A_105 : memref<16x2048xf32, #tpu.memory_space<hbm>>) target(%arg7 : memref<16x2048xf32, #tpu.memory_space<vmem>>) target_semaphore(%run_scoped3A : memref<!tpu.dma_semaphore, #tpu.memory_space<semaphore_mem>>)
      %dma_wait3A_106 = arith.constant 0 : i32
      %dma_wait3A_107 = tpu.memref_slice %arg2[%add3A_14, %dma_wait3A_106] : memref<2048x2048xf32, #tpu.memory_space<hbm>> -> memref<16x2048xf32, #tpu.memory_space<hbm>>
      %dma_wait3A_108 = arith.constant 0 : i32
      %dma_wait3A_109 = tpu.memref_slice %arg2[%add3A_14, %dma_wait3A_108] : memref<2048x2048xf32, #tpu.memory_space<hbm>> -> memref<16x2048xf32, #tpu.memory_space<hbm>>
      tpu.wait_dma2 semaphore(%run_scoped3A : memref<!tpu.dma_semaphore, #tpu.memory_space<semaphore_mem>>) src(%dma_wait3A_109 : memref<16x2048xf32, #tpu.memory_space<hbm>>) dst(%arg7 : memref<16x2048xf32, #tpu.memory_space<vmem>>)
      tpu.yield
    }) : () -> ()
    %dma_start3A_18 = arith.constant 0 : i32
    %dma_start3A_19 = arith.constant 0 : i32
    %dma_start3A_20 = tpu.memref_slice %arg5[%dma_start3A_18, %dma_start3A_19] : memref<6144x2048xf32, #tpu.memory_space<hbm>> -> memref<6144x2048xf32, #tpu.memory_space<hbm>>
    tpu.enqueue_indirect_dma source(%arg7 : memref<16x2048xf32, #tpu.memory_space<vmem>>) target(%dma_start3A_20 : memref<6144x2048xf32, #tpu.memory_space<hbm>>) offsets(%get3A_17 : vector<16xi32>) semaphore(%arg8 : memref<!tpu.dma_semaphore, #tpu.memory_space<semaphore_mem>>)
    %dma_wait3A_21 = arith.constant 0 : i32
    %dma_wait3A_22 = arith.constant 0 : i32
    %dma_wait3A_23 = tpu.memref_slice %arg5[%dma_wait3A_21, %dma_wait3A_22] : memref<6144x2048xf32, #tpu.memory_space<hbm>> -> memref<6144x2048xf32, #tpu.memory_space<hbm>>
    tpu.wait_indirect_dma semaphore(%arg8 : memref<!tpu.dma_semaphore, #tpu.memory_space<semaphore_mem>>) src(%arg7 : memref<16x2048xf32, #tpu.memory_space<vmem>>) dst(%dma_wait3A_23 : memref<6144x2048xf32, #tpu.memory_space<hbm>>)
    %mul3A_24 = arith.constant 64 : i32
    %mul3A_25 = arith.muli %add3A, %mul3A_24 : i32
    %add3A_26 = arith.constant 32 : i32
    %add3A_27 = arith.addi %mul3A_25, %add3A_26 : i32
    "tpu.region"() ({
      %run_scoped3A = tpu.sem_alloc : memref<!tpu.dma_semaphore, #tpu.memory_space<semaphore_mem>>
      %dma_start3A_102 = tpu.memref_slice %arg3[%add3A_27] : memref<2048xi32, #tpu.memory_space<hbm>> -> memref<16xi32, #tpu.memory_space<hbm>>
      %dma_start3A_103 = tpu.memref_slice %arg3[%add3A_27] : memref<2048xi32, #tpu.memory_space<hbm>> -> memref<16xi32, #tpu.memory_space<hbm>>
      tpu.enqueue_dma source(%dma_start3A_103 : memref<16xi32, #tpu.memory_space<hbm>>) target(%arg6 : memref<16xi32, #tpu.memory_space<vmem>>) target_semaphore(%run_scoped3A : memref<!tpu.dma_semaphore, #tpu.memory_space<semaphore_mem>>)
      %dma_wait3A_104 = tpu.memref_slice %arg3[%add3A_27] : memref<2048xi32, #tpu.memory_space<hbm>> -> memref<16xi32, #tpu.memory_space<hbm>>
      %dma_wait3A_105 = tpu.memref_slice %arg3[%add3A_27] : memref<2048xi32, #tpu.memory_space<hbm>> -> memref<16xi32, #tpu.memory_space<hbm>>
      tpu.wait_dma2 semaphore(%run_scoped3A : memref<!tpu.dma_semaphore, #tpu.memory_space<semaphore_mem>>) src(%dma_wait3A_105 : memref<16xi32, #tpu.memory_space<hbm>>) dst(%arg6 : memref<16xi32, #tpu.memory_space<vmem>>)
      tpu.yield
    }) : () -> ()
    %get3A_28 = arith.constant 0 : index
    %get3A_29 = tpu.vector_load %arg6[%get3A_28] {strides = array<i32>} : memref<16xi32, #tpu.memory_space<vmem>>, vector<16xi32>,
    %get3A_30 = vector.shape_cast %get3A_29 : vector<16xi32> to vector<16xi32>
    "tpu.region"() ({
      %run_scoped3A = tpu.sem_alloc : memref<!tpu.dma_semaphore, #tpu.memory_space<semaphore_mem>>
      %dma_start3A_102 = arith.constant 0 : i32
      %dma_start3A_103 = tpu.memref_slice %arg2[%add3A_27, %dma_start3A_102] : memref<2048x2048xf32, #tpu.memory_space<hbm>> -> memref<16x2048xf32, #tpu.memory_space<hbm>>
      %dma_start3A_104 = arith.constant 0 : i32
      %dma_start3A_105 = tpu.memref_slice %arg2[%add3A_27, %dma_start3A_104] : memref<2048x2048xf32, #tpu.memory_space<hbm>> -> memref<16x2048xf32, #tpu.memory_space<hbm>>
      tpu.enqueue_dma source(%dma_start3A_105 : memref<16x2048xf32, #tpu.memory_space<hbm>>) target(%arg7 : memref<16x2048xf32, #tpu.memory_space<vmem>>) target_semaphore(%run_scoped3A : memref<!tpu.dma_semaphore, #tpu.memory_space<semaphore_mem>>)
      %dma_wait3A_106 = arith.constant 0 : i32
      %dma_wait3A_107 = tpu.memref_slice %arg2[%add3A_27, %dma_wait3A_106] : memref<2048x2048xf32, #tpu.memory_space<hbm>> -> memref<16x2048xf32, #tpu.memory_space<hbm>>
      %dma_wait3A_108 = arith.constant 0 : i32
      %dma_wait3A_109 = tpu.memref_slice %arg2[%add3A_27, %dma_wait3A_108] : memref<2048x2048xf32, #tpu.memory_space<hbm>> -> memref<16x2048xf32, #tpu.memory_space<hbm>>
      tpu.wait_dma2 semaphore(%run_scoped3A : memref<!tpu.dma_semaphore, #tpu.memory_space<semaphore_mem>>) src(%dma_wait3A_109 : memref<16x2048xf32, #tpu.memory_space<hbm>>) dst(%arg7 : memref<16x2048xf32, #tpu.memory_space<vmem>>)
      tpu.yield
    }) : () -> ()
    %dma_start3A_31 = arith.constant 0 : i32
    %dma_start3A_32 = arith.constant 0 : i32
    %dma_start3A_33 = tpu.memref_slice %arg5[%dma_start3A_31, %dma_start3A_32] : memref<6144x2048xf32, #tpu.memory_space<hbm>> -> memref<6144x2048xf32, #tpu.memory_space<hbm>>
    tpu.enqueue_indirect_dma source(%arg7 : memref<16x2048xf32, #tpu.memory_space<vmem>>) target(%dma_start3A_33 : memref<6144x2048xf32, #tpu.memory_space<hbm>>) offsets(%get3A_30 : vector<16xi32>) semaphore(%arg8 : memref<!tpu.dma_semaphore, #tpu.memory_space<semaphore_mem>>)
    %dma_wait3A_34 = arith.constant 0 : i32
    %dma_wait3A_35 = arith.constant 0 : i32
    %dma_wait3A_36 = tpu.memref_slice %arg5[%dma_wait3A_34, %dma_wait3A_35] : memref<6144x2048xf32, #tpu.memory_space<hbm>> -> memref<6144x2048xf32, #tpu.memory_space<hbm>>
    tpu.wait_indirect_dma semaphore(%arg8 : memref<!tpu.dma_semaphore, #tpu.memory_space<semaphore_mem>>) src(%arg7 : memref<16x2048xf32, #tpu.memory_space<vmem>>) dst(%dma_wait3A_36 : memref<6144x2048xf32, #tpu.memory_space<hbm>>)
    %mul3A_37 = arith.constant 64 : i32
    %mul3A_38 = arith.muli %add3A, %mul3A_37 : i32
    %add3A_39 = arith.constant 48 : i32
    %add3A_40 = arith.addi %mul3A_38, %add3A_39 : i32
    "tpu.region"() ({
      %run_scoped3A = tpu.sem_alloc : memref<!tpu.dma_semaphore, #tpu.memory_space<semaphore_mem>>
      %dma_start3A_102 = tpu.memref_slice %arg3[%add3A_40] : memref<2048xi32, #tpu.memory_space<hbm>> -> memref<16xi32, #tpu.memory_space<hbm>>
      %dma_start3A_103 = tpu.memref_slice %arg3[%add3A_40] : memref<2048xi32, #tpu.memory_space<hbm>> -> memref<16xi32, #tpu.memory_space<hbm>>
      tpu.enqueue_dma source(%dma_start3A_103 : memref<16xi32, #tpu.memory_space<hbm>>) target(%arg6 : memref<16xi32, #tpu.memory_space<vmem>>) target_semaphore(%run_scoped3A : memref<!tpu.dma_semaphore, #tpu.memory_space<semaphore_mem>>)
      %dma_wait3A_104 = tpu.memref_slice %arg3[%add3A_40] : memref<2048xi32, #tpu.memory_space<hbm>> -> memref<16xi32, #tpu.memory_space<hbm>>
      %dma_wait3A_105 = tpu.memref_slice %arg3[%add3A_40] : memref<2048xi32, #tpu.memory_space<hbm>> -> memref<16xi32, #tpu.memory_space<hbm>>
      tpu.wait_dma2 semaphore(%run_scoped3A : memref<!tpu.dma_semaphore, #tpu.memory_space<semaphore_mem>>) src(%dma_wait3A_105 : memref<16xi32, #tpu.memory_space<hbm>>) dst(%arg6 : memref<16xi32, #tpu.memory_space<vmem>>)
      tpu.yield
    }) : () -> ()
    %get3A_41 = arith.constant 0 : index
    %get3A_42 = tpu.vector_load %arg6[%get3A_41] {strides = array<i32>} : memref<16xi32, #tpu.memory_space<vmem>>, vector<16xi32>,
    %get3A_43 = vector.shape_cast %get3A_42 : vector<16xi32> to vector<16xi32>
    "tpu.region"() ({
      %run_scoped3A = tpu.sem_alloc : memref<!tpu.dma_semaphore, #tpu.memory_space<semaphore_mem>>
      %dma_start3A_102 = arith.constant 0 : i32
      %dma_start3A_103 = tpu.memref_slice %arg2[%add3A_40, %dma_start3A_102] : memref<2048x2048xf32, #tpu.memory_space<hbm>> -> memref<16x2048xf32, #tpu.memory_space<hbm>>
      %dma_start3A_104 = arith.constant 0 : i32
      %dma_start3A_105 = tpu.memref_slice %arg2[%add3A_40, %dma_start3A_104] : memref<2048x2048xf32, #tpu.memory_space<hbm>> -> memref<16x2048xf32, #tpu.memory_space<hbm>>
      tpu.enqueue_dma source(%dma_start3A_105 : memref<16x2048xf32, #tpu.memory_space<hbm>>) target(%arg7 : memref<16x2048xf32, #tpu.memory_space<vmem>>) target_semaphore(%run_scoped3A : memref<!tpu.dma_semaphore, #tpu.memory_space<semaphore_mem>>)
      %dma_wait3A_106 = arith.constant 0 : i32
      %dma_wait3A_107 = tpu.memref_slice %arg2[%add3A_40, %dma_wait3A_106] : memref<2048x2048xf32, #tpu.memory_space<hbm>> -> memref<16x2048xf32, #tpu.memory_space<hbm>>
      %dma_wait3A_108 = arith.constant 0 : i32
      %dma_wait3A_109 = tpu.memref_slice %arg2[%add3A_40, %dma_wait3A_108] : memref<2048x2048xf32, #tpu.memory_space<hbm>> -> memref<16x2048xf32, #tpu.memory_space<hbm>>
      tpu.wait_dma2 semaphore(%run_scoped3A : memref<!tpu.dma_semaphore, #tpu.memory_space<semaphore_mem>>) src(%dma_wait3A_109 : memref<16x2048xf32, #tpu.memory_space<hbm>>) dst(%arg7 : memref<16x2048xf32, #tpu.memory_space<vmem>>)
      tpu.yield
    }) : () -> ()
    %dma_start3A_44 = arith.constant 0 : i32
    %dma_start3A_45 = arith.constant 0 : i32
    %dma_start3A_46 = tpu.memref_slice %arg5[%dma_start3A_44, %dma_start3A_45] : memref<6144x2048xf32, #tpu.memory_space<hbm>> -> memref<6144x2048xf32, #tpu.memory_space<hbm>>
    tpu.enqueue_indirect_dma source(%arg7 : memref<16x2048xf32, #tpu.memory_space<vmem>>) target(%dma_start3A_46 : memref<6144x2048xf32, #tpu.memory_space<hbm>>) offsets(%get3A_43 : vector<16xi32>) semaphore(%arg8 : memref<!tpu.dma_semaphore, #tpu.memory_space<semaphore_mem>>)
    %dma_wait3A_47 = arith.constant 0 : i32
    %dma_wait3A_48 = arith.constant 0 : i32
    %dma_wait3A_49 = tpu.memref_slice %arg5[%dma_wait3A_47, %dma_wait3A_48] : memref<6144x2048xf32, #tpu.memory_space<hbm>> -> memref<6144x2048xf32, #tpu.memory_space<hbm>>
    tpu.wait_indirect_dma semaphore(%arg8 : memref<!tpu.dma_semaphore, #tpu.memory_space<semaphore_mem>>) src(%arg7 : memref<16x2048xf32, #tpu.memory_space<vmem>>) dst(%dma_wait3A_49 : memref<6144x2048xf32, #tpu.memory_space<hbm>>)
    %mul3A_50 = arith.constant 64 : i32
    %mul3A_51 = arith.muli %add3A, %mul3A_50 : i32
    %add3A_52 = arith.constant 0 : i32
    %add3A_53 = arith.addi %mul3A_51, %add3A_52 : i32
    "tpu.region"() ({
      %run_scoped3A = tpu.sem_alloc : memref<!tpu.dma_semaphore, #tpu.memory_space<semaphore_mem>>
      %dma_start3A_102 = tpu.memref_slice %arg4[%add3A_53] : memref<2048xi32, #tpu.memory_space<hbm>> -> memref<16xi32, #tpu.memory_space<hbm>>
      %dma_start3A_103 = tpu.memref_slice %arg4[%add3A_53] : memref<2048xi32, #tpu.memory_space<hbm>> -> memref<16xi32, #tpu.memory_space<hbm>>
      tpu.enqueue_dma source(%dma_start3A_103 : memref<16xi32, #tpu.memory_space<hbm>>) target(%arg6 : memref<16xi32, #tpu.memory_space<vmem>>) target_semaphore(%run_scoped3A : memref<!tpu.dma_semaphore, #tpu.memory_space<semaphore_mem>>)
      %dma_wait3A_104 = tpu.memref_slice %arg4[%add3A_53] : memref<2048xi32, #tpu.memory_space<hbm>> -> memref<16xi32, #tpu.memory_space<hbm>>
      %dma_wait3A_105 = tpu.memref_slice %arg4[%add3A_53] : memref<2048xi32, #tpu.memory_space<hbm>> -> memref<16xi32, #tpu.memory_space<hbm>>
      tpu.wait_dma2 semaphore(%run_scoped3A : memref<!tpu.dma_semaphore, #tpu.memory_space<semaphore_mem>>) src(%dma_wait3A_105 : memref<16xi32, #tpu.memory_space<hbm>>) dst(%arg6 : memref<16xi32, #tpu.memory_space<vmem>>)
      tpu.yield
    }) : () -> ()
    %get3A_54 = arith.constant 0 : index
    %get3A_55 = tpu.vector_load %arg6[%get3A_54] {strides = array<i32>} : memref<16xi32, #tpu.memory_space<vmem>>, vector<16xi32>,
    %get3A_56 = vector.shape_cast %get3A_55 : vector<16xi32> to vector<16xi32>
    "tpu.region"() ({
      %run_scoped3A = tpu.sem_alloc : memref<!tpu.dma_semaphore, #tpu.memory_space<semaphore_mem>>
      %dma_start3A_102 = arith.constant 0 : i32
      %dma_start3A_103 = tpu.memref_slice %arg2[%add3A_53, %dma_start3A_102] : memref<2048x2048xf32, #tpu.memory_space<hbm>> -> memref<16x2048xf32, #tpu.memory_space<hbm>>
      %dma_start3A_104 = arith.constant 0 : i32
      %dma_start3A_105 = tpu.memref_slice %arg2[%add3A_53, %dma_start3A_104] : memref<2048x2048xf32, #tpu.memory_space<hbm>> -> memref<16x2048xf32, #tpu.memory_space<hbm>>
      tpu.enqueue_dma source(%dma_start3A_105 : memref<16x2048xf32, #tpu.memory_space<hbm>>) target(%arg7 : memref<16x2048xf32, #tpu.memory_space<vmem>>) target_semaphore(%run_scoped3A : memref<!tpu.dma_semaphore, #tpu.memory_space<semaphore_mem>>)
      %dma_wait3A_106 = arith.constant 0 : i32
      %dma_wait3A_107 = tpu.memref_slice %arg2[%add3A_53, %dma_wait3A_106] : memref<2048x2048xf32, #tpu.memory_space<hbm>> -> memref<16x2048xf32, #tpu.memory_space<hbm>>
      %dma_wait3A_108 = arith.constant 0 : i32
      %dma_wait3A_109 = tpu.memref_slice %arg2[%add3A_53, %dma_wait3A_108] : memref<2048x2048xf32, #tpu.memory_space<hbm>> -> memref<16x2048xf32, #tpu.memory_space<hbm>>
      tpu.wait_dma2 semaphore(%run_scoped3A : memref<!tpu.dma_semaphore, #tpu.memory_space<semaphore_mem>>) src(%dma_wait3A_109 : memref<16x2048xf32, #tpu.memory_space<hbm>>) dst(%arg7 : memref<16x2048xf32, #tpu.memory_space<vmem>>)
      tpu.yield
    }) : () -> ()
    %dma_start3A_57 = arith.constant 0 : i32
    %dma_start3A_58 = arith.constant 0 : i32
    %dma_start3A_59 = tpu.memref_slice %arg5[%dma_start3A_57, %dma_start3A_58] : memref<6144x2048xf32, #tpu.memory_space<hbm>> -> memref<6144x2048xf32, #tpu.memory_space<hbm>>
    tpu.enqueue_indirect_dma source(%arg7 : memref<16x2048xf32, #tpu.memory_space<vmem>>) target(%dma_start3A_59 : memref<6144x2048xf32, #tpu.memory_space<hbm>>) offsets(%get3A_56 : vector<16xi32>) semaphore(%arg8 : memref<!tpu.dma_semaphore, #tpu.memory_space<semaphore_mem>>)
    %dma_wait3A_60 = arith.constant 0 : i32
    %dma_wait3A_61 = arith.constant 0 : i32
    %dma_wait3A_62 = tpu.memref_slice %arg5[%dma_wait3A_60, %dma_wait3A_61] : memref<6144x2048xf32, #tpu.memory_space<hbm>> -> memref<6144x2048xf32, #tpu.memory_space<hbm>>
    tpu.wait_indirect_dma semaphore(%arg8 : memref<!tpu.dma_semaphore, #tpu.memory_space<semaphore_mem>>) src(%arg7 : memref<16x2048xf32, #tpu.memory_space<vmem>>) dst(%dma_wait3A_62 : memref<6144x2048xf32, #tpu.memory_space<hbm>>)
    %mul3A_63 = arith.constant 64 : i32
    %mul3A_64 = arith.muli %add3A, %mul3A_63 : i32
    %add3A_65 = arith.constant 16 : i32
    %add3A_66 = arith.addi %mul3A_64, %add3A_65 : i32
    "tpu.region"() ({
      %run_scoped3A = tpu.sem_alloc : memref<!tpu.dma_semaphore, #tpu.memory_space<semaphore_mem>>
      %dma_start3A_102 = tpu.memref_slice %arg4[%add3A_66] : memref<2048xi32, #tpu.memory_space<hbm>> -> memref<16xi32, #tpu.memory_space<hbm>>
      %dma_start3A_103 = tpu.memref_slice %arg4[%add3A_66] : memref<2048xi32, #tpu.memory_space<hbm>> -> memref<16xi32, #tpu.memory_space<hbm>>
      tpu.enqueue_dma source(%dma_start3A_103 : memref<16xi32, #tpu.memory_space<hbm>>) target(%arg6 : memref<16xi32, #tpu.memory_space<vmem>>) target_semaphore(%run_scoped3A : memref<!tpu.dma_semaphore, #tpu.memory_space<semaphore_mem>>)
      %dma_wait3A_104 = tpu.memref_slice %arg4[%add3A_66] : memref<2048xi32, #tpu.memory_space<hbm>> -> memref<16xi32, #tpu.memory_space<hbm>>
      %dma_wait3A_105 = tpu.memref_slice %arg4[%add3A_66] : memref<2048xi32, #tpu.memory_space<hbm>> -> memref<16xi32, #tpu.memory_space<hbm>>
      tpu.wait_dma2 semaphore(%run_scoped3A : memref<!tpu.dma_semaphore, #tpu.memory_space<semaphore_mem>>) src(%dma_wait3A_105 : memref<16xi32, #tpu.memory_space<hbm>>) dst(%arg6 : memref<16xi32, #tpu.memory_space<vmem>>)
      tpu.yield
    }) : () -> ()
    %get3A_67 = arith.constant 0 : index
    %get3A_68 = tpu.vector_load %arg6[%get3A_67] {strides = array<i32>} : memref<16xi32, #tpu.memory_space<vmem>>, vector<16xi32>,
    %get3A_69 = vector.shape_cast %get3A_68 : vector<16xi32> to vector<16xi32>
    "tpu.region"() ({
      %run_scoped3A = tpu.sem_alloc : memref<!tpu.dma_semaphore, #tpu.memory_space<semaphore_mem>>
      %dma_start3A_102 = arith.constant 0 : i32
      %dma_start3A_103 = tpu.memref_slice %arg2[%add3A_66, %dma_start3A_102] : memref<2048x2048xf32, #tpu.memory_space<hbm>> -> memref<16x2048xf32, #tpu.memory_space<hbm>>
      %dma_start3A_104 = arith.constant 0 : i32
      %dma_start3A_105 = tpu.memref_slice %arg2[%add3A_66, %dma_start3A_104] : memref<2048x2048xf32, #tpu.memory_space<hbm>> -> memref<16x2048xf32, #tpu.memory_space<hbm>>
      tpu.enqueue_dma source(%dma_start3A_105 : memref<16x2048xf32, #tpu.memory_space<hbm>>) target(%arg7 : memref<16x2048xf32, #tpu.memory_space<vmem>>) target_semaphore(%run_scoped3A : memref<!tpu.dma_semaphore, #tpu.memory_space<semaphore_mem>>)
      %dma_wait3A_106 = arith.constant 0 : i32
      %dma_wait3A_107 = tpu.memref_slice %arg2[%add3A_66, %dma_wait3A_106] : memref<2048x2048xf32, #tpu.memory_space<hbm>> -> memref<16x2048xf32, #tpu.memory_space<hbm>>
      %dma_wait3A_108 = arith.constant 0 : i32
      %dma_wait3A_109 = tpu.memref_slice %arg2[%add3A_66, %dma_wait3A_108] : memref<2048x2048xf32, #tpu.memory_space<hbm>> -> memref<16x2048xf32, #tpu.memory_space<hbm>>
      tpu.wait_dma2 semaphore(%run_scoped3A : memref<!tpu.dma_semaphore, #tpu.memory_space<semaphore_mem>>) src(%dma_wait3A_109 : memref<16x2048xf32, #tpu.memory_space<hbm>>) dst(%arg7 : memref<16x2048xf32, #tpu.memory_space<vmem>>)
      tpu.yield
    }) : () -> ()
    %dma_start3A_70 = arith.constant 0 : i32
    %dma_start3A_71 = arith.constant 0 : i32
    %dma_start3A_72 = tpu.memref_slice %arg5[%dma_start3A_70, %dma_start3A_71] : memref<6144x2048xf32, #tpu.memory_space<hbm>> -> memref<6144x2048xf32, #tpu.memory_space<hbm>>
    tpu.enqueue_indirect_dma source(%arg7 : memref<16x2048xf32, #tpu.memory_space<vmem>>) target(%dma_start3A_72 : memref<6144x2048xf32, #tpu.memory_space<hbm>>) offsets(%get3A_69 : vector<16xi32>) semaphore(%arg8 : memref<!tpu.dma_semaphore, #tpu.memory_space<semaphore_mem>>)
    %dma_wait3A_73 = arith.constant 0 : i32
    %dma_wait3A_74 = arith.constant 0 : i32
    %dma_wait3A_75 = tpu.memref_slice %arg5[%dma_wait3A_73, %dma_wait3A_74] : memref<6144x2048xf32, #tpu.memory_space<hbm>> -> memref<6144x2048xf32, #tpu.memory_space<hbm>>
    tpu.wait_indirect_dma semaphore(%arg8 : memref<!tpu.dma_semaphore, #tpu.memory_space<semaphore_mem>>) src(%arg7 : memref<16x2048xf32, #tpu.memory_space<vmem>>) dst(%dma_wait3A_75 : memref<6144x2048xf32, #tpu.memory_space<hbm>>)
    %mul3A_76 = arith.constant 64 : i32
    %mul3A_77 = arith.muli %add3A, %mul3A_76 : i32
    %add3A_78 = arith.constant 32 : i32
    %add3A_79 = arith.addi %mul3A_77, %add3A_78 : i32
    "tpu.region"() ({
      %run_scoped3A = tpu.sem_alloc : memref<!tpu.dma_semaphore, #tpu.memory_space<semaphore_mem>>
      %dma_start3A_102 = tpu.memref_slice %arg4[%add3A_79] : memref<2048xi32, #tpu.memory_space<hbm>> -> memref<16xi32, #tpu.memory_space<hbm>>
      %dma_start3A_103 = tpu.memref_slice %arg4[%add3A_79] : memref<2048xi32, #tpu.memory_space<hbm>> -> memref<16xi32, #tpu.memory_space<hbm>>
      tpu.enqueue_dma source(%dma_start3A_103 : memref<16xi32, #tpu.memory_space<hbm>>) target(%arg6 : memref<16xi32, #tpu.memory_space<vmem>>) target_semaphore(%run_scoped3A : memref<!tpu.dma_semaphore, #tpu.memory_space<semaphore_mem>>)
      %dma_wait3A_104 = tpu.memref_slice %arg4[%add3A_79] : memref<2048xi32, #tpu.memory_space<hbm>> -> memref<16xi32, #tpu.memory_space<hbm>>
      %dma_wait3A_105 = tpu.memref_slice %arg4[%add3A_79] : memref<2048xi32, #tpu.memory_space<hbm>> -> memref<16xi32, #tpu.memory_space<hbm>>
      tpu.wait_dma2 semaphore(%run_scoped3A : memref<!tpu.dma_semaphore, #tpu.memory_space<semaphore_mem>>) src(%dma_wait3A_105 : memref<16xi32, #tpu.memory_space<hbm>>) dst(%arg6 : memref<16xi32, #tpu.memory_space<vmem>>)
      tpu.yield
    }) : () -> ()
    %get3A_80 = arith.constant 0 : index
    %get3A_81 = tpu.vector_load %arg6[%get3A_80] {strides = array<i32>} : memref<16xi32, #tpu.memory_space<vmem>>, vector<16xi32>,
    %get3A_82 = vector.shape_cast %get3A_81 : vector<16xi32> to vector<16xi32>
    "tpu.region"() ({
      %run_scoped3A = tpu.sem_alloc : memref<!tpu.dma_semaphore, #tpu.memory_space<semaphore_mem>>
      %dma_start3A_102 = arith.constant 0 : i32
      %dma_start3A_103 = tpu.memref_slice %arg2[%add3A_79, %dma_start3A_102] : memref<2048x2048xf32, #tpu.memory_space<hbm>> -> memref<16x2048xf32, #tpu.memory_space<hbm>>
      %dma_start3A_104 = arith.constant 0 : i32
      %dma_start3A_105 = tpu.memref_slice %arg2[%add3A_79, %dma_start3A_104] : memref<2048x2048xf32, #tpu.memory_space<hbm>> -> memref<16x2048xf32, #tpu.memory_space<hbm>>
      tpu.enqueue_dma source(%dma_start3A_105 : memref<16x2048xf32, #tpu.memory_space<hbm>>) target(%arg7 : memref<16x2048xf32, #tpu.memory_space<vmem>>) target_semaphore(%run_scoped3A : memref<!tpu.dma_semaphore, #tpu.memory_space<semaphore_mem>>)
      %dma_wait3A_106 = arith.constant 0 : i32
      %dma_wait3A_107 = tpu.memref_slice %arg2[%add3A_79, %dma_wait3A_106] : memref<2048x2048xf32, #tpu.memory_space<hbm>> -> memref<16x2048xf32, #tpu.memory_space<hbm>>
      %dma_wait3A_108 = arith.constant 0 : i32
      %dma_wait3A_109 = tpu.memref_slice %arg2[%add3A_79, %dma_wait3A_108] : memref<2048x2048xf32, #tpu.memory_space<hbm>> -> memref<16x2048xf32, #tpu.memory_space<hbm>>
      tpu.wait_dma2 semaphore(%run_scoped3A : memref<!tpu.dma_semaphore, #tpu.memory_space<semaphore_mem>>) src(%dma_wait3A_109 : memref<16x2048xf32, #tpu.memory_space<hbm>>) dst(%arg7 : memref<16x2048xf32, #tpu.memory_space<vmem>>)
      tpu.yield
    }) : () -> ()
    %dma_start3A_83 = arith.constant 0 : i32
    %dma_start3A_84 = arith.constant 0 : i32
    %dma_start3A_85 = tpu.memref_slice %arg5[%dma_start3A_83, %dma_start3A_84] : memref<6144x2048xf32, #tpu.memory_space<hbm>> -> memref<6144x2048xf32, #tpu.memory_space<hbm>>
    tpu.enqueue_indirect_dma source(%arg7 : memref<16x2048xf32, #tpu.memory_space<vmem>>) target(%dma_start3A_85 : memref<6144x2048xf32, #tpu.memory_space<hbm>>) offsets(%get3A_82 : vector<16xi32>) semaphore(%arg8 : memref<!tpu.dma_semaphore, #tpu.memory_space<semaphore_mem>>)
    %dma_wait3A_86 = arith.constant 0 : i32
    %dma_wait3A_87 = arith.constant 0 : i32
    %dma_wait3A_88 = tpu.memref_slice %arg5[%dma_wait3A_86, %dma_wait3A_87] : memref<6144x2048xf32, #tpu.memory_space<hbm>> -> memref<6144x2048xf32, #tpu.memory_space<hbm>>
    tpu.wait_indirect_dma semaphore(%arg8 : memref<!tpu.dma_semaphore, #tpu.memory_space<semaphore_mem>>) src(%arg7 : memref<16x2048xf32, #tpu.memory_space<vmem>>) dst(%dma_wait3A_88 : memref<6144x2048xf32, #tpu.memory_space<hbm>>)
    %mul3A_89 = arith.constant 64 : i32
    %mul3A_90 = arith.muli %add3A, %mul3A_89 : i32
    %add3A_91 = arith.constant 48 : i32
    %add3A_92 = arith.addi %mul3A_90, %add3A_91 : i32
    "tpu.region"() ({
      %run_scoped3A = tpu.sem_alloc : memref<!tpu.dma_semaphore, #tpu.memory_space<semaphore_mem>>
      %dma_start3A_102 = tpu.memref_slice %arg4[%add3A_92] : memref<2048xi32, #tpu.memory_space<hbm>> -> memref<16xi32, #tpu.memory_space<hbm>>
      %dma_start3A_103 = tpu.memref_slice %arg4[%add3A_92] : memref<2048xi32, #tpu.memory_space<hbm>> -> memref<16xi32, #tpu.memory_space<hbm>>
      tpu.enqueue_dma source(%dma_start3A_103 : memref<16xi32, #tpu.memory_space<hbm>>) target(%arg6 : memref<16xi32, #tpu.memory_space<vmem>>) target_semaphore(%run_scoped3A : memref<!tpu.dma_semaphore, #tpu.memory_space<semaphore_mem>>)
      %dma_wait3A_104 = tpu.memref_slice %arg4[%add3A_92] : memref<2048xi32, #tpu.memory_space<hbm>> -> memref<16xi32, #tpu.memory_space<hbm>>
      %dma_wait3A_105 = tpu.memref_slice %arg4[%add3A_92] : memref<2048xi32, #tpu.memory_space<hbm>> -> memref<16xi32, #tpu.memory_space<hbm>>
      tpu.wait_dma2 semaphore(%run_scoped3A : memref<!tpu.dma_semaphore, #tpu.memory_space<semaphore_mem>>) src(%dma_wait3A_105 : memref<16xi32, #tpu.memory_space<hbm>>) dst(%arg6 : memref<16xi32, #tpu.memory_space<vmem>>)
      tpu.yield
    }) : () -> ()
    %get3A_93 = arith.constant 0 : index
    %get3A_94 = tpu.vector_load %arg6[%get3A_93] {strides = array<i32>} : memref<16xi32, #tpu.memory_space<vmem>>, vector<16xi32>,
    %get3A_95 = vector.shape_cast %get3A_94 : vector<16xi32> to vector<16xi32>
    "tpu.region"() ({
      %run_scoped3A = tpu.sem_alloc : memref<!tpu.dma_semaphore, #tpu.memory_space<semaphore_mem>>
      %dma_start3A_102 = arith.constant 0 : i32
      %dma_start3A_103 = tpu.memref_slice %arg2[%add3A_92, %dma_start3A_102] : memref<2048x2048xf32, #tpu.memory_space<hbm>> -> memref<16x2048xf32, #tpu.memory_space<hbm>>
      %dma_start3A_104 = arith.constant 0 : i32
      %dma_start3A_105 = tpu.memref_slice %arg2[%add3A_92, %dma_start3A_104] : memref<2048x2048xf32, #tpu.memory_space<hbm>> -> memref<16x2048xf32, #tpu.memory_space<hbm>>
      tpu.enqueue_dma source(%dma_start3A_105 : memref<16x2048xf32, #tpu.memory_space<hbm>>) target(%arg7 : memref<16x2048xf32, #tpu.memory_space<vmem>>) target_semaphore(%run_scoped3A : memref<!tpu.dma_semaphore, #tpu.memory_space<semaphore_mem>>)
      %dma_wait3A_106 = arith.constant 0 : i32
      %dma_wait3A_107 = tpu.memref_slice %arg2[%add3A_92, %dma_wait3A_106] : memref<2048x2048xf32, #tpu.memory_space<hbm>> -> memref<16x2048xf32, #tpu.memory_space<hbm>>
      %dma_wait3A_108 = arith.constant 0 : i32
      %dma_wait3A_109 = tpu.memref_slice %arg2[%add3A_92, %dma_wait3A_108] : memref<2048x2048xf32, #tpu.memory_space<hbm>> -> memref<16x2048xf32, #tpu.memory_space<hbm>>
      tpu.wait_dma2 semaphore(%run_scoped3A : memref<!tpu.dma_semaphore, #tpu.memory_space<semaphore_mem>>) src(%dma_wait3A_109 : memref<16x2048xf32, #tpu.memory_space<hbm>>) dst(%arg7 : memref<16x2048xf32, #tpu.memory_space<vmem>>)
      tpu.yield
    }) : () -> ()
    %dma_start3A_96 = arith.constant 0 : i32
    %dma_start3A_97 = arith.constant 0 : i32
    %dma_start3A_98 = tpu.memref_slice %arg5[%dma_start3A_96, %dma_start3A_97] : memref<6144x2048xf32, #tpu.memory_space<hbm>> -> memref<6144x2048xf32, #tpu.memory_space<hbm>>
    tpu.enqueue_indirect_dma source(%arg7 : memref<16x2048xf32, #tpu.memory_space<vmem>>) target(%dma_start3A_98 : memref<6144x2048xf32, #tpu.memory_space<hbm>>) offsets(%get3A_95 : vector<16xi32>) semaphore(%arg8 : memref<!tpu.dma_semaphore, #tpu.memory_space<semaphore_mem>>)
    %dma_wait3A_99 = arith.constant 0 : i32
    %dma_wait3A_100 = arith.constant 0 : i32
    %dma_wait3A_101 = tpu.memref_slice %arg5[%dma_wait3A_99, %dma_wait3A_100] : memref<6144x2048xf32, #tpu.memory_space<hbm>> -> memref<6144x2048xf32, #tpu.memory_space<hbm>>
    tpu.wait_indirect_dma semaphore(%arg8 : memref<!tpu.dma_semaphore, #tpu.memory_space<semaphore_mem>>) src(%arg7 : memref<16x2048xf32, #tpu.memory_space<vmem>>) dst(%dma_wait3A_101 : memref<6144x2048xf32, #tpu.memory_space<hbm>>)
    return
  }
}

module attributes {stable_mosaic.version = 14 : i64} {
  func.func @_proj_body(%arg0: i32, %arg1: memref<256x1024xf32, #tpu.memory_space<vmem>>, %arg2: memref<1x1024xf32, #tpu.memory_space<vmem>>, %arg3: memref<1024x1024xf32, #tpu.memory_space<vmem>>, %arg4: memref<256x1024xf32, #tpu.memory_space<vmem>>, %arg5: memref<256x1024xf32, #tpu.memory_space<vmem>>, %arg6: memref<1024x256xf32, #tpu.memory_space<vmem>>, %arg7: memref<1024x256xf32, #tpu.memory_space<vmem>>, %arg8: memref<256x32xf32, #tpu.memory_space<vmem>>, %arg9: memref<256x32xf32, #tpu.memory_space<vmem>>, %arg10: memref<16x256x64xf32, #tpu.memory_space<vmem>>, %arg11: memref<16x256x64xf32, #tpu.memory_space<vmem>>, %arg12: memref<16x256x64xf32, #tpu.memory_space<vmem>>) attributes {dimension_semantics = [#tpu.dimension_semantics<arbitrary>], iteration_bounds = array<i64: 8>, scalar_prefetch = 0 : i64, scratch_operands = 0 : i64, tpu.core_type = #tpu.core_type<tc>, window_params = [{transform_indices = @transform_0, window_bounds = array<i64: 256, 1024>}, {pipeline_mode = #tpu.pipeline_mode<synchronous>, transform_indices = @transform_1, window_bounds = array<i64: 1, 1024>}, {pipeline_mode = #tpu.pipeline_mode<synchronous>, transform_indices = @transform_2, window_bounds = array<i64: 1024, 1024>}, {pipeline_mode = #tpu.pipeline_mode<synchronous>, transform_indices = @transform_3, window_bounds = array<i64: 256, 1024>}, {pipeline_mode = #tpu.pipeline_mode<synchronous>, transform_indices = @transform_4, window_bounds = array<i64: 256, 1024>}, {pipeline_mode = #tpu.pipeline_mode<synchronous>, transform_indices = @transform_5, window_bounds = array<i64: 1024, 256>}, {pipeline_mode = #tpu.pipeline_mode<synchronous>, transform_indices = @transform_6, window_bounds = array<i64: 1024, 256>}, {transform_indices = @transform_7, window_bounds = array<i64: 256, 32>}, {transform_indices = @transform_8, window_bounds = array<i64: 256, 32>}, {transform_indices = @transform_9, window_bounds = array<i64: 16, 256, 64>}, {transform_indices = @transform_10, window_bounds = array<i64: 16, 256, 64>}, {transform_indices = @transform_11, window_bounds = array<i64: 16, 256, 64>}]} {
    %get3A = arith.constant 0 : index
    %get3A_0 = arith.constant 0 : index
    %get3A_1 = vector.load %arg1[%get3A, %get3A_0] : memref<256x1024xf32, #tpu.memory_space<vmem>>, vector<256x1024xf32>
    %mul3A = arith.mulf %get3A_1, %get3A_1 : vector<256x1024xf32>
    %reduce_sum3A = arith.constant dense<0.000000e+00> : vector<256xf32>
    %reduce_sum3A_2 = vector.multi_reduction <add>, %mul3A, %reduce_sum3A [1] : vector<256x1024xf32> to vector<256xf32>
    %broadcast_in_dim3A = vector.shape_cast %reduce_sum3A_2 : vector<256xf32> to vector<256x1xf32>
    %div3A = arith.constant 1.024000e+03 : f32
    %div3A_3 = vector.broadcast %div3A : f32 to vector<256x1xf32>
    %div3A_4 = arith.divf %broadcast_in_dim3A, %div3A_3 : vector<256x1xf32>
    %add3A = arith.constant 9.99999997E-7 : f32
    %add3A_5 = vector.broadcast %add3A : f32 to vector<256x1xf32>
    %add3A_6 = arith.addf %div3A_4, %add3A_5 : vector<256x1xf32>
    %sqrt3A = math.sqrt %add3A_6 : vector<256x1xf32>
    %div3A_7 = vector.broadcast %sqrt3A : vector<256x1xf32> to vector<256x1024xf32>
    %div3A_8 = arith.divf %get3A_1, %div3A_7 : vector<256x1024xf32>
    %get3A_9 = arith.constant 0 : index
    %get3A_10 = arith.constant 0 : index
    %get3A_11 = vector.load %arg2[%get3A_9, %get3A_10] : memref<1x1024xf32, #tpu.memory_space<vmem>>, vector<1x1024xf32>
    %mul3A_12 = vector.broadcast %get3A_11 : vector<1x1024xf32> to vector<256x1024xf32>
    %mul3A_13 = arith.mulf %div3A_8, %mul3A_12 : vector<256x1024xf32>
    %get3A_14 = arith.constant 0 : index
    %get3A_15 = arith.constant 0 : index
    %get3A_16 = vector.load %arg3[%get3A_14, %get3A_15] : memref<1024x1024xf32, #tpu.memory_space<vmem>>, vector<1024x1024xf32>
    %dot_general3A = arith.constant dense<0.000000e+00> : vector<256x1024xf32>
    %dot_general3A_17 = tpu.matmul %mul3A_13, %get3A_16, %dot_general3A {dimension_numbers = #tpu.dot_dimension_numbers<[1], [1], [0], [0], [0, 0, 1, 0], [], []>, transpose_lhs_hint = false} : vector<256x1024xf32>, vector<1024x1024xf32>, vector<256x1024xf32> -> vector<256x1024xf32>
    %get3A_18 = arith.constant 0 : index
    %get3A_19 = arith.constant 0 : index
    %get3A_20 = vector.load %arg4[%get3A_18, %get3A_19] : memref<256x1024xf32, #tpu.memory_space<vmem>>, vector<256x1024xf32>
    %dot_general3A_21 = arith.constant dense<0.000000e+00> : vector<256x256xf32>
    %dot_general3A_22 = tpu.matmul %mul3A_13, %get3A_20, %dot_general3A_21 {dimension_numbers = #tpu.dot_dimension_numbers<[1], [1], [0], [0], [0, 0, 1, 0], [], []>, transpose_lhs_hint = false} : vector<256x1024xf32>, vector<256x1024xf32>, vector<256x256xf32> -> vector<256x256xf32>
    %get3A_23 = arith.constant 0 : index
    %get3A_24 = arith.constant 0 : index
    %get3A_25 = vector.load %arg5[%get3A_23, %get3A_24] : memref<256x1024xf32, #tpu.memory_space<vmem>>, vector<256x1024xf32>
    %dot_general3A_26 = arith.constant dense<0.000000e+00> : vector<256x256xf32>
    %dot_general3A_27 = tpu.matmul %mul3A_13, %get3A_25, %dot_general3A_26 {dimension_numbers = #tpu.dot_dimension_numbers<[1], [1], [0], [0], [0, 0, 1, 0], [], []>, transpose_lhs_hint = false} : vector<256x1024xf32>, vector<256x1024xf32>, vector<256x256xf32> -> vector<256x256xf32>
    %get3A_28 = arith.constant 0 : index
    %get3A_29 = arith.constant 0 : index
    %get3A_30 = vector.load %arg6[%get3A_28, %get3A_29] : memref<1024x256xf32, #tpu.memory_space<vmem>>, vector<1024x256xf32>
    %dot_general3A_31 = arith.constant dense<0.000000e+00> : vector<256x1024xf32>
    %dot_general3A_32 = tpu.matmul %dot_general3A_22, %get3A_30, %dot_general3A_31 {dimension_numbers = #tpu.dot_dimension_numbers<[1], [1], [0], [0], [0, 0, 1, 0], [], []>, transpose_lhs_hint = false} : vector<256x256xf32>, vector<1024x256xf32>, vector<256x1024xf32> -> vector<256x1024xf32>
    %get3A_33 = arith.constant 0 : index
    %get3A_34 = arith.constant 0 : index
    %get3A_35 = vector.load %arg7[%get3A_33, %get3A_34] : memref<1024x256xf32, #tpu.memory_space<vmem>>, vector<1024x256xf32>
    %dot_general3A_36 = arith.constant dense<0.000000e+00> : vector<256x1024xf32>
    %dot_general3A_37 = tpu.matmul %dot_general3A_27, %get3A_35, %dot_general3A_36 {dimension_numbers = #tpu.dot_dimension_numbers<[1], [1], [0], [0], [0, 0, 1, 0], [], []>, transpose_lhs_hint = false} : vector<256x256xf32>, vector<1024x256xf32>, vector<256x1024xf32> -> vector<256x1024xf32>
    %get3A_38 = arith.constant 0 : index
    %get3A_39 = arith.constant 0 : index
    %get3A_40 = vector.load %arg8[%get3A_38, %get3A_39] : memref<256x32xf32, #tpu.memory_space<vmem>>, vector<256x32xf32>
    %get3A_41 = arith.constant 0 : index
    %get3A_42 = arith.constant 0 : index
    %get3A_43 = vector.load %arg9[%get3A_41, %get3A_42] : memref<256x32xf32, #tpu.memory_space<vmem>>, vector<256x32xf32>
    %slice3A = vector.extract_strided_slice %dot_general3A_17 {offsets = [0, 0], sizes = [256, 32], strides = [1, 1]} : vector<256x1024xf32> to vector<256x32xf32>
    %slice3A_44 = vector.extract_strided_slice %dot_general3A_17 {offsets = [0, 32], sizes = [256, 32], strides = [1, 1]} : vector<256x1024xf32> to vector<256x32xf32>
    %mul3A_45 = arith.mulf %slice3A, %get3A_40 : vector<256x32xf32>
    %mul3A_46 = arith.mulf %slice3A_44, %get3A_43 : vector<256x32xf32>
    %sub3A = arith.subf %mul3A_45, %mul3A_46 : vector<256x32xf32>
    %mul3A_47 = arith.mulf %slice3A, %get3A_43 : vector<256x32xf32>
    %mul3A_48 = arith.mulf %slice3A_44, %get3A_40 : vector<256x32xf32>
    %add3A_49 = arith.addf %mul3A_47, %mul3A_48 : vector<256x32xf32>
    %concatenate3A = tpu.concatenate %sub3A, %add3A_49 in 1 : vector<256x32xf32>, vector<256x32xf32> -> vector<256x64xf32>
    %swap3A = arith.constant 0 : index
    %swap3A_50 = arith.constant 0 : index
    %swap3A_51 = arith.constant 0 : index
    %swap3A_52 = vector.load %arg10[%swap3A, %swap3A_50, %swap3A_51] : memref<16x256x64xf32, #tpu.memory_space<vmem>>, vector<1x256x64xf32>
    %swap3A_53 = vector.shape_cast %swap3A_52 : vector<1x256x64xf32> to vector<256x64xf32>
    %swap3A_54 = vector.shape_cast %concatenate3A : vector<256x64xf32> to vector<1x256x64xf32>
    tpu.vector_store %arg10[%swap3A, %swap3A_50, %swap3A_51], %swap3A_54 {strides = array<i32>} : memref<16x256x64xf32, #tpu.memory_space<vmem>>, vector<1x256x64xf32>,
    %slice3A_55 = vector.extract_strided_slice %dot_general3A_32 {offsets = [0, 0], sizes = [256, 32], strides = [1, 1]} : vector<256x1024xf32> to vector<256x32xf32>
    %slice3A_56 = vector.extract_strided_slice %dot_general3A_32 {offsets = [0, 32], sizes = [256, 32], strides = [1, 1]} : vector<256x1024xf32> to vector<256x32xf32>
    %mul3A_57 = arith.mulf %slice3A_55, %get3A_40 : vector<256x32xf32>
    %mul3A_58 = arith.mulf %slice3A_56, %get3A_43 : vector<256x32xf32>
    %sub3A_59 = arith.subf %mul3A_57, %mul3A_58 : vector<256x32xf32>
    %mul3A_60 = arith.mulf %slice3A_55, %get3A_43 : vector<256x32xf32>
    %mul3A_61 = arith.mulf %slice3A_56, %get3A_40 : vector<256x32xf32>
    %add3A_62 = arith.addf %mul3A_60, %mul3A_61 : vector<256x32xf32>
    %concatenate3A_63 = tpu.concatenate %sub3A_59, %add3A_62 in 1 : vector<256x32xf32>, vector<256x32xf32> -> vector<256x64xf32>
    %swap3A_64 = arith.constant 0 : index
    %swap3A_65 = arith.constant 0 : index
    %swap3A_66 = arith.constant 0 : index
    %swap3A_67 = vector.load %arg11[%swap3A_64, %swap3A_65, %swap3A_66] : memref<16x256x64xf32, #tpu.memory_space<vmem>>, vector<1x256x64xf32>
    %swap3A_68 = vector.shape_cast %swap3A_67 : vector<1x256x64xf32> to vector<256x64xf32>
    %swap3A_69 = vector.shape_cast %concatenate3A_63 : vector<256x64xf32> to vector<1x256x64xf32>
    tpu.vector_store %arg11[%swap3A_64, %swap3A_65, %swap3A_66], %swap3A_69 {strides = array<i32>} : memref<16x256x64xf32, #tpu.memory_space<vmem>>, vector<1x256x64xf32>,
    %slice3A_70 = vector.extract_strided_slice %dot_general3A_37 {offsets = [0, 0], sizes = [256, 64], strides = [1, 1]} : vector<256x1024xf32> to vector<256x64xf32>
    %swap3A_71 = arith.constant 0 : index
    %swap3A_72 = arith.constant 0 : index
    %swap3A_73 = arith.constant 0 : index
    %swap3A_74 = vector.load %arg12[%swap3A_71, %swap3A_72, %swap3A_73] : memref<16x256x64xf32, #tpu.memory_space<vmem>>, vector<1x256x64xf32>
    %swap3A_75 = vector.shape_cast %swap3A_74 : vector<1x256x64xf32> to vector<256x64xf32>
    %swap3A_76 = vector.shape_cast %slice3A_70 : vector<256x64xf32> to vector<1x256x64xf32>
    tpu.vector_store %arg12[%swap3A_71, %swap3A_72, %swap3A_73], %swap3A_76 {strides = array<i32>} : memref<16x256x64xf32, #tpu.memory_space<vmem>>, vector<1x256x64xf32>,
    %slice3A_77 = vector.extract_strided_slice %dot_general3A_17 {offsets = [0, 64], sizes = [256, 32], strides = [1, 1]} : vector<256x1024xf32> to vector<256x32xf32>
    %slice3A_78 = vector.extract_strided_slice %dot_general3A_17 {offsets = [0, 96], sizes = [256, 32], strides = [1, 1]} : vector<256x1024xf32> to vector<256x32xf32>
    %mul3A_79 = arith.mulf %slice3A_77, %get3A_40 : vector<256x32xf32>
    %mul3A_80 = arith.mulf %slice3A_78, %get3A_43 : vector<256x32xf32>
    %sub3A_81 = arith.subf %mul3A_79, %mul3A_80 : vector<256x32xf32>
    %mul3A_82 = arith.mulf %slice3A_77, %get3A_43 : vector<256x32xf32>
    %mul3A_83 = arith.mulf %slice3A_78, %get3A_40 : vector<256x32xf32>
    %add3A_84 = arith.addf %mul3A_82, %mul3A_83 : vector<256x32xf32>
    %concatenate3A_85 = tpu.concatenate %sub3A_81, %add3A_84 in 1 : vector<256x32xf32>, vector<256x32xf32> -> vector<256x64xf32>
    %swap3A_86 = arith.constant 1 : index
    %swap3A_87 = arith.constant 0 : index
    %swap3A_88 = arith.constant 0 : index
    %swap3A_89 = vector.load %arg10[%swap3A_86, %swap3A_87, %swap3A_88] : memref<16x256x64xf32, #tpu.memory_space<vmem>>, vector<1x256x64xf32>
    %swap3A_90 = vector.shape_cast %swap3A_89 : vector<1x256x64xf32> to vector<256x64xf32>
    %swap3A_91 = vector.shape_cast %concatenate3A_85 : vector<256x64xf32> to vector<1x256x64xf32>
    tpu.vector_store %arg10[%swap3A_86, %swap3A_87, %swap3A_88], %swap3A_91 {strides = array<i32>} : memref<16x256x64xf32, #tpu.memory_space<vmem>>, vector<1x256x64xf32>,
    %slice3A_92 = vector.extract_strided_slice %dot_general3A_32 {offsets = [0, 64], sizes = [256, 32], strides = [1, 1]} : vector<256x1024xf32> to vector<256x32xf32>
    %slice3A_93 = vector.extract_strided_slice %dot_general3A_32 {offsets = [0, 96], sizes = [256, 32], strides = [1, 1]} : vector<256x1024xf32> to vector<256x32xf32>
    %mul3A_94 = arith.mulf %slice3A_92, %get3A_40 : vector<256x32xf32>
    %mul3A_95 = arith.mulf %slice3A_93, %get3A_43 : vector<256x32xf32>
    %sub3A_96 = arith.subf %mul3A_94, %mul3A_95 : vector<256x32xf32>
    %mul3A_97 = arith.mulf %slice3A_92, %get3A_43 : vector<256x32xf32>
    %mul3A_98 = arith.mulf %slice3A_93, %get3A_40 : vector<256x32xf32>
    %add3A_99 = arith.addf %mul3A_97, %mul3A_98 : vector<256x32xf32>
    %concatenate3A_100 = tpu.concatenate %sub3A_96, %add3A_99 in 1 : vector<256x32xf32>, vector<256x32xf32> -> vector<256x64xf32>
    %swap3A_101 = arith.constant 1 : index
    %swap3A_102 = arith.constant 0 : index
    %swap3A_103 = arith.constant 0 : index
    %swap3A_104 = vector.load %arg11[%swap3A_101, %swap3A_102, %swap3A_103] : memref<16x256x64xf32, #tpu.memory_space<vmem>>, vector<1x256x64xf32>
    %swap3A_105 = vector.shape_cast %swap3A_104 : vector<1x256x64xf32> to vector<256x64xf32>
    %swap3A_106 = vector.shape_cast %concatenate3A_100 : vector<256x64xf32> to vector<1x256x64xf32>
    tpu.vector_store %arg11[%swap3A_101, %swap3A_102, %swap3A_103], %swap3A_106 {strides = array<i32>} : memref<16x256x64xf32, #tpu.memory_space<vmem>>, vector<1x256x64xf32>,
    %slice3A_107 = vector.extract_strided_slice %dot_general3A_37 {offsets = [0, 64], sizes = [256, 64], strides = [1, 1]} : vector<256x1024xf32> to vector<256x64xf32>
    %swap3A_108 = arith.constant 1 : index
    %swap3A_109 = arith.constant 0 : index
    %swap3A_110 = arith.constant 0 : index
    %swap3A_111 = vector.load %arg12[%swap3A_108, %swap3A_109, %swap3A_110] : memref<16x256x64xf32, #tpu.memory_space<vmem>>, vector<1x256x64xf32>
    %swap3A_112 = vector.shape_cast %swap3A_111 : vector<1x256x64xf32> to vector<256x64xf32>
    %swap3A_113 = vector.shape_cast %slice3A_107 : vector<256x64xf32> to vector<1x256x64xf32>
    tpu.vector_store %arg12[%swap3A_108, %swap3A_109, %swap3A_110], %swap3A_113 {strides = array<i32>} : memref<16x256x64xf32, #tpu.memory_space<vmem>>, vector<1x256x64xf32>,
    %slice3A_114 = vector.extract_strided_slice %dot_general3A_17 {offsets = [0, 128], sizes = [256, 32], strides = [1, 1]} : vector<256x1024xf32> to vector<256x32xf32>
    %slice3A_115 = vector.extract_strided_slice %dot_general3A_17 {offsets = [0, 160], sizes = [256, 32], strides = [1, 1]} : vector<256x1024xf32> to vector<256x32xf32>
    %mul3A_116 = arith.mulf %slice3A_114, %get3A_40 : vector<256x32xf32>
    %mul3A_117 = arith.mulf %slice3A_115, %get3A_43 : vector<256x32xf32>
    %sub3A_118 = arith.subf %mul3A_116, %mul3A_117 : vector<256x32xf32>
    %mul3A_119 = arith.mulf %slice3A_114, %get3A_43 : vector<256x32xf32>
    %mul3A_120 = arith.mulf %slice3A_115, %get3A_40 : vector<256x32xf32>
    %add3A_121 = arith.addf %mul3A_119, %mul3A_120 : vector<256x32xf32>
    %concatenate3A_122 = tpu.concatenate %sub3A_118, %add3A_121 in 1 : vector<256x32xf32>, vector<256x32xf32> -> vector<256x64xf32>
    %swap3A_123 = arith.constant 2 : index
    %swap3A_124 = arith.constant 0 : index
    %swap3A_125 = arith.constant 0 : index
    %swap3A_126 = vector.load %arg10[%swap3A_123, %swap3A_124, %swap3A_125] : memref<16x256x64xf32, #tpu.memory_space<vmem>>, vector<1x256x64xf32>
    %swap3A_127 = vector.shape_cast %swap3A_126 : vector<1x256x64xf32> to vector<256x64xf32>
    %swap3A_128 = vector.shape_cast %concatenate3A_122 : vector<256x64xf32> to vector<1x256x64xf32>
    tpu.vector_store %arg10[%swap3A_123, %swap3A_124, %swap3A_125], %swap3A_128 {strides = array<i32>} : memref<16x256x64xf32, #tpu.memory_space<vmem>>, vector<1x256x64xf32>,
    %slice3A_129 = vector.extract_strided_slice %dot_general3A_32 {offsets = [0, 128], sizes = [256, 32], strides = [1, 1]} : vector<256x1024xf32> to vector<256x32xf32>
    %slice3A_130 = vector.extract_strided_slice %dot_general3A_32 {offsets = [0, 160], sizes = [256, 32], strides = [1, 1]} : vector<256x1024xf32> to vector<256x32xf32>
    %mul3A_131 = arith.mulf %slice3A_129, %get3A_40 : vector<256x32xf32>
    %mul3A_132 = arith.mulf %slice3A_130, %get3A_43 : vector<256x32xf32>
    %sub3A_133 = arith.subf %mul3A_131, %mul3A_132 : vector<256x32xf32>
    %mul3A_134 = arith.mulf %slice3A_129, %get3A_43 : vector<256x32xf32>
    %mul3A_135 = arith.mulf %slice3A_130, %get3A_40 : vector<256x32xf32>
    %add3A_136 = arith.addf %mul3A_134, %mul3A_135 : vector<256x32xf32>
    %concatenate3A_137 = tpu.concatenate %sub3A_133, %add3A_136 in 1 : vector<256x32xf32>, vector<256x32xf32> -> vector<256x64xf32>
    %swap3A_138 = arith.constant 2 : index
    %swap3A_139 = arith.constant 0 : index
    %swap3A_140 = arith.constant 0 : index
    %swap3A_141 = vector.load %arg11[%swap3A_138, %swap3A_139, %swap3A_140] : memref<16x256x64xf32, #tpu.memory_space<vmem>>, vector<1x256x64xf32>
    %swap3A_142 = vector.shape_cast %swap3A_141 : vector<1x256x64xf32> to vector<256x64xf32>
    %swap3A_143 = vector.shape_cast %concatenate3A_137 : vector<256x64xf32> to vector<1x256x64xf32>
    tpu.vector_store %arg11[%swap3A_138, %swap3A_139, %swap3A_140], %swap3A_143 {strides = array<i32>} : memref<16x256x64xf32, #tpu.memory_space<vmem>>, vector<1x256x64xf32>,
    %slice3A_144 = vector.extract_strided_slice %dot_general3A_37 {offsets = [0, 128], sizes = [256, 64], strides = [1, 1]} : vector<256x1024xf32> to vector<256x64xf32>
    %swap3A_145 = arith.constant 2 : index
    %swap3A_146 = arith.constant 0 : index
    %swap3A_147 = arith.constant 0 : index
    %swap3A_148 = vector.load %arg12[%swap3A_145, %swap3A_146, %swap3A_147] : memref<16x256x64xf32, #tpu.memory_space<vmem>>, vector<1x256x64xf32>
    %swap3A_149 = vector.shape_cast %swap3A_148 : vector<1x256x64xf32> to vector<256x64xf32>
    %swap3A_150 = vector.shape_cast %slice3A_144 : vector<256x64xf32> to vector<1x256x64xf32>
    tpu.vector_store %arg12[%swap3A_145, %swap3A_146, %swap3A_147], %swap3A_150 {strides = array<i32>} : memref<16x256x64xf32, #tpu.memory_space<vmem>>, vector<1x256x64xf32>,
    %slice3A_151 = vector.extract_strided_slice %dot_general3A_17 {offsets = [0, 192], sizes = [256, 32], strides = [1, 1]} : vector<256x1024xf32> to vector<256x32xf32>
    %slice3A_152 = vector.extract_strided_slice %dot_general3A_17 {offsets = [0, 224], sizes = [256, 32], strides = [1, 1]} : vector<256x1024xf32> to vector<256x32xf32>
    %mul3A_153 = arith.mulf %slice3A_151, %get3A_40 : vector<256x32xf32>
    %mul3A_154 = arith.mulf %slice3A_152, %get3A_43 : vector<256x32xf32>
    %sub3A_155 = arith.subf %mul3A_153, %mul3A_154 : vector<256x32xf32>
    %mul3A_156 = arith.mulf %slice3A_151, %get3A_43 : vector<256x32xf32>
    %mul3A_157 = arith.mulf %slice3A_152, %get3A_40 : vector<256x32xf32>
    %add3A_158 = arith.addf %mul3A_156, %mul3A_157 : vector<256x32xf32>
    %concatenate3A_159 = tpu.concatenate %sub3A_155, %add3A_158 in 1 : vector<256x32xf32>, vector<256x32xf32> -> vector<256x64xf32>
    %swap3A_160 = arith.constant 3 : index
    %swap3A_161 = arith.constant 0 : index
    %swap3A_162 = arith.constant 0 : index
    %swap3A_163 = vector.load %arg10[%swap3A_160, %swap3A_161, %swap3A_162] : memref<16x256x64xf32, #tpu.memory_space<vmem>>, vector<1x256x64xf32>
    %swap3A_164 = vector.shape_cast %swap3A_163 : vector<1x256x64xf32> to vector<256x64xf32>
    %swap3A_165 = vector.shape_cast %concatenate3A_159 : vector<256x64xf32> to vector<1x256x64xf32>
    tpu.vector_store %arg10[%swap3A_160, %swap3A_161, %swap3A_162], %swap3A_165 {strides = array<i32>} : memref<16x256x64xf32, #tpu.memory_space<vmem>>, vector<1x256x64xf32>,
    %slice3A_166 = vector.extract_strided_slice %dot_general3A_32 {offsets = [0, 192], sizes = [256, 32], strides = [1, 1]} : vector<256x1024xf32> to vector<256x32xf32>
    %slice3A_167 = vector.extract_strided_slice %dot_general3A_32 {offsets = [0, 224], sizes = [256, 32], strides = [1, 1]} : vector<256x1024xf32> to vector<256x32xf32>
    %mul3A_168 = arith.mulf %slice3A_166, %get3A_40 : vector<256x32xf32>
    %mul3A_169 = arith.mulf %slice3A_167, %get3A_43 : vector<256x32xf32>
    %sub3A_170 = arith.subf %mul3A_168, %mul3A_169 : vector<256x32xf32>
    %mul3A_171 = arith.mulf %slice3A_166, %get3A_43 : vector<256x32xf32>
    %mul3A_172 = arith.mulf %slice3A_167, %get3A_40 : vector<256x32xf32>
    %add3A_173 = arith.addf %mul3A_171, %mul3A_172 : vector<256x32xf32>
    %concatenate3A_174 = tpu.concatenate %sub3A_170, %add3A_173 in 1 : vector<256x32xf32>, vector<256x32xf32> -> vector<256x64xf32>
    %swap3A_175 = arith.constant 3 : index
    %swap3A_176 = arith.constant 0 : index
    %swap3A_177 = arith.constant 0 : index
    %swap3A_178 = vector.load %arg11[%swap3A_175, %swap3A_176, %swap3A_177] : memref<16x256x64xf32, #tpu.memory_space<vmem>>, vector<1x256x64xf32>
    %swap3A_179 = vector.shape_cast %swap3A_178 : vector<1x256x64xf32> to vector<256x64xf32>
    %swap3A_180 = vector.shape_cast %concatenate3A_174 : vector<256x64xf32> to vector<1x256x64xf32>
    tpu.vector_store %arg11[%swap3A_175, %swap3A_176, %swap3A_177], %swap3A_180 {strides = array<i32>} : memref<16x256x64xf32, #tpu.memory_space<vmem>>, vector<1x256x64xf32>,
    %slice3A_181 = vector.extract_strided_slice %dot_general3A_37 {offsets = [0, 192], sizes = [256, 64], strides = [1, 1]} : vector<256x1024xf32> to vector<256x64xf32>
    %swap3A_182 = arith.constant 3 : index
    %swap3A_183 = arith.constant 0 : index
    %swap3A_184 = arith.constant 0 : index
    %swap3A_185 = vector.load %arg12[%swap3A_182, %swap3A_183, %swap3A_184] : memref<16x256x64xf32, #tpu.memory_space<vmem>>, vector<1x256x64xf32>
    %swap3A_186 = vector.shape_cast %swap3A_185 : vector<1x256x64xf32> to vector<256x64xf32>
    %swap3A_187 = vector.shape_cast %slice3A_181 : vector<256x64xf32> to vector<1x256x64xf32>
    tpu.vector_store %arg12[%swap3A_182, %swap3A_183, %swap3A_184], %swap3A_187 {strides = array<i32>} : memref<16x256x64xf32, #tpu.memory_space<vmem>>, vector<1x256x64xf32>,
    %slice3A_188 = vector.extract_strided_slice %dot_general3A_17 {offsets = [0, 256], sizes = [256, 32], strides = [1, 1]} : vector<256x1024xf32> to vector<256x32xf32>
    %slice3A_189 = vector.extract_strided_slice %dot_general3A_17 {offsets = [0, 288], sizes = [256, 32], strides = [1, 1]} : vector<256x1024xf32> to vector<256x32xf32>
    %mul3A_190 = arith.mulf %slice3A_188, %get3A_40 : vector<256x32xf32>
    %mul3A_191 = arith.mulf %slice3A_189, %get3A_43 : vector<256x32xf32>
    %sub3A_192 = arith.subf %mul3A_190, %mul3A_191 : vector<256x32xf32>
    %mul3A_193 = arith.mulf %slice3A_188, %get3A_43 : vector<256x32xf32>
    %mul3A_194 = arith.mulf %slice3A_189, %get3A_40 : vector<256x32xf32>
    %add3A_195 = arith.addf %mul3A_193, %mul3A_194 : vector<256x32xf32>
    %concatenate3A_196 = tpu.concatenate %sub3A_192, %add3A_195 in 1 : vector<256x32xf32>, vector<256x32xf32> -> vector<256x64xf32>
    %swap3A_197 = arith.constant 4 : index
    %swap3A_198 = arith.constant 0 : index
    %swap3A_199 = arith.constant 0 : index
    %swap3A_200 = vector.load %arg10[%swap3A_197, %swap3A_198, %swap3A_199] : memref<16x256x64xf32, #tpu.memory_space<vmem>>, vector<1x256x64xf32>
    %swap3A_201 = vector.shape_cast %swap3A_200 : vector<1x256x64xf32> to vector<256x64xf32>
    %swap3A_202 = vector.shape_cast %concatenate3A_196 : vector<256x64xf32> to vector<1x256x64xf32>
    tpu.vector_store %arg10[%swap3A_197, %swap3A_198, %swap3A_199], %swap3A_202 {strides = array<i32>} : memref<16x256x64xf32, #tpu.memory_space<vmem>>, vector<1x256x64xf32>,
    %slice3A_203 = vector.extract_strided_slice %dot_general3A_32 {offsets = [0, 256], sizes = [256, 32], strides = [1, 1]} : vector<256x1024xf32> to vector<256x32xf32>
    %slice3A_204 = vector.extract_strided_slice %dot_general3A_32 {offsets = [0, 288], sizes = [256, 32], strides = [1, 1]} : vector<256x1024xf32> to vector<256x32xf32>
    %mul3A_205 = arith.mulf %slice3A_203, %get3A_40 : vector<256x32xf32>
    %mul3A_206 = arith.mulf %slice3A_204, %get3A_43 : vector<256x32xf32>
    %sub3A_207 = arith.subf %mul3A_205, %mul3A_206 : vector<256x32xf32>
    %mul3A_208 = arith.mulf %slice3A_203, %get3A_43 : vector<256x32xf32>
    %mul3A_209 = arith.mulf %slice3A_204, %get3A_40 : vector<256x32xf32>
    %add3A_210 = arith.addf %mul3A_208, %mul3A_209 : vector<256x32xf32>
    %concatenate3A_211 = tpu.concatenate %sub3A_207, %add3A_210 in 1 : vector<256x32xf32>, vector<256x32xf32> -> vector<256x64xf32>
    %swap3A_212 = arith.constant 4 : index
    %swap3A_213 = arith.constant 0 : index
    %swap3A_214 = arith.constant 0 : index
    %swap3A_215 = vector.load %arg11[%swap3A_212, %swap3A_213, %swap3A_214] : memref<16x256x64xf32, #tpu.memory_space<vmem>>, vector<1x256x64xf32>
    %swap3A_216 = vector.shape_cast %swap3A_215 : vector<1x256x64xf32> to vector<256x64xf32>
    %swap3A_217 = vector.shape_cast %concatenate3A_211 : vector<256x64xf32> to vector<1x256x64xf32>
    tpu.vector_store %arg11[%swap3A_212, %swap3A_213, %swap3A_214], %swap3A_217 {strides = array<i32>} : memref<16x256x64xf32, #tpu.memory_space<vmem>>, vector<1x256x64xf32>,
    %slice3A_218 = vector.extract_strided_slice %dot_general3A_37 {offsets = [0, 256], sizes = [256, 64], strides = [1, 1]} : vector<256x1024xf32> to vector<256x64xf32>
    %swap3A_219 = arith.constant 4 : index
    %swap3A_220 = arith.constant 0 : index
    %swap3A_221 = arith.constant 0 : index
    %swap3A_222 = vector.load %arg12[%swap3A_219, %swap3A_220, %swap3A_221] : memref<16x256x64xf32, #tpu.memory_space<vmem>>, vector<1x256x64xf32>
    %swap3A_223 = vector.shape_cast %swap3A_222 : vector<1x256x64xf32> to vector<256x64xf32>
    %swap3A_224 = vector.shape_cast %slice3A_218 : vector<256x64xf32> to vector<1x256x64xf32>
    tpu.vector_store %arg12[%swap3A_219, %swap3A_220, %swap3A_221], %swap3A_224 {strides = array<i32>} : memref<16x256x64xf32, #tpu.memory_space<vmem>>, vector<1x256x64xf32>,
    %slice3A_225 = vector.extract_strided_slice %dot_general3A_17 {offsets = [0, 320], sizes = [256, 32], strides = [1, 1]} : vector<256x1024xf32> to vector<256x32xf32>
    %slice3A_226 = vector.extract_strided_slice %dot_general3A_17 {offsets = [0, 352], sizes = [256, 32], strides = [1, 1]} : vector<256x1024xf32> to vector<256x32xf32>
    %mul3A_227 = arith.mulf %slice3A_225, %get3A_40 : vector<256x32xf32>
    %mul3A_228 = arith.mulf %slice3A_226, %get3A_43 : vector<256x32xf32>
    %sub3A_229 = arith.subf %mul3A_227, %mul3A_228 : vector<256x32xf32>
    %mul3A_230 = arith.mulf %slice3A_225, %get3A_43 : vector<256x32xf32>
    %mul3A_231 = arith.mulf %slice3A_226, %get3A_40 : vector<256x32xf32>
    %add3A_232 = arith.addf %mul3A_230, %mul3A_231 : vector<256x32xf32>
    %concatenate3A_233 = tpu.concatenate %sub3A_229, %add3A_232 in 1 : vector<256x32xf32>, vector<256x32xf32> -> vector<256x64xf32>
    %swap3A_234 = arith.constant 5 : index
    %swap3A_235 = arith.constant 0 : index
    %swap3A_236 = arith.constant 0 : index
    %swap3A_237 = vector.load %arg10[%swap3A_234, %swap3A_235, %swap3A_236] : memref<16x256x64xf32, #tpu.memory_space<vmem>>, vector<1x256x64xf32>
    %swap3A_238 = vector.shape_cast %swap3A_237 : vector<1x256x64xf32> to vector<256x64xf32>
    %swap3A_239 = vector.shape_cast %concatenate3A_233 : vector<256x64xf32> to vector<1x256x64xf32>
    tpu.vector_store %arg10[%swap3A_234, %swap3A_235, %swap3A_236], %swap3A_239 {strides = array<i32>} : memref<16x256x64xf32, #tpu.memory_space<vmem>>, vector<1x256x64xf32>,
    %slice3A_240 = vector.extract_strided_slice %dot_general3A_32 {offsets = [0, 320], sizes = [256, 32], strides = [1, 1]} : vector<256x1024xf32> to vector<256x32xf32>
    %slice3A_241 = vector.extract_strided_slice %dot_general3A_32 {offsets = [0, 352], sizes = [256, 32], strides = [1, 1]} : vector<256x1024xf32> to vector<256x32xf32>
    %mul3A_242 = arith.mulf %slice3A_240, %get3A_40 : vector<256x32xf32>
    %mul3A_243 = arith.mulf %slice3A_241, %get3A_43 : vector<256x32xf32>
    %sub3A_244 = arith.subf %mul3A_242, %mul3A_243 : vector<256x32xf32>
    %mul3A_245 = arith.mulf %slice3A_240, %get3A_43 : vector<256x32xf32>
    %mul3A_246 = arith.mulf %slice3A_241, %get3A_40 : vector<256x32xf32>
    %add3A_247 = arith.addf %mul3A_245, %mul3A_246 : vector<256x32xf32>
    %concatenate3A_248 = tpu.concatenate %sub3A_244, %add3A_247 in 1 : vector<256x32xf32>, vector<256x32xf32> -> vector<256x64xf32>
    %swap3A_249 = arith.constant 5 : index
    %swap3A_250 = arith.constant 0 : index
    %swap3A_251 = arith.constant 0 : index
    %swap3A_252 = vector.load %arg11[%swap3A_249, %swap3A_250, %swap3A_251] : memref<16x256x64xf32, #tpu.memory_space<vmem>>, vector<1x256x64xf32>
    %swap3A_253 = vector.shape_cast %swap3A_252 : vector<1x256x64xf32> to vector<256x64xf32>
    %swap3A_254 = vector.shape_cast %concatenate3A_248 : vector<256x64xf32> to vector<1x256x64xf32>
    tpu.vector_store %arg11[%swap3A_249, %swap3A_250, %swap3A_251], %swap3A_254 {strides = array<i32>} : memref<16x256x64xf32, #tpu.memory_space<vmem>>, vector<1x256x64xf32>,
    %slice3A_255 = vector.extract_strided_slice %dot_general3A_37 {offsets = [0, 320], sizes = [256, 64], strides = [1, 1]} : vector<256x1024xf32> to vector<256x64xf32>
    %swap3A_256 = arith.constant 5 : index
    %swap3A_257 = arith.constant 0 : index
    %swap3A_258 = arith.constant 0 : index
    %swap3A_259 = vector.load %arg12[%swap3A_256, %swap3A_257, %swap3A_258] : memref<16x256x64xf32, #tpu.memory_space<vmem>>, vector<1x256x64xf32>
    %swap3A_260 = vector.shape_cast %swap3A_259 : vector<1x256x64xf32> to vector<256x64xf32>
    %swap3A_261 = vector.shape_cast %slice3A_255 : vector<256x64xf32> to vector<1x256x64xf32>
    tpu.vector_store %arg12[%swap3A_256, %swap3A_257, %swap3A_258], %swap3A_261 {strides = array<i32>} : memref<16x256x64xf32, #tpu.memory_space<vmem>>, vector<1x256x64xf32>,
    %slice3A_262 = vector.extract_strided_slice %dot_general3A_17 {offsets = [0, 384], sizes = [256, 32], strides = [1, 1]} : vector<256x1024xf32> to vector<256x32xf32>
    %slice3A_263 = vector.extract_strided_slice %dot_general3A_17 {offsets = [0, 416], sizes = [256, 32], strides = [1, 1]} : vector<256x1024xf32> to vector<256x32xf32>
    %mul3A_264 = arith.mulf %slice3A_262, %get3A_40 : vector<256x32xf32>
    %mul3A_265 = arith.mulf %slice3A_263, %get3A_43 : vector<256x32xf32>
    %sub3A_266 = arith.subf %mul3A_264, %mul3A_265 : vector<256x32xf32>
    %mul3A_267 = arith.mulf %slice3A_262, %get3A_43 : vector<256x32xf32>
    %mul3A_268 = arith.mulf %slice3A_263, %get3A_40 : vector<256x32xf32>
    %add3A_269 = arith.addf %mul3A_267, %mul3A_268 : vector<256x32xf32>
    %concatenate3A_270 = tpu.concatenate %sub3A_266, %add3A_269 in 1 : vector<256x32xf32>, vector<256x32xf32> -> vector<256x64xf32>
    %swap3A_271 = arith.constant 6 : index
    %swap3A_272 = arith.constant 0 : index
    %swap3A_273 = arith.constant 0 : index
    %swap3A_274 = vector.load %arg10[%swap3A_271, %swap3A_272, %swap3A_273] : memref<16x256x64xf32, #tpu.memory_space<vmem>>, vector<1x256x64xf32>
    %swap3A_275 = vector.shape_cast %swap3A_274 : vector<1x256x64xf32> to vector<256x64xf32>
    %swap3A_276 = vector.shape_cast %concatenate3A_270 : vector<256x64xf32> to vector<1x256x64xf32>
    tpu.vector_store %arg10[%swap3A_271, %swap3A_272, %swap3A_273], %swap3A_276 {strides = array<i32>} : memref<16x256x64xf32, #tpu.memory_space<vmem>>, vector<1x256x64xf32>,
    %slice3A_277 = vector.extract_strided_slice %dot_general3A_32 {offsets = [0, 384], sizes = [256, 32], strides = [1, 1]} : vector<256x1024xf32> to vector<256x32xf32>
    %slice3A_278 = vector.extract_strided_slice %dot_general3A_32 {offsets = [0, 416], sizes = [256, 32], strides = [1, 1]} : vector<256x1024xf32> to vector<256x32xf32>
    %mul3A_279 = arith.mulf %slice3A_277, %get3A_40 : vector<256x32xf32>
    %mul3A_280 = arith.mulf %slice3A_278, %get3A_43 : vector<256x32xf32>
    %sub3A_281 = arith.subf %mul3A_279, %mul3A_280 : vector<256x32xf32>
    %mul3A_282 = arith.mulf %slice3A_277, %get3A_43 : vector<256x32xf32>
    %mul3A_283 = arith.mulf %slice3A_278, %get3A_40 : vector<256x32xf32>
    %add3A_284 = arith.addf %mul3A_282, %mul3A_283 : vector<256x32xf32>
    %concatenate3A_285 = tpu.concatenate %sub3A_281, %add3A_284 in 1 : vector<256x32xf32>, vector<256x32xf32> -> vector<256x64xf32>
    %swap3A_286 = arith.constant 6 : index
    %swap3A_287 = arith.constant 0 : index
    %swap3A_288 = arith.constant 0 : index
    %swap3A_289 = vector.load %arg11[%swap3A_286, %swap3A_287, %swap3A_288] : memref<16x256x64xf32, #tpu.memory_space<vmem>>, vector<1x256x64xf32>
    %swap3A_290 = vector.shape_cast %swap3A_289 : vector<1x256x64xf32> to vector<256x64xf32>
    %swap3A_291 = vector.shape_cast %concatenate3A_285 : vector<256x64xf32> to vector<1x256x64xf32>
    tpu.vector_store %arg11[%swap3A_286, %swap3A_287, %swap3A_288], %swap3A_291 {strides = array<i32>} : memref<16x256x64xf32, #tpu.memory_space<vmem>>, vector<1x256x64xf32>,
    %slice3A_292 = vector.extract_strided_slice %dot_general3A_37 {offsets = [0, 384], sizes = [256, 64], strides = [1, 1]} : vector<256x1024xf32> to vector<256x64xf32>
    %swap3A_293 = arith.constant 6 : index
    %swap3A_294 = arith.constant 0 : index
    %swap3A_295 = arith.constant 0 : index
    %swap3A_296 = vector.load %arg12[%swap3A_293, %swap3A_294, %swap3A_295] : memref<16x256x64xf32, #tpu.memory_space<vmem>>, vector<1x256x64xf32>
    %swap3A_297 = vector.shape_cast %swap3A_296 : vector<1x256x64xf32> to vector<256x64xf32>
    %swap3A_298 = vector.shape_cast %slice3A_292 : vector<256x64xf32> to vector<1x256x64xf32>
    tpu.vector_store %arg12[%swap3A_293, %swap3A_294, %swap3A_295], %swap3A_298 {strides = array<i32>} : memref<16x256x64xf32, #tpu.memory_space<vmem>>, vector<1x256x64xf32>,
    %slice3A_299 = vector.extract_strided_slice %dot_general3A_17 {offsets = [0, 448], sizes = [256, 32], strides = [1, 1]} : vector<256x1024xf32> to vector<256x32xf32>
    %slice3A_300 = vector.extract_strided_slice %dot_general3A_17 {offsets = [0, 480], sizes = [256, 32], strides = [1, 1]} : vector<256x1024xf32> to vector<256x32xf32>
    %mul3A_301 = arith.mulf %slice3A_299, %get3A_40 : vector<256x32xf32>
    %mul3A_302 = arith.mulf %slice3A_300, %get3A_43 : vector<256x32xf32>
    %sub3A_303 = arith.subf %mul3A_301, %mul3A_302 : vector<256x32xf32>
    %mul3A_304 = arith.mulf %slice3A_299, %get3A_43 : vector<256x32xf32>
    %mul3A_305 = arith.mulf %slice3A_300, %get3A_40 : vector<256x32xf32>
    %add3A_306 = arith.addf %mul3A_304, %mul3A_305 : vector<256x32xf32>
    %concatenate3A_307 = tpu.concatenate %sub3A_303, %add3A_306 in 1 : vector<256x32xf32>, vector<256x32xf32> -> vector<256x64xf32>
    %swap3A_308 = arith.constant 7 : index
    %swap3A_309 = arith.constant 0 : index
    %swap3A_310 = arith.constant 0 : index
    %swap3A_311 = vector.load %arg10[%swap3A_308, %swap3A_309, %swap3A_310] : memref<16x256x64xf32, #tpu.memory_space<vmem>>, vector<1x256x64xf32>
    %swap3A_312 = vector.shape_cast %swap3A_311 : vector<1x256x64xf32> to vector<256x64xf32>
    %swap3A_313 = vector.shape_cast %concatenate3A_307 : vector<256x64xf32> to vector<1x256x64xf32>
    tpu.vector_store %arg10[%swap3A_308, %swap3A_309, %swap3A_310], %swap3A_313 {strides = array<i32>} : memref<16x256x64xf32, #tpu.memory_space<vmem>>, vector<1x256x64xf32>,
    %slice3A_314 = vector.extract_strided_slice %dot_general3A_32 {offsets = [0, 448], sizes = [256, 32], strides = [1, 1]} : vector<256x1024xf32> to vector<256x32xf32>
    %slice3A_315 = vector.extract_strided_slice %dot_general3A_32 {offsets = [0, 480], sizes = [256, 32], strides = [1, 1]} : vector<256x1024xf32> to vector<256x32xf32>
    %mul3A_316 = arith.mulf %slice3A_314, %get3A_40 : vector<256x32xf32>
    %mul3A_317 = arith.mulf %slice3A_315, %get3A_43 : vector<256x32xf32>
    %sub3A_318 = arith.subf %mul3A_316, %mul3A_317 : vector<256x32xf32>
    %mul3A_319 = arith.mulf %slice3A_314, %get3A_43 : vector<256x32xf32>
    %mul3A_320 = arith.mulf %slice3A_315, %get3A_40 : vector<256x32xf32>
    %add3A_321 = arith.addf %mul3A_319, %mul3A_320 : vector<256x32xf32>
    %concatenate3A_322 = tpu.concatenate %sub3A_318, %add3A_321 in 1 : vector<256x32xf32>, vector<256x32xf32> -> vector<256x64xf32>
    %swap3A_323 = arith.constant 7 : index
    %swap3A_324 = arith.constant 0 : index
    %swap3A_325 = arith.constant 0 : index
    %swap3A_326 = vector.load %arg11[%swap3A_323, %swap3A_324, %swap3A_325] : memref<16x256x64xf32, #tpu.memory_space<vmem>>, vector<1x256x64xf32>
    %swap3A_327 = vector.shape_cast %swap3A_326 : vector<1x256x64xf32> to vector<256x64xf32>
    %swap3A_328 = vector.shape_cast %concatenate3A_322 : vector<256x64xf32> to vector<1x256x64xf32>
    tpu.vector_store %arg11[%swap3A_323, %swap3A_324, %swap3A_325], %swap3A_328 {strides = array<i32>} : memref<16x256x64xf32, #tpu.memory_space<vmem>>, vector<1x256x64xf32>,
    %slice3A_329 = vector.extract_strided_slice %dot_general3A_37 {offsets = [0, 448], sizes = [256, 64], strides = [1, 1]} : vector<256x1024xf32> to vector<256x64xf32>
    %swap3A_330 = arith.constant 7 : index
    %swap3A_331 = arith.constant 0 : index
    %swap3A_332 = arith.constant 0 : index
    %swap3A_333 = vector.load %arg12[%swap3A_330, %swap3A_331, %swap3A_332] : memref<16x256x64xf32, #tpu.memory_space<vmem>>, vector<1x256x64xf32>
    %swap3A_334 = vector.shape_cast %swap3A_333 : vector<1x256x64xf32> to vector<256x64xf32>
    %swap3A_335 = vector.shape_cast %slice3A_329 : vector<256x64xf32> to vector<1x256x64xf32>
    tpu.vector_store %arg12[%swap3A_330, %swap3A_331, %swap3A_332], %swap3A_335 {strides = array<i32>} : memref<16x256x64xf32, #tpu.memory_space<vmem>>, vector<1x256x64xf32>,
    %slice3A_336 = vector.extract_strided_slice %dot_general3A_17 {offsets = [0, 512], sizes = [256, 32], strides = [1, 1]} : vector<256x1024xf32> to vector<256x32xf32>
    %slice3A_337 = vector.extract_strided_slice %dot_general3A_17 {offsets = [0, 544], sizes = [256, 32], strides = [1, 1]} : vector<256x1024xf32> to vector<256x32xf32>
    %mul3A_338 = arith.mulf %slice3A_336, %get3A_40 : vector<256x32xf32>
    %mul3A_339 = arith.mulf %slice3A_337, %get3A_43 : vector<256x32xf32>
    %sub3A_340 = arith.subf %mul3A_338, %mul3A_339 : vector<256x32xf32>
    %mul3A_341 = arith.mulf %slice3A_336, %get3A_43 : vector<256x32xf32>
    %mul3A_342 = arith.mulf %slice3A_337, %get3A_40 : vector<256x32xf32>
    %add3A_343 = arith.addf %mul3A_341, %mul3A_342 : vector<256x32xf32>
    %concatenate3A_344 = tpu.concatenate %sub3A_340, %add3A_343 in 1 : vector<256x32xf32>, vector<256x32xf32> -> vector<256x64xf32>
    %swap3A_345 = arith.constant 8 : index
    %swap3A_346 = arith.constant 0 : index
    %swap3A_347 = arith.constant 0 : index
    %swap3A_348 = vector.load %arg10[%swap3A_345, %swap3A_346, %swap3A_347] : memref<16x256x64xf32, #tpu.memory_space<vmem>>, vector<1x256x64xf32>
    %swap3A_349 = vector.shape_cast %swap3A_348 : vector<1x256x64xf32> to vector<256x64xf32>
    %swap3A_350 = vector.shape_cast %concatenate3A_344 : vector<256x64xf32> to vector<1x256x64xf32>
    tpu.vector_store %arg10[%swap3A_345, %swap3A_346, %swap3A_347], %swap3A_350 {strides = array<i32>} : memref<16x256x64xf32, #tpu.memory_space<vmem>>, vector<1x256x64xf32>,
    %slice3A_351 = vector.extract_strided_slice %dot_general3A_32 {offsets = [0, 512], sizes = [256, 32], strides = [1, 1]} : vector<256x1024xf32> to vector<256x32xf32>
    %slice3A_352 = vector.extract_strided_slice %dot_general3A_32 {offsets = [0, 544], sizes = [256, 32], strides = [1, 1]} : vector<256x1024xf32> to vector<256x32xf32>
    %mul3A_353 = arith.mulf %slice3A_351, %get3A_40 : vector<256x32xf32>
    %mul3A_354 = arith.mulf %slice3A_352, %get3A_43 : vector<256x32xf32>
    %sub3A_355 = arith.subf %mul3A_353, %mul3A_354 : vector<256x32xf32>
    %mul3A_356 = arith.mulf %slice3A_351, %get3A_43 : vector<256x32xf32>
    %mul3A_357 = arith.mulf %slice3A_352, %get3A_40 : vector<256x32xf32>
    %add3A_358 = arith.addf %mul3A_356, %mul3A_357 : vector<256x32xf32>
    %concatenate3A_359 = tpu.concatenate %sub3A_355, %add3A_358 in 1 : vector<256x32xf32>, vector<256x32xf32> -> vector<256x64xf32>
    %swap3A_360 = arith.constant 8 : index
    %swap3A_361 = arith.constant 0 : index
    %swap3A_362 = arith.constant 0 : index
    %swap3A_363 = vector.load %arg11[%swap3A_360, %swap3A_361, %swap3A_362] : memref<16x256x64xf32, #tpu.memory_space<vmem>>, vector<1x256x64xf32>
    %swap3A_364 = vector.shape_cast %swap3A_363 : vector<1x256x64xf32> to vector<256x64xf32>
    %swap3A_365 = vector.shape_cast %concatenate3A_359 : vector<256x64xf32> to vector<1x256x64xf32>
    tpu.vector_store %arg11[%swap3A_360, %swap3A_361, %swap3A_362], %swap3A_365 {strides = array<i32>} : memref<16x256x64xf32, #tpu.memory_space<vmem>>, vector<1x256x64xf32>,
    %slice3A_366 = vector.extract_strided_slice %dot_general3A_37 {offsets = [0, 512], sizes = [256, 64], strides = [1, 1]} : vector<256x1024xf32> to vector<256x64xf32>
    %swap3A_367 = arith.constant 8 : index
    %swap3A_368 = arith.constant 0 : index
    %swap3A_369 = arith.constant 0 : index
    %swap3A_370 = vector.load %arg12[%swap3A_367, %swap3A_368, %swap3A_369] : memref<16x256x64xf32, #tpu.memory_space<vmem>>, vector<1x256x64xf32>
    %swap3A_371 = vector.shape_cast %swap3A_370 : vector<1x256x64xf32> to vector<256x64xf32>
    %swap3A_372 = vector.shape_cast %slice3A_366 : vector<256x64xf32> to vector<1x256x64xf32>
    tpu.vector_store %arg12[%swap3A_367, %swap3A_368, %swap3A_369], %swap3A_372 {strides = array<i32>} : memref<16x256x64xf32, #tpu.memory_space<vmem>>, vector<1x256x64xf32>,
    %slice3A_373 = vector.extract_strided_slice %dot_general3A_17 {offsets = [0, 576], sizes = [256, 32], strides = [1, 1]} : vector<256x1024xf32> to vector<256x32xf32>
    %slice3A_374 = vector.extract_strided_slice %dot_general3A_17 {offsets = [0, 608], sizes = [256, 32], strides = [1, 1]} : vector<256x1024xf32> to vector<256x32xf32>
    %mul3A_375 = arith.mulf %slice3A_373, %get3A_40 : vector<256x32xf32>
    %mul3A_376 = arith.mulf %slice3A_374, %get3A_43 : vector<256x32xf32>
    %sub3A_377 = arith.subf %mul3A_375, %mul3A_376 : vector<256x32xf32>
    %mul3A_378 = arith.mulf %slice3A_373, %get3A_43 : vector<256x32xf32>
    %mul3A_379 = arith.mulf %slice3A_374, %get3A_40 : vector<256x32xf32>
    %add3A_380 = arith.addf %mul3A_378, %mul3A_379 : vector<256x32xf32>
    %concatenate3A_381 = tpu.concatenate %sub3A_377, %add3A_380 in 1 : vector<256x32xf32>, vector<256x32xf32> -> vector<256x64xf32>
    %swap3A_382 = arith.constant 9 : index
    %swap3A_383 = arith.constant 0 : index
    %swap3A_384 = arith.constant 0 : index
    %swap3A_385 = vector.load %arg10[%swap3A_382, %swap3A_383, %swap3A_384] : memref<16x256x64xf32, #tpu.memory_space<vmem>>, vector<1x256x64xf32>
    %swap3A_386 = vector.shape_cast %swap3A_385 : vector<1x256x64xf32> to vector<256x64xf32>
    %swap3A_387 = vector.shape_cast %concatenate3A_381 : vector<256x64xf32> to vector<1x256x64xf32>
    tpu.vector_store %arg10[%swap3A_382, %swap3A_383, %swap3A_384], %swap3A_387 {strides = array<i32>} : memref<16x256x64xf32, #tpu.memory_space<vmem>>, vector<1x256x64xf32>,
    %slice3A_388 = vector.extract_strided_slice %dot_general3A_32 {offsets = [0, 576], sizes = [256, 32], strides = [1, 1]} : vector<256x1024xf32> to vector<256x32xf32>
    %slice3A_389 = vector.extract_strided_slice %dot_general3A_32 {offsets = [0, 608], sizes = [256, 32], strides = [1, 1]} : vector<256x1024xf32> to vector<256x32xf32>
    %mul3A_390 = arith.mulf %slice3A_388, %get3A_40 : vector<256x32xf32>
    %mul3A_391 = arith.mulf %slice3A_389, %get3A_43 : vector<256x32xf32>
    %sub3A_392 = arith.subf %mul3A_390, %mul3A_391 : vector<256x32xf32>
    %mul3A_393 = arith.mulf %slice3A_388, %get3A_43 : vector<256x32xf32>
    %mul3A_394 = arith.mulf %slice3A_389, %get3A_40 : vector<256x32xf32>
    %add3A_395 = arith.addf %mul3A_393, %mul3A_394 : vector<256x32xf32>
    %concatenate3A_396 = tpu.concatenate %sub3A_392, %add3A_395 in 1 : vector<256x32xf32>, vector<256x32xf32> -> vector<256x64xf32>
    %swap3A_397 = arith.constant 9 : index
    %swap3A_398 = arith.constant 0 : index
    %swap3A_399 = arith.constant 0 : index
    %swap3A_400 = vector.load %arg11[%swap3A_397, %swap3A_398, %swap3A_399] : memref<16x256x64xf32, #tpu.memory_space<vmem>>, vector<1x256x64xf32>
    %swap3A_401 = vector.shape_cast %swap3A_400 : vector<1x256x64xf32> to vector<256x64xf32>
    %swap3A_402 = vector.shape_cast %concatenate3A_396 : vector<256x64xf32> to vector<1x256x64xf32>
    tpu.vector_store %arg11[%swap3A_397, %swap3A_398, %swap3A_399], %swap3A_402 {strides = array<i32>} : memref<16x256x64xf32, #tpu.memory_space<vmem>>, vector<1x256x64xf32>,
    %slice3A_403 = vector.extract_strided_slice %dot_general3A_37 {offsets = [0, 576], sizes = [256, 64], strides = [1, 1]} : vector<256x1024xf32> to vector<256x64xf32>
    %swap3A_404 = arith.constant 9 : index
    %swap3A_405 = arith.constant 0 : index
    %swap3A_406 = arith.constant 0 : index
    %swap3A_407 = vector.load %arg12[%swap3A_404, %swap3A_405, %swap3A_406] : memref<16x256x64xf32, #tpu.memory_space<vmem>>, vector<1x256x64xf32>
    %swap3A_408 = vector.shape_cast %swap3A_407 : vector<1x256x64xf32> to vector<256x64xf32>
    %swap3A_409 = vector.shape_cast %slice3A_403 : vector<256x64xf32> to vector<1x256x64xf32>
    tpu.vector_store %arg12[%swap3A_404, %swap3A_405, %swap3A_406], %swap3A_409 {strides = array<i32>} : memref<16x256x64xf32, #tpu.memory_space<vmem>>, vector<1x256x64xf32>,
    %slice3A_410 = vector.extract_strided_slice %dot_general3A_17 {offsets = [0, 640], sizes = [256, 32], strides = [1, 1]} : vector<256x1024xf32> to vector<256x32xf32>
    %slice3A_411 = vector.extract_strided_slice %dot_general3A_17 {offsets = [0, 672], sizes = [256, 32], strides = [1, 1]} : vector<256x1024xf32> to vector<256x32xf32>
    %mul3A_412 = arith.mulf %slice3A_410, %get3A_40 : vector<256x32xf32>
    %mul3A_413 = arith.mulf %slice3A_411, %get3A_43 : vector<256x32xf32>
    %sub3A_414 = arith.subf %mul3A_412, %mul3A_413 : vector<256x32xf32>
    %mul3A_415 = arith.mulf %slice3A_410, %get3A_43 : vector<256x32xf32>
    %mul3A_416 = arith.mulf %slice3A_411, %get3A_40 : vector<256x32xf32>
    %add3A_417 = arith.addf %mul3A_415, %mul3A_416 : vector<256x32xf32>
    %concatenate3A_418 = tpu.concatenate %sub3A_414, %add3A_417 in 1 : vector<256x32xf32>, vector<256x32xf32> -> vector<256x64xf32>
    %swap3A_419 = arith.constant 10 : index
    %swap3A_420 = arith.constant 0 : index
    %swap3A_421 = arith.constant 0 : index
    %swap3A_422 = vector.load %arg10[%swap3A_419, %swap3A_420, %swap3A_421] : memref<16x256x64xf32, #tpu.memory_space<vmem>>, vector<1x256x64xf32>
    %swap3A_423 = vector.shape_cast %swap3A_422 : vector<1x256x64xf32> to vector<256x64xf32>
    %swap3A_424 = vector.shape_cast %concatenate3A_418 : vector<256x64xf32> to vector<1x256x64xf32>
    tpu.vector_store %arg10[%swap3A_419, %swap3A_420, %swap3A_421], %swap3A_424 {strides = array<i32>} : memref<16x256x64xf32, #tpu.memory_space<vmem>>, vector<1x256x64xf32>,
    %slice3A_425 = vector.extract_strided_slice %dot_general3A_32 {offsets = [0, 640], sizes = [256, 32], strides = [1, 1]} : vector<256x1024xf32> to vector<256x32xf32>
    %slice3A_426 = vector.extract_strided_slice %dot_general3A_32 {offsets = [0, 672], sizes = [256, 32], strides = [1, 1]} : vector<256x1024xf32> to vector<256x32xf32>
    %mul3A_427 = arith.mulf %slice3A_425, %get3A_40 : vector<256x32xf32>
    %mul3A_428 = arith.mulf %slice3A_426, %get3A_43 : vector<256x32xf32>
    %sub3A_429 = arith.subf %mul3A_427, %mul3A_428 : vector<256x32xf32>
    %mul3A_430 = arith.mulf %slice3A_425, %get3A_43 : vector<256x32xf32>
    %mul3A_431 = arith.mulf %slice3A_426, %get3A_40 : vector<256x32xf32>
    %add3A_432 = arith.addf %mul3A_430, %mul3A_431 : vector<256x32xf32>
    %concatenate3A_433 = tpu.concatenate %sub3A_429, %add3A_432 in 1 : vector<256x32xf32>, vector<256x32xf32> -> vector<256x64xf32>
    %swap3A_434 = arith.constant 10 : index
    %swap3A_435 = arith.constant 0 : index
    %swap3A_436 = arith.constant 0 : index
    %swap3A_437 = vector.load %arg11[%swap3A_434, %swap3A_435, %swap3A_436] : memref<16x256x64xf32, #tpu.memory_space<vmem>>, vector<1x256x64xf32>
    %swap3A_438 = vector.shape_cast %swap3A_437 : vector<1x256x64xf32> to vector<256x64xf32>
    %swap3A_439 = vector.shape_cast %concatenate3A_433 : vector<256x64xf32> to vector<1x256x64xf32>
    tpu.vector_store %arg11[%swap3A_434, %swap3A_435, %swap3A_436], %swap3A_439 {strides = array<i32>} : memref<16x256x64xf32, #tpu.memory_space<vmem>>, vector<1x256x64xf32>,
    %slice3A_440 = vector.extract_strided_slice %dot_general3A_37 {offsets = [0, 640], sizes = [256, 64], strides = [1, 1]} : vector<256x1024xf32> to vector<256x64xf32>
    %swap3A_441 = arith.constant 10 : index
    %swap3A_442 = arith.constant 0 : index
    %swap3A_443 = arith.constant 0 : index
    %swap3A_444 = vector.load %arg12[%swap3A_441, %swap3A_442, %swap3A_443] : memref<16x256x64xf32, #tpu.memory_space<vmem>>, vector<1x256x64xf32>
    %swap3A_445 = vector.shape_cast %swap3A_444 : vector<1x256x64xf32> to vector<256x64xf32>
    %swap3A_446 = vector.shape_cast %slice3A_440 : vector<256x64xf32> to vector<1x256x64xf32>
    tpu.vector_store %arg12[%swap3A_441, %swap3A_442, %swap3A_443], %swap3A_446 {strides = array<i32>} : memref<16x256x64xf32, #tpu.memory_space<vmem>>, vector<1x256x64xf32>,
    %slice3A_447 = vector.extract_strided_slice %dot_general3A_17 {offsets = [0, 704], sizes = [256, 32], strides = [1, 1]} : vector<256x1024xf32> to vector<256x32xf32>
    %slice3A_448 = vector.extract_strided_slice %dot_general3A_17 {offsets = [0, 736], sizes = [256, 32], strides = [1, 1]} : vector<256x1024xf32> to vector<256x32xf32>
    %mul3A_449 = arith.mulf %slice3A_447, %get3A_40 : vector<256x32xf32>
    %mul3A_450 = arith.mulf %slice3A_448, %get3A_43 : vector<256x32xf32>
    %sub3A_451 = arith.subf %mul3A_449, %mul3A_450 : vector<256x32xf32>
    %mul3A_452 = arith.mulf %slice3A_447, %get3A_43 : vector<256x32xf32>
    %mul3A_453 = arith.mulf %slice3A_448, %get3A_40 : vector<256x32xf32>
    %add3A_454 = arith.addf %mul3A_452, %mul3A_453 : vector<256x32xf32>
    %concatenate3A_455 = tpu.concatenate %sub3A_451, %add3A_454 in 1 : vector<256x32xf32>, vector<256x32xf32> -> vector<256x64xf32>
    %swap3A_456 = arith.constant 11 : index
    %swap3A_457 = arith.constant 0 : index
    %swap3A_458 = arith.constant 0 : index
    %swap3A_459 = vector.load %arg10[%swap3A_456, %swap3A_457, %swap3A_458] : memref<16x256x64xf32, #tpu.memory_space<vmem>>, vector<1x256x64xf32>
    %swap3A_460 = vector.shape_cast %swap3A_459 : vector<1x256x64xf32> to vector<256x64xf32>
    %swap3A_461 = vector.shape_cast %concatenate3A_455 : vector<256x64xf32> to vector<1x256x64xf32>
    tpu.vector_store %arg10[%swap3A_456, %swap3A_457, %swap3A_458], %swap3A_461 {strides = array<i32>} : memref<16x256x64xf32, #tpu.memory_space<vmem>>, vector<1x256x64xf32>,
    %slice3A_462 = vector.extract_strided_slice %dot_general3A_32 {offsets = [0, 704], sizes = [256, 32], strides = [1, 1]} : vector<256x1024xf32> to vector<256x32xf32>
    %slice3A_463 = vector.extract_strided_slice %dot_general3A_32 {offsets = [0, 736], sizes = [256, 32], strides = [1, 1]} : vector<256x1024xf32> to vector<256x32xf32>
    %mul3A_464 = arith.mulf %slice3A_462, %get3A_40 : vector<256x32xf32>
    %mul3A_465 = arith.mulf %slice3A_463, %get3A_43 : vector<256x32xf32>
    %sub3A_466 = arith.subf %mul3A_464, %mul3A_465 : vector<256x32xf32>
    %mul3A_467 = arith.mulf %slice3A_462, %get3A_43 : vector<256x32xf32>
    %mul3A_468 = arith.mulf %slice3A_463, %get3A_40 : vector<256x32xf32>
    %add3A_469 = arith.addf %mul3A_467, %mul3A_468 : vector<256x32xf32>
    %concatenate3A_470 = tpu.concatenate %sub3A_466, %add3A_469 in 1 : vector<256x32xf32>, vector<256x32xf32> -> vector<256x64xf32>
    %swap3A_471 = arith.constant 11 : index
    %swap3A_472 = arith.constant 0 : index
    %swap3A_473 = arith.constant 0 : index
    %swap3A_474 = vector.load %arg11[%swap3A_471, %swap3A_472, %swap3A_473] : memref<16x256x64xf32, #tpu.memory_space<vmem>>, vector<1x256x64xf32>
    %swap3A_475 = vector.shape_cast %swap3A_474 : vector<1x256x64xf32> to vector<256x64xf32>
    %swap3A_476 = vector.shape_cast %concatenate3A_470 : vector<256x64xf32> to vector<1x256x64xf32>
    tpu.vector_store %arg11[%swap3A_471, %swap3A_472, %swap3A_473], %swap3A_476 {strides = array<i32>} : memref<16x256x64xf32, #tpu.memory_space<vmem>>, vector<1x256x64xf32>,
    %slice3A_477 = vector.extract_strided_slice %dot_general3A_37 {offsets = [0, 704], sizes = [256, 64], strides = [1, 1]} : vector<256x1024xf32> to vector<256x64xf32>
    %swap3A_478 = arith.constant 11 : index
    %swap3A_479 = arith.constant 0 : index
    %swap3A_480 = arith.constant 0 : index
    %swap3A_481 = vector.load %arg12[%swap3A_478, %swap3A_479, %swap3A_480] : memref<16x256x64xf32, #tpu.memory_space<vmem>>, vector<1x256x64xf32>
    %swap3A_482 = vector.shape_cast %swap3A_481 : vector<1x256x64xf32> to vector<256x64xf32>
    %swap3A_483 = vector.shape_cast %slice3A_477 : vector<256x64xf32> to vector<1x256x64xf32>
    tpu.vector_store %arg12[%swap3A_478, %swap3A_479, %swap3A_480], %swap3A_483 {strides = array<i32>} : memref<16x256x64xf32, #tpu.memory_space<vmem>>, vector<1x256x64xf32>,
    %slice3A_484 = vector.extract_strided_slice %dot_general3A_17 {offsets = [0, 768], sizes = [256, 32], strides = [1, 1]} : vector<256x1024xf32> to vector<256x32xf32>
    %slice3A_485 = vector.extract_strided_slice %dot_general3A_17 {offsets = [0, 800], sizes = [256, 32], strides = [1, 1]} : vector<256x1024xf32> to vector<256x32xf32>
    %mul3A_486 = arith.mulf %slice3A_484, %get3A_40 : vector<256x32xf32>
    %mul3A_487 = arith.mulf %slice3A_485, %get3A_43 : vector<256x32xf32>
    %sub3A_488 = arith.subf %mul3A_486, %mul3A_487 : vector<256x32xf32>
    %mul3A_489 = arith.mulf %slice3A_484, %get3A_43 : vector<256x32xf32>
    %mul3A_490 = arith.mulf %slice3A_485, %get3A_40 : vector<256x32xf32>
    %add3A_491 = arith.addf %mul3A_489, %mul3A_490 : vector<256x32xf32>
    %concatenate3A_492 = tpu.concatenate %sub3A_488, %add3A_491 in 1 : vector<256x32xf32>, vector<256x32xf32> -> vector<256x64xf32>
    %swap3A_493 = arith.constant 12 : index
    %swap3A_494 = arith.constant 0 : index
    %swap3A_495 = arith.constant 0 : index
    %swap3A_496 = vector.load %arg10[%swap3A_493, %swap3A_494, %swap3A_495] : memref<16x256x64xf32, #tpu.memory_space<vmem>>, vector<1x256x64xf32>
    %swap3A_497 = vector.shape_cast %swap3A_496 : vector<1x256x64xf32> to vector<256x64xf32>
    %swap3A_498 = vector.shape_cast %concatenate3A_492 : vector<256x64xf32> to vector<1x256x64xf32>
    tpu.vector_store %arg10[%swap3A_493, %swap3A_494, %swap3A_495], %swap3A_498 {strides = array<i32>} : memref<16x256x64xf32, #tpu.memory_space<vmem>>, vector<1x256x64xf32>,
    %slice3A_499 = vector.extract_strided_slice %dot_general3A_32 {offsets = [0, 768], sizes = [256, 32], strides = [1, 1]} : vector<256x1024xf32> to vector<256x32xf32>
    %slice3A_500 = vector.extract_strided_slice %dot_general3A_32 {offsets = [0, 800], sizes = [256, 32], strides = [1, 1]} : vector<256x1024xf32> to vector<256x32xf32>
    %mul3A_501 = arith.mulf %slice3A_499, %get3A_40 : vector<256x32xf32>
    %mul3A_502 = arith.mulf %slice3A_500, %get3A_43 : vector<256x32xf32>
    %sub3A_503 = arith.subf %mul3A_501, %mul3A_502 : vector<256x32xf32>
    %mul3A_504 = arith.mulf %slice3A_499, %get3A_43 : vector<256x32xf32>
    %mul3A_505 = arith.mulf %slice3A_500, %get3A_40 : vector<256x32xf32>
    %add3A_506 = arith.addf %mul3A_504, %mul3A_505 : vector<256x32xf32>
    %concatenate3A_507 = tpu.concatenate %sub3A_503, %add3A_506 in 1 : vector<256x32xf32>, vector<256x32xf32> -> vector<256x64xf32>
    %swap3A_508 = arith.constant 12 : index
    %swap3A_509 = arith.constant 0 : index
    %swap3A_510 = arith.constant 0 : index
    %swap3A_511 = vector.load %arg11[%swap3A_508, %swap3A_509, %swap3A_510] : memref<16x256x64xf32, #tpu.memory_space<vmem>>, vector<1x256x64xf32>
    %swap3A_512 = vector.shape_cast %swap3A_511 : vector<1x256x64xf32> to vector<256x64xf32>
    %swap3A_513 = vector.shape_cast %concatenate3A_507 : vector<256x64xf32> to vector<1x256x64xf32>
    tpu.vector_store %arg11[%swap3A_508, %swap3A_509, %swap3A_510], %swap3A_513 {strides = array<i32>} : memref<16x256x64xf32, #tpu.memory_space<vmem>>, vector<1x256x64xf32>,
    %slice3A_514 = vector.extract_strided_slice %dot_general3A_37 {offsets = [0, 768], sizes = [256, 64], strides = [1, 1]} : vector<256x1024xf32> to vector<256x64xf32>
    %swap3A_515 = arith.constant 12 : index
    %swap3A_516 = arith.constant 0 : index
    %swap3A_517 = arith.constant 0 : index
    %swap3A_518 = vector.load %arg12[%swap3A_515, %swap3A_516, %swap3A_517] : memref<16x256x64xf32, #tpu.memory_space<vmem>>, vector<1x256x64xf32>
    %swap3A_519 = vector.shape_cast %swap3A_518 : vector<1x256x64xf32> to vector<256x64xf32>
    %swap3A_520 = vector.shape_cast %slice3A_514 : vector<256x64xf32> to vector<1x256x64xf32>
    tpu.vector_store %arg12[%swap3A_515, %swap3A_516, %swap3A_517], %swap3A_520 {strides = array<i32>} : memref<16x256x64xf32, #tpu.memory_space<vmem>>, vector<1x256x64xf32>,
    %slice3A_521 = vector.extract_strided_slice %dot_general3A_17 {offsets = [0, 832], sizes = [256, 32], strides = [1, 1]} : vector<256x1024xf32> to vector<256x32xf32>
    %slice3A_522 = vector.extract_strided_slice %dot_general3A_17 {offsets = [0, 864], sizes = [256, 32], strides = [1, 1]} : vector<256x1024xf32> to vector<256x32xf32>
    %mul3A_523 = arith.mulf %slice3A_521, %get3A_40 : vector<256x32xf32>
    %mul3A_524 = arith.mulf %slice3A_522, %get3A_43 : vector<256x32xf32>
    %sub3A_525 = arith.subf %mul3A_523, %mul3A_524 : vector<256x32xf32>
    %mul3A_526 = arith.mulf %slice3A_521, %get3A_43 : vector<256x32xf32>
    %mul3A_527 = arith.mulf %slice3A_522, %get3A_40 : vector<256x32xf32>
    %add3A_528 = arith.addf %mul3A_526, %mul3A_527 : vector<256x32xf32>
    %concatenate3A_529 = tpu.concatenate %sub3A_525, %add3A_528 in 1 : vector<256x32xf32>, vector<256x32xf32> -> vector<256x64xf32>
    %swap3A_530 = arith.constant 13 : index
    %swap3A_531 = arith.constant 0 : index
    %swap3A_532 = arith.constant 0 : index
    %swap3A_533 = vector.load %arg10[%swap3A_530, %swap3A_531, %swap3A_532] : memref<16x256x64xf32, #tpu.memory_space<vmem>>, vector<1x256x64xf32>
    %swap3A_534 = vector.shape_cast %swap3A_533 : vector<1x256x64xf32> to vector<256x64xf32>
    %swap3A_535 = vector.shape_cast %concatenate3A_529 : vector<256x64xf32> to vector<1x256x64xf32>
    tpu.vector_store %arg10[%swap3A_530, %swap3A_531, %swap3A_532], %swap3A_535 {strides = array<i32>} : memref<16x256x64xf32, #tpu.memory_space<vmem>>, vector<1x256x64xf32>,
    %slice3A_536 = vector.extract_strided_slice %dot_general3A_32 {offsets = [0, 832], sizes = [256, 32], strides = [1, 1]} : vector<256x1024xf32> to vector<256x32xf32>
    %slice3A_537 = vector.extract_strided_slice %dot_general3A_32 {offsets = [0, 864], sizes = [256, 32], strides = [1, 1]} : vector<256x1024xf32> to vector<256x32xf32>
    %mul3A_538 = arith.mulf %slice3A_536, %get3A_40 : vector<256x32xf32>
    %mul3A_539 = arith.mulf %slice3A_537, %get3A_43 : vector<256x32xf32>
    %sub3A_540 = arith.subf %mul3A_538, %mul3A_539 : vector<256x32xf32>
    %mul3A_541 = arith.mulf %slice3A_536, %get3A_43 : vector<256x32xf32>
    %mul3A_542 = arith.mulf %slice3A_537, %get3A_40 : vector<256x32xf32>
    %add3A_543 = arith.addf %mul3A_541, %mul3A_542 : vector<256x32xf32>
    %concatenate3A_544 = tpu.concatenate %sub3A_540, %add3A_543 in 1 : vector<256x32xf32>, vector<256x32xf32> -> vector<256x64xf32>
    %swap3A_545 = arith.constant 13 : index
    %swap3A_546 = arith.constant 0 : index
    %swap3A_547 = arith.constant 0 : index
    %swap3A_548 = vector.load %arg11[%swap3A_545, %swap3A_546, %swap3A_547] : memref<16x256x64xf32, #tpu.memory_space<vmem>>, vector<1x256x64xf32>
    %swap3A_549 = vector.shape_cast %swap3A_548 : vector<1x256x64xf32> to vector<256x64xf32>
    %swap3A_550 = vector.shape_cast %concatenate3A_544 : vector<256x64xf32> to vector<1x256x64xf32>
    tpu.vector_store %arg11[%swap3A_545, %swap3A_546, %swap3A_547], %swap3A_550 {strides = array<i32>} : memref<16x256x64xf32, #tpu.memory_space<vmem>>, vector<1x256x64xf32>,
    %slice3A_551 = vector.extract_strided_slice %dot_general3A_37 {offsets = [0, 832], sizes = [256, 64], strides = [1, 1]} : vector<256x1024xf32> to vector<256x64xf32>
    %swap3A_552 = arith.constant 13 : index
    %swap3A_553 = arith.constant 0 : index
    %swap3A_554 = arith.constant 0 : index
    %swap3A_555 = vector.load %arg12[%swap3A_552, %swap3A_553, %swap3A_554] : memref<16x256x64xf32, #tpu.memory_space<vmem>>, vector<1x256x64xf32>
    %swap3A_556 = vector.shape_cast %swap3A_555 : vector<1x256x64xf32> to vector<256x64xf32>
    %swap3A_557 = vector.shape_cast %slice3A_551 : vector<256x64xf32> to vector<1x256x64xf32>
    tpu.vector_store %arg12[%swap3A_552, %swap3A_553, %swap3A_554], %swap3A_557 {strides = array<i32>} : memref<16x256x64xf32, #tpu.memory_space<vmem>>, vector<1x256x64xf32>,
    %slice3A_558 = vector.extract_strided_slice %dot_general3A_17 {offsets = [0, 896], sizes = [256, 32], strides = [1, 1]} : vector<256x1024xf32> to vector<256x32xf32>
    %slice3A_559 = vector.extract_strided_slice %dot_general3A_17 {offsets = [0, 928], sizes = [256, 32], strides = [1, 1]} : vector<256x1024xf32> to vector<256x32xf32>
    %mul3A_560 = arith.mulf %slice3A_558, %get3A_40 : vector<256x32xf32>
    %mul3A_561 = arith.mulf %slice3A_559, %get3A_43 : vector<256x32xf32>
    %sub3A_562 = arith.subf %mul3A_560, %mul3A_561 : vector<256x32xf32>
    %mul3A_563 = arith.mulf %slice3A_558, %get3A_43 : vector<256x32xf32>
    %mul3A_564 = arith.mulf %slice3A_559, %get3A_40 : vector<256x32xf32>
    %add3A_565 = arith.addf %mul3A_563, %mul3A_564 : vector<256x32xf32>
    %concatenate3A_566 = tpu.concatenate %sub3A_562, %add3A_565 in 1 : vector<256x32xf32>, vector<256x32xf32> -> vector<256x64xf32>
    %swap3A_567 = arith.constant 14 : index
    %swap3A_568 = arith.constant 0 : index
    %swap3A_569 = arith.constant 0 : index
    %swap3A_570 = vector.load %arg10[%swap3A_567, %swap3A_568, %swap3A_569] : memref<16x256x64xf32, #tpu.memory_space<vmem>>, vector<1x256x64xf32>
    %swap3A_571 = vector.shape_cast %swap3A_570 : vector<1x256x64xf32> to vector<256x64xf32>
    %swap3A_572 = vector.shape_cast %concatenate3A_566 : vector<256x64xf32> to vector<1x256x64xf32>
    tpu.vector_store %arg10[%swap3A_567, %swap3A_568, %swap3A_569], %swap3A_572 {strides = array<i32>} : memref<16x256x64xf32, #tpu.memory_space<vmem>>, vector<1x256x64xf32>,
    %slice3A_573 = vector.extract_strided_slice %dot_general3A_32 {offsets = [0, 896], sizes = [256, 32], strides = [1, 1]} : vector<256x1024xf32> to vector<256x32xf32>
    %slice3A_574 = vector.extract_strided_slice %dot_general3A_32 {offsets = [0, 928], sizes = [256, 32], strides = [1, 1]} : vector<256x1024xf32> to vector<256x32xf32>
    %mul3A_575 = arith.mulf %slice3A_573, %get3A_40 : vector<256x32xf32>
    %mul3A_576 = arith.mulf %slice3A_574, %get3A_43 : vector<256x32xf32>
    %sub3A_577 = arith.subf %mul3A_575, %mul3A_576 : vector<256x32xf32>
    %mul3A_578 = arith.mulf %slice3A_573, %get3A_43 : vector<256x32xf32>
    %mul3A_579 = arith.mulf %slice3A_574, %get3A_40 : vector<256x32xf32>
    %add3A_580 = arith.addf %mul3A_578, %mul3A_579 : vector<256x32xf32>
    %concatenate3A_581 = tpu.concatenate %sub3A_577, %add3A_580 in 1 : vector<256x32xf32>, vector<256x32xf32> -> vector<256x64xf32>
    %swap3A_582 = arith.constant 14 : index
    %swap3A_583 = arith.constant 0 : index
    %swap3A_584 = arith.constant 0 : index
    %swap3A_585 = vector.load %arg11[%swap3A_582, %swap3A_583, %swap3A_584] : memref<16x256x64xf32, #tpu.memory_space<vmem>>, vector<1x256x64xf32>
    %swap3A_586 = vector.shape_cast %swap3A_585 : vector<1x256x64xf32> to vector<256x64xf32>
    %swap3A_587 = vector.shape_cast %concatenate3A_581 : vector<256x64xf32> to vector<1x256x64xf32>
    tpu.vector_store %arg11[%swap3A_582, %swap3A_583, %swap3A_584], %swap3A_587 {strides = array<i32>} : memref<16x256x64xf32, #tpu.memory_space<vmem>>, vector<1x256x64xf32>,
    %slice3A_588 = vector.extract_strided_slice %dot_general3A_37 {offsets = [0, 896], sizes = [256, 64], strides = [1, 1]} : vector<256x1024xf32> to vector<256x64xf32>
    %swap3A_589 = arith.constant 14 : index
    %swap3A_590 = arith.constant 0 : index
    %swap3A_591 = arith.constant 0 : index
    %swap3A_592 = vector.load %arg12[%swap3A_589, %swap3A_590, %swap3A_591] : memref<16x256x64xf32, #tpu.memory_space<vmem>>, vector<1x256x64xf32>
    %swap3A_593 = vector.shape_cast %swap3A_592 : vector<1x256x64xf32> to vector<256x64xf32>
    %swap3A_594 = vector.shape_cast %slice3A_588 : vector<256x64xf32> to vector<1x256x64xf32>
    tpu.vector_store %arg12[%swap3A_589, %swap3A_590, %swap3A_591], %swap3A_594 {strides = array<i32>} : memref<16x256x64xf32, #tpu.memory_space<vmem>>, vector<1x256x64xf32>,
    %slice3A_595 = vector.extract_strided_slice %dot_general3A_17 {offsets = [0, 960], sizes = [256, 32], strides = [1, 1]} : vector<256x1024xf32> to vector<256x32xf32>
    %slice3A_596 = vector.extract_strided_slice %dot_general3A_17 {offsets = [0, 992], sizes = [256, 32], strides = [1, 1]} : vector<256x1024xf32> to vector<256x32xf32>
    %mul3A_597 = arith.mulf %slice3A_595, %get3A_40 : vector<256x32xf32>
    %mul3A_598 = arith.mulf %slice3A_596, %get3A_43 : vector<256x32xf32>
    %sub3A_599 = arith.subf %mul3A_597, %mul3A_598 : vector<256x32xf32>
    %mul3A_600 = arith.mulf %slice3A_595, %get3A_43 : vector<256x32xf32>
    %mul3A_601 = arith.mulf %slice3A_596, %get3A_40 : vector<256x32xf32>
    %add3A_602 = arith.addf %mul3A_600, %mul3A_601 : vector<256x32xf32>
    %concatenate3A_603 = tpu.concatenate %sub3A_599, %add3A_602 in 1 : vector<256x32xf32>, vector<256x32xf32> -> vector<256x64xf32>
    %swap3A_604 = arith.constant 15 : index
    %swap3A_605 = arith.constant 0 : index
    %swap3A_606 = arith.constant 0 : index
    %swap3A_607 = vector.load %arg10[%swap3A_604, %swap3A_605, %swap3A_606] : memref<16x256x64xf32, #tpu.memory_space<vmem>>, vector<1x256x64xf32>
    %swap3A_608 = vector.shape_cast %swap3A_607 : vector<1x256x64xf32> to vector<256x64xf32>
    %swap3A_609 = vector.shape_cast %concatenate3A_603 : vector<256x64xf32> to vector<1x256x64xf32>
    tpu.vector_store %arg10[%swap3A_604, %swap3A_605, %swap3A_606], %swap3A_609 {strides = array<i32>} : memref<16x256x64xf32, #tpu.memory_space<vmem>>, vector<1x256x64xf32>,
    %slice3A_610 = vector.extract_strided_slice %dot_general3A_32 {offsets = [0, 960], sizes = [256, 32], strides = [1, 1]} : vector<256x1024xf32> to vector<256x32xf32>
    %slice3A_611 = vector.extract_strided_slice %dot_general3A_32 {offsets = [0, 992], sizes = [256, 32], strides = [1, 1]} : vector<256x1024xf32> to vector<256x32xf32>
    %mul3A_612 = arith.mulf %slice3A_610, %get3A_40 : vector<256x32xf32>
    %mul3A_613 = arith.mulf %slice3A_611, %get3A_43 : vector<256x32xf32>
    %sub3A_614 = arith.subf %mul3A_612, %mul3A_613 : vector<256x32xf32>
    %mul3A_615 = arith.mulf %slice3A_610, %get3A_43 : vector<256x32xf32>
    %mul3A_616 = arith.mulf %slice3A_611, %get3A_40 : vector<256x32xf32>
    %add3A_617 = arith.addf %mul3A_615, %mul3A_616 : vector<256x32xf32>
    %concatenate3A_618 = tpu.concatenate %sub3A_614, %add3A_617 in 1 : vector<256x32xf32>, vector<256x32xf32> -> vector<256x64xf32>
    %swap3A_619 = arith.constant 15 : index
    %swap3A_620 = arith.constant 0 : index
    %swap3A_621 = arith.constant 0 : index
    %swap3A_622 = vector.load %arg11[%swap3A_619, %swap3A_620, %swap3A_621] : memref<16x256x64xf32, #tpu.memory_space<vmem>>, vector<1x256x64xf32>
    %swap3A_623 = vector.shape_cast %swap3A_622 : vector<1x256x64xf32> to vector<256x64xf32>
    %swap3A_624 = vector.shape_cast %concatenate3A_618 : vector<256x64xf32> to vector<1x256x64xf32>
    tpu.vector_store %arg11[%swap3A_619, %swap3A_620, %swap3A_621], %swap3A_624 {strides = array<i32>} : memref<16x256x64xf32, #tpu.memory_space<vmem>>, vector<1x256x64xf32>,
    %slice3A_625 = vector.extract_strided_slice %dot_general3A_37 {offsets = [0, 960], sizes = [256, 64], strides = [1, 1]} : vector<256x1024xf32> to vector<256x64xf32>
    %swap3A_626 = arith.constant 15 : index
    %swap3A_627 = arith.constant 0 : index
    %swap3A_628 = arith.constant 0 : index
    %swap3A_629 = vector.load %arg12[%swap3A_626, %swap3A_627, %swap3A_628] : memref<16x256x64xf32, #tpu.memory_space<vmem>>, vector<1x256x64xf32>
    %swap3A_630 = vector.shape_cast %swap3A_629 : vector<1x256x64xf32> to vector<256x64xf32>
    %swap3A_631 = vector.shape_cast %slice3A_625 : vector<256x64xf32> to vector<1x256x64xf32>
    tpu.vector_store %arg12[%swap3A_626, %swap3A_627, %swap3A_628], %swap3A_631 {strides = array<i32>} : memref<16x256x64xf32, #tpu.memory_space<vmem>>, vector<1x256x64xf32>,
    return
  }
  func.func @transform_0(%arg0: i32) -> (i32, i32) {
    %c0_i32 = arith.constant 0 : i32
    %c0_i32_0 = arith.constant 0 : i32
    return %arg0, %c0_i32 : i32, i32
  }
  func.func @transform_1(%arg0: i32) -> (i32, i32) {
    %c0_i32 = arith.constant 0 : i32
    %c0_i32_0 = arith.constant 0 : i32
    %c0_i32_1 = arith.constant 0 : i32
    return %c0_i32, %c0_i32_0 : i32, i32
  }
  func.func @transform_2(%arg0: i32) -> (i32, i32) {
    %c0_i32 = arith.constant 0 : i32
    %c0_i32_0 = arith.constant 0 : i32
    %c0_i32_1 = arith.constant 0 : i32
    return %c0_i32, %c0_i32_0 : i32, i32
  }
  func.func @transform_3(%arg0: i32) -> (i32, i32) {
    %c0_i32 = arith.constant 0 : i32
    %c0_i32_0 = arith.constant 0 : i32
    %c0_i32_1 = arith.constant 0 : i32
    return %c0_i32, %c0_i32_0 : i32, i32
  }
  func.func @transform_4(%arg0: i32) -> (i32, i32) {
    %c0_i32 = arith.constant 0 : i32
    %c0_i32_0 = arith.constant 0 : i32
    %c0_i32_1 = arith.constant 0 : i32
    return %c0_i32, %c0_i32_0 : i32, i32
  }
  func.func @transform_5(%arg0: i32) -> (i32, i32) {
    %c0_i32 = arith.constant 0 : i32
    %c0_i32_0 = arith.constant 0 : i32
    %c0_i32_1 = arith.constant 0 : i32
    return %c0_i32, %c0_i32_0 : i32, i32
  }
  func.func @transform_6(%arg0: i32) -> (i32, i32) {
    %c0_i32 = arith.constant 0 : i32
    %c0_i32_0 = arith.constant 0 : i32
    %c0_i32_1 = arith.constant 0 : i32
    return %c0_i32, %c0_i32_0 : i32, i32
  }
  func.func @transform_7(%arg0: i32) -> (i32, i32) {
    %c0_i32 = arith.constant 0 : i32
    %c0_i32_0 = arith.constant 0 : i32
    return %arg0, %c0_i32 : i32, i32
  }
  func.func @transform_8(%arg0: i32) -> (i32, i32) {
    %c0_i32 = arith.constant 0 : i32
    %c0_i32_0 = arith.constant 0 : i32
    return %arg0, %c0_i32 : i32, i32
  }
  func.func @transform_9(%arg0: i32) -> (i32, i32, i32) {
    %c0_i32 = arith.constant 0 : i32
    %c0_i32_0 = arith.constant 0 : i32
    %c0_i32_1 = arith.constant 0 : i32
    return %c0_i32, %arg0, %c0_i32_0 : i32, i32, i32
  }
  func.func @transform_10(%arg0: i32) -> (i32, i32, i32) {
    %c0_i32 = arith.constant 0 : i32
    %c0_i32_0 = arith.constant 0 : i32
    %c0_i32_1 = arith.constant 0 : i32
    return %c0_i32, %arg0, %c0_i32_0 : i32, i32, i32
  }
  func.func @transform_11(%arg0: i32) -> (i32, i32, i32) {
    %c0_i32 = arith.constant 0 : i32
    %c0_i32_0 = arith.constant 0 : i32
    %c0_i32_1 = arith.constant 0 : i32
    return %c0_i32, %arg0, %c0_i32_0 : i32, i32, i32
  }
}

module attributes {stable_mosaic.version = 14 : i64} {
  func.func @_attn_body(%arg0: i32, %arg1: i32, %arg2: memref<1x256x64xf32, #tpu.memory_space<vmem>>, %arg3: memref<1x2048x64xf32, #tpu.memory_space<vmem>>, %arg4: memref<1x2048x64xf32, #tpu.memory_space<vmem>>, %arg5: memref<1x256x64xf32, #tpu.memory_space<vmem>>) attributes {dimension_semantics = [#tpu.dimension_semantics<arbitrary>, #tpu.dimension_semantics<arbitrary>], iteration_bounds = array<i64: 16, 8>, scalar_prefetch = 0 : i64, scratch_operands = 0 : i64, tpu.core_type = #tpu.core_type<tc>, window_params = [{transform_indices = @transform_0, window_bounds = array<i64: 1, 256, 64>}, {transform_indices = @transform_1, window_bounds = array<i64: 1, 2048, 64>}, {transform_indices = @transform_2, window_bounds = array<i64: 1, 2048, 64>}, {transform_indices = @transform_3, window_bounds = array<i64: 1, 256, 64>}]} {
    %get3A = arith.constant 0 : index
    %get3A_0 = arith.constant 0 : index
    %get3A_1 = arith.constant 0 : index
    %get3A_2 = vector.load %arg2[%get3A, %get3A_0, %get3A_1] : memref<1x256x64xf32, #tpu.memory_space<vmem>>, vector<1x256x64xf32>
    %get3A_3 = vector.shape_cast %get3A_2 : vector<1x256x64xf32> to vector<256x64xf32>
    %get3A_4 = arith.constant 0 : index
    %get3A_5 = arith.constant 0 : index
    %get3A_6 = arith.constant 0 : index
    %get3A_7 = vector.load %arg3[%get3A_4, %get3A_5, %get3A_6] : memref<1x2048x64xf32, #tpu.memory_space<vmem>>, vector<1x2048x64xf32>
    %get3A_8 = vector.shape_cast %get3A_7 : vector<1x2048x64xf32> to vector<2048x64xf32>
    %dot_general3A = arith.constant dense<0.000000e+00> : vector<256x2048xf32>
    %dot_general3A_9 = tpu.matmul %get3A_3, %get3A_8, %dot_general3A {dimension_numbers = #tpu.dot_dimension_numbers<[1], [1], [0], [0], [0, 0, 1, 0], [], []>, transpose_lhs_hint = false} : vector<256x64xf32>, vector<2048x64xf32>, vector<256x2048xf32> -> vector<256x2048xf32>
    %mul3A = arith.constant 1.250000e-01 : f32
    %mul3A_10 = vector.broadcast %mul3A : f32 to vector<256x2048xf32>
    %mul3A_11 = arith.mulf %dot_general3A_9, %mul3A_10 : vector<256x2048xf32>
    %reduce_max3A = arith.constant dense<0xFF800000> : vector<256xf32>
    %reduce_max3A_12 = vector.multi_reduction <maximumf>, %mul3A_11, %reduce_max3A [1] : vector<256x2048xf32> to vector<256xf32>
    %broadcast_in_dim3A = vector.shape_cast %reduce_max3A_12 : vector<256xf32> to vector<256x1xf32>
    %sub3A = vector.broadcast %broadcast_in_dim3A : vector<256x1xf32> to vector<256x2048xf32>
    %sub3A_13 = arith.subf %mul3A_11, %sub3A : vector<256x2048xf32>
    %exp3A = math.exp %sub3A_13 : vector<256x2048xf32>
    %reduce_sum3A = arith.constant dense<0.000000e+00> : vector<256xf32>
    %reduce_sum3A_14 = vector.multi_reduction <add>, %exp3A, %reduce_sum3A [1] : vector<256x2048xf32> to vector<256xf32>
    %broadcast_in_dim3A_15 = vector.shape_cast %reduce_sum3A_14 : vector<256xf32> to vector<256x1xf32>
    %get3A_16 = arith.constant 0 : index
    %get3A_17 = arith.constant 0 : index
    %get3A_18 = arith.constant 0 : index
    %get3A_19 = vector.load %arg4[%get3A_16, %get3A_17, %get3A_18] : memref<1x2048x64xf32, #tpu.memory_space<vmem>>, vector<1x2048x64xf32>
    %get3A_20 = vector.shape_cast %get3A_19 : vector<1x2048x64xf32> to vector<2048x64xf32>
    %dot_general3A_21 = arith.constant dense<0.000000e+00> : vector<256x64xf32>
    %dot_general3A_22 = tpu.matmul %exp3A, %get3A_20, %dot_general3A_21 {dimension_numbers = #tpu.dot_dimension_numbers<[1], [0], [0], [1], [0, 0, 1, 1], [], []>, transpose_lhs_hint = false} : vector<256x2048xf32>, vector<2048x64xf32>, vector<256x64xf32> -> vector<256x64xf32>
    %div3A = vector.broadcast %broadcast_in_dim3A_15 : vector<256x1xf32> to vector<256x64xf32>
    %div3A_23 = arith.divf %dot_general3A_22, %div3A : vector<256x64xf32>
    %swap3A = arith.constant 0 : index
    %swap3A_24 = arith.constant 0 : index
    %swap3A_25 = arith.constant 0 : index
    %swap3A_26 = vector.load %arg5[%swap3A, %swap3A_24, %swap3A_25] : memref<1x256x64xf32, #tpu.memory_space<vmem>>, vector<1x256x64xf32>
    %swap3A_27 = vector.shape_cast %swap3A_26 : vector<1x256x64xf32> to vector<256x64xf32>
    %swap3A_28 = vector.shape_cast %div3A_23 : vector<256x64xf32> to vector<1x256x64xf32>
    tpu.vector_store %arg5[%swap3A, %swap3A_24, %swap3A_25], %swap3A_28 {strides = array<i32>} : memref<1x256x64xf32, #tpu.memory_space<vmem>>, vector<1x256x64xf32>,
    return
  }
  func.func @transform_0(%arg0: i32, %arg1: i32) -> (i32, i32, i32) {
    %c0_i32 = arith.constant 0 : i32
    %c0_i32_0 = arith.constant 0 : i32
    return %arg0, %arg1, %c0_i32 : i32, i32, i32
  }
  func.func @transform_1(%arg0: i32, %arg1: i32) -> (i32, i32, i32) {
    %c0_i32 = arith.constant 0 : i32
    %c0_i32_0 = arith.constant 0 : i32
    %c0_i32_1 = arith.constant 0 : i32
    return %arg0, %c0_i32, %c0_i32_0 : i32, i32, i32
  }
  func.func @transform_2(%arg0: i32, %arg1: i32) -> (i32, i32, i32) {
    %c0_i32 = arith.constant 0 : i32
    %c0_i32_0 = arith.constant 0 : i32
    %c0_i32_1 = arith.constant 0 : i32
    return %arg0, %c0_i32, %c0_i32_0 : i32, i32, i32
  }
  func.func @transform_3(%arg0: i32, %arg1: i32) -> (i32, i32, i32) {
    %c0_i32 = arith.constant 0 : i32
    %c0_i32_0 = arith.constant 0 : i32
    return %arg0, %arg1, %c0_i32 : i32, i32, i32
  }
}

module attributes {stable_mosaic.version = 14 : i64} {
  func.func @_gates_body(%arg0: i32, %arg1: memref<256x1024xf32, #tpu.memory_space<vmem>>, %arg2: memref<2x1024xf32, #tpu.memory_space<vmem>>, %arg3: memref<8x1024xf32, #tpu.memory_space<vmem>>, %arg4: memref<1x2xf32, #tpu.memory_space<vmem>>, %arg5: memref<1x8xf32, #tpu.memory_space<vmem>>, %arg6: memref<256x2xi32, #tpu.memory_space<vmem>>, %arg7: memref<256x2xf32, #tpu.memory_space<vmem>>) attributes {dimension_semantics = [#tpu.dimension_semantics<arbitrary>], iteration_bounds = array<i64: 8>, scalar_prefetch = 0 : i64, scratch_operands = 0 : i64, tpu.core_type = #tpu.core_type<tc>, window_params = [{transform_indices = @transform_0, window_bounds = array<i64: 256, 1024>}, {pipeline_mode = #tpu.pipeline_mode<synchronous>, transform_indices = @transform_1, window_bounds = array<i64: 2, 1024>}, {pipeline_mode = #tpu.pipeline_mode<synchronous>, transform_indices = @transform_2, window_bounds = array<i64: 8, 1024>}, {pipeline_mode = #tpu.pipeline_mode<synchronous>, transform_indices = @transform_3, window_bounds = array<i64: 1, 2>}, {pipeline_mode = #tpu.pipeline_mode<synchronous>, transform_indices = @transform_4, window_bounds = array<i64: 1, 8>}, {transform_indices = @transform_5, window_bounds = array<i64: 256, 2>}, {transform_indices = @transform_6, window_bounds = array<i64: 256, 2>}]} {
    %get3A = arith.constant 0 : index
    %get3A_0 = arith.constant 0 : index
    %get3A_1 = vector.load %arg1[%get3A, %get3A_0] : memref<256x1024xf32, #tpu.memory_space<vmem>>, vector<256x1024xf32>
    %get3A_2 = arith.constant 0 : index
    %get3A_3 = arith.constant 0 : index
    %get3A_4 = vector.load %arg2[%get3A_2, %get3A_3] : memref<2x1024xf32, #tpu.memory_space<vmem>>, vector<2x1024xf32>
    %dot_general3A = arith.constant dense<0.000000e+00> : vector<256x2xf32>
    %dot_general3A_5 = tpu.matmul %get3A_1, %get3A_4, %dot_general3A {dimension_numbers = #tpu.dot_dimension_numbers<[1], [1], [0], [0], [0, 0, 1, 0], [], []>, transpose_lhs_hint = false} : vector<256x1024xf32>, vector<2x1024xf32>, vector<256x2xf32> -> vector<256x2xf32>
    %get3A_6 = arith.constant 0 : index
    %get3A_7 = arith.constant 0 : index
    %get3A_8 = vector.load %arg4[%get3A_6, %get3A_7] : memref<1x2xf32, #tpu.memory_space<vmem>>, vector<1x2xf32>
    %add3A = vector.broadcast %get3A_8 : vector<1x2xf32> to vector<256x2xf32>
    %add3A_9 = arith.addf %dot_general3A_5, %add3A : vector<256x2xf32>
    %reduce_max3A = arith.constant dense<0xFF800000> : vector<256xf32>
    %reduce_max3A_10 = vector.multi_reduction <maximumf>, %add3A_9, %reduce_max3A [1] : vector<256x2xf32> to vector<256xf32>
    %broadcast_in_dim3A = vector.shape_cast %reduce_max3A_10 : vector<256xf32> to vector<256x1xf32>
    %sub3A = vector.broadcast %broadcast_in_dim3A : vector<256x1xf32> to vector<256x2xf32>
    %sub3A_11 = arith.subf %add3A_9, %sub3A : vector<256x2xf32>
    %exp3A = math.exp %sub3A_11 : vector<256x2xf32>
    %reduce_sum3A = arith.constant dense<0.000000e+00> : vector<256xf32>
    %reduce_sum3A_12 = vector.multi_reduction <add>, %exp3A, %reduce_sum3A [1] : vector<256x2xf32> to vector<256xf32>
    %broadcast_in_dim3A_13 = vector.shape_cast %reduce_sum3A_12 : vector<256xf32> to vector<256x1xf32>
    %div3A = vector.broadcast %broadcast_in_dim3A_13 : vector<256x1xf32> to vector<256x2xf32>
    %div3A_14 = arith.divf %exp3A, %div3A : vector<256x2xf32>
    %slice3A = vector.extract_strided_slice %div3A_14 {offsets = [0, 1], sizes = [256, 1], strides = [1, 1]} : vector<256x2xf32> to vector<256x1xf32>
    %slice3A_15 = vector.extract_strided_slice %div3A_14 {offsets = [0, 0], sizes = [256, 1], strides = [1, 1]} : vector<256x2xf32> to vector<256x1xf32>
    %gt3A = arith.cmpf ogt, %slice3A, %slice3A_15 : vector<256x1xf32>
    %convert_element_type3A = arith.extui %gt3A : vector<256x1xi1> to vector<256x1xi32>
    %reduce_max3A_16 = arith.constant dense<0xFF800000> : vector<256xf32>
    %reduce_max3A_17 = vector.multi_reduction <maximumf>, %div3A_14, %reduce_max3A_16 [1] : vector<256x2xf32> to vector<256xf32>
    %broadcast_in_dim3A_18 = vector.shape_cast %reduce_max3A_17 : vector<256xf32> to vector<256x1xf32>
    %get3A_19 = arith.constant 0 : index
    %get3A_20 = arith.constant 0 : index
    %get3A_21 = vector.load %arg3[%get3A_19, %get3A_20] : memref<8x1024xf32, #tpu.memory_space<vmem>>, vector<8x1024xf32>
    %dot_general3A_22 = arith.constant dense<0.000000e+00> : vector<256x8xf32>
    %dot_general3A_23 = tpu.matmul %get3A_1, %get3A_21, %dot_general3A_22 {dimension_numbers = #tpu.dot_dimension_numbers<[1], [1], [0], [0], [0, 0, 1, 0], [], []>, transpose_lhs_hint = false} : vector<256x1024xf32>, vector<8x1024xf32>, vector<256x8xf32> -> vector<256x8xf32>
    %get3A_24 = arith.constant 0 : index
    %get3A_25 = arith.constant 0 : index
    %get3A_26 = vector.load %arg5[%get3A_24, %get3A_25] : memref<1x8xf32, #tpu.memory_space<vmem>>, vector<1x8xf32>
    %add3A_27 = vector.broadcast %get3A_26 : vector<1x8xf32> to vector<256x8xf32>
    %add3A_28 = arith.addf %dot_general3A_23, %add3A_27 : vector<256x8xf32>
    %iota3A = tpu.iota {dimensions = array<i32: 1>} : vector<256x8xi32>
    %jit3A = arith.constant 4 : i32
    %div3A_29 = vector.broadcast %jit3A : i32 to vector<256x8xi32>
    %div3A_30 = arith.divsi %iota3A, %div3A_29 : vector<256x8xi32>
    %sign3A = arith.constant 0 : i32
    %sign3A_31 = vector.broadcast %sign3A : i32 to vector<256x8xi32>
    %sign3A_32 = arith.cmpi sgt, %iota3A, %sign3A_31 : vector<256x8xi32>
    %sign3A_33 = arith.extui %sign3A_32 : vector<256x8xi1> to vector<256x8xi32>
    %sign3A_34 = arith.constant 0 : i32
    %sign3A_35 = vector.broadcast %sign3A_34 : i32 to vector<256x8xi32>
    %sign3A_36 = arith.cmpi slt, %iota3A, %sign3A_35 : vector<256x8xi32>
    %sign3A_37 = arith.extui %sign3A_36 : vector<256x8xi1> to vector<256x8xi32>
    %sign3A_38 = arith.subi %sign3A_33, %sign3A_37 : vector<256x8xi32>
    %sign3A_39 = arith.constant 0 : i32
    %sign3A_40 = arith.cmpi sgt, %jit3A, %sign3A_39 : i32
    %sign3A_41 = arith.extui %sign3A_40 : i1 to i32
    %sign3A_42 = arith.constant 0 : i32
    %sign3A_43 = arith.cmpi slt, %jit3A, %sign3A_42 : i32
    %sign3A_44 = arith.extui %sign3A_43 : i1 to i32
    %sign3A_45 = arith.subi %sign3A_41, %sign3A_44 : i32
    %ne3A = vector.broadcast %sign3A_45 : i32 to vector<256x8xi32>
    %ne3A_46 = arith.cmpi ne, %sign3A_38, %ne3A : vector<256x8xi32>
    %rem3A = vector.broadcast %jit3A : i32 to vector<256x8xi32>
    %rem3A_47 = arith.remsi %iota3A, %rem3A : vector<256x8xi32>
    %ne3A_48 = arith.constant 0 : i32
    %ne3A_49 = vector.broadcast %ne3A_48 : i32 to vector<256x8xi32>
    %ne3A_50 = arith.cmpi ne, %rem3A_47, %ne3A_49 : vector<256x8xi32>
    %and3A = arith.andi %ne3A_46, %ne3A_50 : vector<256x8xi1>
    %sub3A_51 = arith.constant 1 : i32
    %sub3A_52 = vector.broadcast %sub3A_51 : i32 to vector<256x8xi32>
    %sub3A_53 = arith.subi %div3A_30, %sub3A_52 : vector<256x8xi32>
    %select_n3A = arith.select %and3A, %sub3A_53, %div3A_30 : vector<256x8xi1>, vector<256x8xi32>
    %eq3A = vector.broadcast %convert_element_type3A : vector<256x1xi32> to vector<256x8xi32>
    %eq3A_54 = arith.cmpi eq, %select_n3A, %eq3A : vector<256x8xi32>
    %jit3A_55 = arith.constant 0xFF800000 : f32
    %broadcast_in_dim3A_56 = vector.broadcast %jit3A_55 : f32 to vector<256x8xf32>
    %select_n3A_57 = arith.select %eq3A_54, %add3A_28, %broadcast_in_dim3A_56 : vector<256x8xi1>, vector<256x8xf32>
    %reduce_max3A_58 = arith.constant dense<0xFF800000> : vector<256xf32>
    %reduce_max3A_59 = vector.multi_reduction <maximumf>, %select_n3A_57, %reduce_max3A_58 [1] : vector<256x8xf32> to vector<256xf32>
    %broadcast_in_dim3A_60 = vector.shape_cast %reduce_max3A_59 : vector<256xf32> to vector<256x1xf32>
    %sub3A_61 = vector.broadcast %broadcast_in_dim3A_60 : vector<256x1xf32> to vector<256x8xf32>
    %sub3A_62 = arith.subf %select_n3A_57, %sub3A_61 : vector<256x8xf32>
    %exp3A_63 = math.exp %sub3A_62 : vector<256x8xf32>
    %reduce_sum3A_64 = arith.constant dense<0.000000e+00> : vector<256xf32>
    %reduce_sum3A_65 = vector.multi_reduction <add>, %exp3A_63, %reduce_sum3A_64 [1] : vector<256x8xf32> to vector<256xf32>
    %broadcast_in_dim3A_66 = vector.shape_cast %reduce_sum3A_65 : vector<256xf32> to vector<256x1xf32>
    %div3A_67 = vector.broadcast %broadcast_in_dim3A_66 : vector<256x1xf32> to vector<256x8xf32>
    %div3A_68 = arith.divf %exp3A_63, %div3A_67 : vector<256x8xf32>
    %mul3A = vector.broadcast %broadcast_in_dim3A_18 : vector<256x1xf32> to vector<256x8xf32>
    %mul3A_69 = arith.mulf %div3A_68, %mul3A : vector<256x8xf32>
    %reduce_max3A_70 = arith.constant dense<0xFF800000> : vector<256xf32>
    %reduce_max3A_71 = vector.multi_reduction <maximumf>, %mul3A_69, %reduce_max3A_70 [1] : vector<256x8xf32> to vector<256xf32>
    %broadcast_in_dim3A_72 = vector.shape_cast %reduce_max3A_71 : vector<256xf32> to vector<256x1xf32>
    %eq3A_73 = vector.broadcast %broadcast_in_dim3A_72 : vector<256x1xf32> to vector<256x8xf32>
    %eq3A_74 = arith.cmpf oeq, %mul3A_69, %eq3A_73 : vector<256x8xf32>
    %jit3A_75 = arith.constant 8 : i32
    %broadcast_in_dim3A_76 = vector.broadcast %jit3A_75 : i32 to vector<256x8xi32>
    %select_n3A_77 = arith.select %eq3A_74, %iota3A, %broadcast_in_dim3A_76 : vector<256x8xi1>, vector<256x8xi32>
    %reduce_min3A = arith.constant dense<2147483647> : vector<256xi32>
    %reduce_min3A_78 = vector.multi_reduction <minsi>, %select_n3A_77, %reduce_min3A [1] : vector<256x8xi32> to vector<256xi32>
    %broadcast_in_dim3A_79 = vector.shape_cast %reduce_min3A_78 : vector<256xi32> to vector<256x1xi32>
    %eq3A_80 = vector.broadcast %broadcast_in_dim3A_79 : vector<256x1xi32> to vector<256x8xi32>
    %eq3A_81 = arith.cmpi eq, %iota3A, %eq3A_80 : vector<256x8xi32>
    %jit3A_82 = arith.constant -1.000000e+00 : f32
    %broadcast_in_dim3A_83 = vector.broadcast %jit3A_82 : f32 to vector<256x8xf32>
    %select_n3A_84 = arith.select %eq3A_81, %broadcast_in_dim3A_83, %mul3A_69 : vector<256x8xi1>, vector<256x8xf32>
    %reduce_max3A_85 = arith.constant dense<0xFF800000> : vector<256xf32>
    %reduce_max3A_86 = vector.multi_reduction <maximumf>, %select_n3A_84, %reduce_max3A_85 [1] : vector<256x8xf32> to vector<256xf32>
    %broadcast_in_dim3A_87 = vector.shape_cast %reduce_max3A_86 : vector<256xf32> to vector<256x1xf32>
    %eq3A_88 = vector.broadcast %broadcast_in_dim3A_87 : vector<256x1xf32> to vector<256x8xf32>
    %eq3A_89 = arith.cmpf oeq, %select_n3A_84, %eq3A_88 : vector<256x8xf32>
    %jit3A_90 = arith.constant 8 : i32
    %broadcast_in_dim3A_91 = vector.broadcast %jit3A_90 : i32 to vector<256x8xi32>
    %select_n3A_92 = arith.select %eq3A_89, %iota3A, %broadcast_in_dim3A_91 : vector<256x8xi1>, vector<256x8xi32>
    %reduce_min3A_93 = arith.constant dense<2147483647> : vector<256xi32>
    %reduce_min3A_94 = vector.multi_reduction <minsi>, %select_n3A_92, %reduce_min3A_93 [1] : vector<256x8xi32> to vector<256xi32>
    %broadcast_in_dim3A_95 = vector.shape_cast %reduce_min3A_94 : vector<256xi32> to vector<256x1xi32>
    %concatenate3A = tpu.concatenate %broadcast_in_dim3A_79, %broadcast_in_dim3A_95 in 1 : vector<256x1xi32>, vector<256x1xi32> -> vector<256x2xi32>
    %swap3A = arith.constant 0 : index
    %swap3A_96 = arith.constant 0 : index
    %swap3A_97 = vector.load %arg6[%swap3A, %swap3A_96] : memref<256x2xi32, #tpu.memory_space<vmem>>, vector<256x2xi32>
    tpu.vector_store %arg6[%swap3A, %swap3A_96], %concatenate3A {strides = array<i32>} : memref<256x2xi32, #tpu.memory_space<vmem>>, vector<256x2xi32>,
    %concatenate3A_98 = tpu.concatenate %broadcast_in_dim3A_72, %broadcast_in_dim3A_87 in 1 : vector<256x1xf32>, vector<256x1xf32> -> vector<256x2xf32>
    %swap3A_99 = arith.constant 0 : index
    %swap3A_100 = arith.constant 0 : index
    %swap3A_101 = vector.load %arg7[%swap3A_99, %swap3A_100] : memref<256x2xf32, #tpu.memory_space<vmem>>, vector<256x2xf32>
    tpu.vector_store %arg7[%swap3A_99, %swap3A_100], %concatenate3A_98 {strides = array<i32>} : memref<256x2xf32, #tpu.memory_space<vmem>>, vector<256x2xf32>,
    return
  }
  func.func @transform_0(%arg0: i32) -> (i32, i32) {
    %c0_i32 = arith.constant 0 : i32
    %c0_i32_0 = arith.constant 0 : i32
    return %arg0, %c0_i32 : i32, i32
  }
  func.func @transform_1(%arg0: i32) -> (i32, i32) {
    %c0_i32 = arith.constant 0 : i32
    %c0_i32_0 = arith.constant 0 : i32
    %c0_i32_1 = arith.constant 0 : i32
    return %c0_i32, %c0_i32_0 : i32, i32
  }
  func.func @transform_2(%arg0: i32) -> (i32, i32) {
    %c0_i32 = arith.constant 0 : i32
    %c0_i32_0 = arith.constant 0 : i32
    %c0_i32_1 = arith.constant 0 : i32
    return %c0_i32, %c0_i32_0 : i32, i32
  }
  func.func @transform_3(%arg0: i32) -> (i32, i32) {
    %c0_i32 = arith.constant 0 : i32
    %c0_i32_0 = arith.constant 0 : i32
    %c0_i32_1 = arith.constant 0 : i32
    return %c0_i32, %c0_i32_0 : i32, i32
  }
  func.func @transform_4(%arg0: i32) -> (i32, i32) {
    %c0_i32 = arith.constant 0 : i32
    %c0_i32_0 = arith.constant 0 : i32
    %c0_i32_1 = arith.constant 0 : i32
    return %c0_i32, %c0_i32_0 : i32, i32
  }
  func.func @transform_5(%arg0: i32) -> (i32, i32) {
    %c0_i32 = arith.constant 0 : i32
    %c0_i32_0 = arith.constant 0 : i32
    return %arg0, %c0_i32 : i32, i32
  }
  func.func @transform_6(%arg0: i32) -> (i32, i32) {
    %c0_i32 = arith.constant 0 : i32
    %c0_i32_0 = arith.constant 0 : i32
    return %arg0, %c0_i32 : i32, i32
  }
}

module attributes {stable_mosaic.version = 14 : i64} {
  func.func @_post_body(%arg0: i32, %arg1: memref<16x256x64xf32, #tpu.memory_space<vmem>>, %arg2: memref<256x1024xf32, #tpu.memory_space<vmem>>, %arg3: memref<1024x1024xf32, #tpu.memory_space<vmem>>, %arg4: memref<1x1024xf32, #tpu.memory_space<vmem>>, %arg5: memref<256x1024xf32, #tpu.memory_space<vmem>>, %arg6: memref<256x1024xf32, #tpu.memory_space<vmem>>) attributes {dimension_semantics = [#tpu.dimension_semantics<arbitrary>], iteration_bounds = array<i64: 8>, scalar_prefetch = 0 : i64, scratch_operands = 0 : i64, tpu.core_type = #tpu.core_type<tc>, window_params = [{transform_indices = @transform_0, window_bounds = array<i64: 16, 256, 64>}, {transform_indices = @transform_1, window_bounds = array<i64: 256, 1024>}, {pipeline_mode = #tpu.pipeline_mode<synchronous>, transform_indices = @transform_2, window_bounds = array<i64: 1024, 1024>}, {pipeline_mode = #tpu.pipeline_mode<synchronous>, transform_indices = @transform_3, window_bounds = array<i64: 1, 1024>}, {transform_indices = @transform_4, window_bounds = array<i64: 256, 1024>}, {transform_indices = @transform_5, window_bounds = array<i64: 256, 1024>}]} {
    %get3A = arith.constant 0 : index
    %get3A_0 = arith.constant 0 : index
    %get3A_1 = arith.constant 0 : index
    %get3A_2 = vector.load %arg1[%get3A, %get3A_0, %get3A_1] : memref<16x256x64xf32, #tpu.memory_space<vmem>>, vector<1x256x64xf32>
    %get3A_3 = vector.shape_cast %get3A_2 : vector<1x256x64xf32> to vector<256x64xf32>
    %get3A_4 = arith.constant 1 : index
    %get3A_5 = arith.constant 0 : index
    %get3A_6 = arith.constant 0 : index
    %get3A_7 = vector.load %arg1[%get3A_4, %get3A_5, %get3A_6] : memref<16x256x64xf32, #tpu.memory_space<vmem>>, vector<1x256x64xf32>
    %get3A_8 = vector.shape_cast %get3A_7 : vector<1x256x64xf32> to vector<256x64xf32>
    %get3A_9 = arith.constant 2 : index
    %get3A_10 = arith.constant 0 : index
    %get3A_11 = arith.constant 0 : index
    %get3A_12 = vector.load %arg1[%get3A_9, %get3A_10, %get3A_11] : memref<16x256x64xf32, #tpu.memory_space<vmem>>, vector<1x256x64xf32>
    %get3A_13 = vector.shape_cast %get3A_12 : vector<1x256x64xf32> to vector<256x64xf32>
    %get3A_14 = arith.constant 3 : index
    %get3A_15 = arith.constant 0 : index
    %get3A_16 = arith.constant 0 : index
    %get3A_17 = vector.load %arg1[%get3A_14, %get3A_15, %get3A_16] : memref<16x256x64xf32, #tpu.memory_space<vmem>>, vector<1x256x64xf32>
    %get3A_18 = vector.shape_cast %get3A_17 : vector<1x256x64xf32> to vector<256x64xf32>
    %get3A_19 = arith.constant 4 : index
    %get3A_20 = arith.constant 0 : index
    %get3A_21 = arith.constant 0 : index
    %get3A_22 = vector.load %arg1[%get3A_19, %get3A_20, %get3A_21] : memref<16x256x64xf32, #tpu.memory_space<vmem>>, vector<1x256x64xf32>
    %get3A_23 = vector.shape_cast %get3A_22 : vector<1x256x64xf32> to vector<256x64xf32>
    %get3A_24 = arith.constant 5 : index
    %get3A_25 = arith.constant 0 : index
    %get3A_26 = arith.constant 0 : index
    %get3A_27 = vector.load %arg1[%get3A_24, %get3A_25, %get3A_26] : memref<16x256x64xf32, #tpu.memory_space<vmem>>, vector<1x256x64xf32>
    %get3A_28 = vector.shape_cast %get3A_27 : vector<1x256x64xf32> to vector<256x64xf32>
    %get3A_29 = arith.constant 6 : index
    %get3A_30 = arith.constant 0 : index
    %get3A_31 = arith.constant 0 : index
    %get3A_32 = vector.load %arg1[%get3A_29, %get3A_30, %get3A_31] : memref<16x256x64xf32, #tpu.memory_space<vmem>>, vector<1x256x64xf32>
    %get3A_33 = vector.shape_cast %get3A_32 : vector<1x256x64xf32> to vector<256x64xf32>
    %get3A_34 = arith.constant 7 : index
    %get3A_35 = arith.constant 0 : index
    %get3A_36 = arith.constant 0 : index
    %get3A_37 = vector.load %arg1[%get3A_34, %get3A_35, %get3A_36] : memref<16x256x64xf32, #tpu.memory_space<vmem>>, vector<1x256x64xf32>
    %get3A_38 = vector.shape_cast %get3A_37 : vector<1x256x64xf32> to vector<256x64xf32>
    %get3A_39 = arith.constant 8 : index
    %get3A_40 = arith.constant 0 : index
    %get3A_41 = arith.constant 0 : index
    %get3A_42 = vector.load %arg1[%get3A_39, %get3A_40, %get3A_41] : memref<16x256x64xf32, #tpu.memory_space<vmem>>, vector<1x256x64xf32>
    %get3A_43 = vector.shape_cast %get3A_42 : vector<1x256x64xf32> to vector<256x64xf32>
    %get3A_44 = arith.constant 9 : index
    %get3A_45 = arith.constant 0 : index
    %get3A_46 = arith.constant 0 : index
    %get3A_47 = vector.load %arg1[%get3A_44, %get3A_45, %get3A_46] : memref<16x256x64xf32, #tpu.memory_space<vmem>>, vector<1x256x64xf32>
    %get3A_48 = vector.shape_cast %get3A_47 : vector<1x256x64xf32> to vector<256x64xf32>
    %get3A_49 = arith.constant 10 : index
    %get3A_50 = arith.constant 0 : index
    %get3A_51 = arith.constant 0 : index
    %get3A_52 = vector.load %arg1[%get3A_49, %get3A_50, %get3A_51] : memref<16x256x64xf32, #tpu.memory_space<vmem>>, vector<1x256x64xf32>
    %get3A_53 = vector.shape_cast %get3A_52 : vector<1x256x64xf32> to vector<256x64xf32>
    %get3A_54 = arith.constant 11 : index
    %get3A_55 = arith.constant 0 : index
    %get3A_56 = arith.constant 0 : index
    %get3A_57 = vector.load %arg1[%get3A_54, %get3A_55, %get3A_56] : memref<16x256x64xf32, #tpu.memory_space<vmem>>, vector<1x256x64xf32>
    %get3A_58 = vector.shape_cast %get3A_57 : vector<1x256x64xf32> to vector<256x64xf32>
    %get3A_59 = arith.constant 12 : index
    %get3A_60 = arith.constant 0 : index
    %get3A_61 = arith.constant 0 : index
    %get3A_62 = vector.load %arg1[%get3A_59, %get3A_60, %get3A_61] : memref<16x256x64xf32, #tpu.memory_space<vmem>>, vector<1x256x64xf32>
    %get3A_63 = vector.shape_cast %get3A_62 : vector<1x256x64xf32> to vector<256x64xf32>
    %get3A_64 = arith.constant 13 : index
    %get3A_65 = arith.constant 0 : index
    %get3A_66 = arith.constant 0 : index
    %get3A_67 = vector.load %arg1[%get3A_64, %get3A_65, %get3A_66] : memref<16x256x64xf32, #tpu.memory_space<vmem>>, vector<1x256x64xf32>
    %get3A_68 = vector.shape_cast %get3A_67 : vector<1x256x64xf32> to vector<256x64xf32>
    %get3A_69 = arith.constant 14 : index
    %get3A_70 = arith.constant 0 : index
    %get3A_71 = arith.constant 0 : index
    %get3A_72 = vector.load %arg1[%get3A_69, %get3A_70, %get3A_71] : memref<16x256x64xf32, #tpu.memory_space<vmem>>, vector<1x256x64xf32>
    %get3A_73 = vector.shape_cast %get3A_72 : vector<1x256x64xf32> to vector<256x64xf32>
    %get3A_74 = arith.constant 15 : index
    %get3A_75 = arith.constant 0 : index
    %get3A_76 = arith.constant 0 : index
    %get3A_77 = vector.load %arg1[%get3A_74, %get3A_75, %get3A_76] : memref<16x256x64xf32, #tpu.memory_space<vmem>>, vector<1x256x64xf32>
    %get3A_78 = vector.shape_cast %get3A_77 : vector<1x256x64xf32> to vector<256x64xf32>
    %concatenate3A = tpu.concatenate %get3A_3, %get3A_8, %get3A_13, %get3A_18, %get3A_23, %get3A_28, %get3A_33, %get3A_38, %get3A_43, %get3A_48, %get3A_53, %get3A_58, %get3A_63, %get3A_68, %get3A_73, %get3A_78 in 1 : vector<256x64xf32>, vector<256x64xf32>, vector<256x64xf32>, vector<256x64xf32>, vector<256x64xf32>, vector<256x64xf32>, vector<256x64xf32>, vector<256x64xf32>, vector<256x64xf32>, vector<256x64xf32>, vector<256x64xf32>, vector<256x64xf32>, vector<256x64xf32>, vector<256x64xf32>, vector<256x64xf32>, vector<256x64xf32> -> vector<256x1024xf32>
    %get3A_79 = arith.constant 0 : index
    %get3A_80 = arith.constant 0 : index
    %get3A_81 = vector.load %arg2[%get3A_79, %get3A_80] : memref<256x1024xf32, #tpu.memory_space<vmem>>, vector<256x1024xf32>
    %get3A_82 = arith.constant 0 : index
    %get3A_83 = arith.constant 0 : index
    %get3A_84 = vector.load %arg3[%get3A_82, %get3A_83] : memref<1024x1024xf32, #tpu.memory_space<vmem>>, vector<1024x1024xf32>
    %dot_general3A = arith.constant dense<0.000000e+00> : vector<256x1024xf32>
    %dot_general3A_85 = tpu.matmul %concatenate3A, %get3A_84, %dot_general3A {dimension_numbers = #tpu.dot_dimension_numbers<[1], [1], [0], [0], [0, 0, 1, 0], [], []>, transpose_lhs_hint = false} : vector<256x1024xf32>, vector<1024x1024xf32>, vector<256x1024xf32> -> vector<256x1024xf32>
    %add3A = arith.addf %get3A_81, %dot_general3A_85 : vector<256x1024xf32>
    %swap3A = arith.constant 0 : index
    %swap3A_86 = arith.constant 0 : index
    %swap3A_87 = vector.load %arg5[%swap3A, %swap3A_86] : memref<256x1024xf32, #tpu.memory_space<vmem>>, vector<256x1024xf32>
    tpu.vector_store %arg5[%swap3A, %swap3A_86], %add3A {strides = array<i32>} : memref<256x1024xf32, #tpu.memory_space<vmem>>, vector<256x1024xf32>,
    %mul3A = arith.mulf %add3A, %add3A : vector<256x1024xf32>
    %reduce_sum3A = arith.constant dense<0.000000e+00> : vector<256xf32>
    %reduce_sum3A_88 = vector.multi_reduction <add>, %mul3A, %reduce_sum3A [1] : vector<256x1024xf32> to vector<256xf32>
    %broadcast_in_dim3A = vector.shape_cast %reduce_sum3A_88 : vector<256xf32> to vector<256x1xf32>
    %div3A = arith.constant 1.024000e+03 : f32
    %div3A_89 = vector.broadcast %div3A : f32 to vector<256x1xf32>
    %div3A_90 = arith.divf %broadcast_in_dim3A, %div3A_89 : vector<256x1xf32>
    %add3A_91 = arith.constant 9.99999997E-7 : f32
    %add3A_92 = vector.broadcast %add3A_91 : f32 to vector<256x1xf32>
    %add3A_93 = arith.addf %div3A_90, %add3A_92 : vector<256x1xf32>
    %sqrt3A = math.sqrt %add3A_93 : vector<256x1xf32>
    %div3A_94 = vector.broadcast %sqrt3A : vector<256x1xf32> to vector<256x1024xf32>
    %div3A_95 = arith.divf %add3A, %div3A_94 : vector<256x1024xf32>
    %get3A_96 = arith.constant 0 : index
    %get3A_97 = arith.constant 0 : index
    %get3A_98 = vector.load %arg4[%get3A_96, %get3A_97] : memref<1x1024xf32, #tpu.memory_space<vmem>>, vector<1x1024xf32>
    %mul3A_99 = vector.broadcast %get3A_98 : vector<1x1024xf32> to vector<256x1024xf32>
    %mul3A_100 = arith.mulf %div3A_95, %mul3A_99 : vector<256x1024xf32>
    %swap3A_101 = arith.constant 0 : index
    %swap3A_102 = arith.constant 0 : index
    %swap3A_103 = vector.load %arg6[%swap3A_101, %swap3A_102] : memref<256x1024xf32, #tpu.memory_space<vmem>>, vector<256x1024xf32>
    tpu.vector_store %arg6[%swap3A_101, %swap3A_102], %mul3A_100 {strides = array<i32>} : memref<256x1024xf32, #tpu.memory_space<vmem>>, vector<256x1024xf32>,
    return
  }
  func.func @transform_0(%arg0: i32) -> (i32, i32, i32) {
    %c0_i32 = arith.constant 0 : i32
    %c0_i32_0 = arith.constant 0 : i32
    %c0_i32_1 = arith.constant 0 : i32
    return %c0_i32, %arg0, %c0_i32_0 : i32, i32, i32
  }
  func.func @transform_1(%arg0: i32) -> (i32, i32) {
    %c0_i32 = arith.constant 0 : i32
    %c0_i32_0 = arith.constant 0 : i32
    return %arg0, %c0_i32 : i32, i32
  }
  func.func @transform_2(%arg0: i32) -> (i32, i32) {
    %c0_i32 = arith.constant 0 : i32
    %c0_i32_0 = arith.constant 0 : i32
    %c0_i32_1 = arith.constant 0 : i32
    return %c0_i32, %c0_i32_0 : i32, i32
  }
  func.func @transform_3(%arg0: i32) -> (i32, i32) {
    %c0_i32 = arith.constant 0 : i32
    %c0_i32_0 = arith.constant 0 : i32
    %c0_i32_1 = arith.constant 0 : i32
    return %c0_i32, %c0_i32_0 : i32, i32
  }
  func.func @transform_4(%arg0: i32) -> (i32, i32) {
    %c0_i32 = arith.constant 0 : i32
    %c0_i32_0 = arith.constant 0 : i32
    return %arg0, %c0_i32 : i32, i32
  }
  func.func @transform_5(%arg0: i32) -> (i32, i32) {
    %c0_i32 = arith.constant 0 : i32
    %c0_i32_0 = arith.constant 0 : i32
    return %arg0, %c0_i32 : i32, i32
  }
}

module attributes {stable_mosaic.version = 14 : i64} {
  func.func @_route_body(%arg0: i32, %arg1: memref<2048x2xi32, #tpu.memory_space<vmem>>, %arg2: memref<2048x1xi32, #tpu.memory_space<vmem>>, %arg3: memref<2048x1xi32, #tpu.memory_space<vmem>>, %arg4: memref<32x1xi32, #tpu.memory_space<vmem>>) attributes {dimension_semantics = [#tpu.dimension_semantics<arbitrary>], iteration_bounds = array<i64: 1>, scalar_prefetch = 0 : i64, scratch_operands = 0 : i64, tpu.core_type = #tpu.core_type<tc>, window_params = [{pipeline_mode = #tpu.pipeline_mode<synchronous>, transform_indices = @transform_0, window_bounds = array<i64: 2048, 2>}, {pipeline_mode = #tpu.pipeline_mode<synchronous>, transform_indices = @transform_1, window_bounds = array<i64: 2048, 1>}, {pipeline_mode = #tpu.pipeline_mode<synchronous>, transform_indices = @transform_2, window_bounds = array<i64: 2048, 1>}, {pipeline_mode = #tpu.pipeline_mode<synchronous>, transform_indices = @transform_3, window_bounds = array<i64: 32, 1>}]} {
    %get3A = arith.constant 0 : index
    %get3A_0 = arith.constant 0 : index
    %get3A_1 = vector.load %arg1[%get3A, %get3A_0] : memref<2048x2xi32, #tpu.memory_space<vmem>>, vector<2048x2xi32>
    %iota3A = tpu.iota {dimensions = array<i32: 1>} : vector<2048x8xi32>
    %slice3A = vector.extract_strided_slice %get3A_1 {offsets = [0, 0], sizes = [2048, 1], strides = [1, 1]} : vector<2048x2xi32> to vector<2048x1xi32>
    %eq3A = vector.broadcast %slice3A : vector<2048x1xi32> to vector<2048x8xi32>
    %eq3A_2 = arith.cmpi eq, %eq3A, %iota3A : vector<2048x8xi32>
    %convert_element_type3A = arith.extui %eq3A_2 : vector<2048x8xi1> to vector<2048x8xi32>
    %convert_element_type3A_3 = arith.sitofp %convert_element_type3A : vector<2048x8xi32> to vector<2048x8xf32>
    %slice3A_4 = vector.extract_strided_slice %get3A_1 {offsets = [0, 1], sizes = [2048, 1], strides = [1, 1]} : vector<2048x2xi32> to vector<2048x1xi32>
    %eq3A_5 = vector.broadcast %slice3A_4 : vector<2048x1xi32> to vector<2048x8xi32>
    %eq3A_6 = arith.cmpi eq, %eq3A_5, %iota3A : vector<2048x8xi32>
    %convert_element_type3A_7 = arith.extui %eq3A_6 : vector<2048x8xi1> to vector<2048x8xi32>
    %convert_element_type3A_8 = arith.sitofp %convert_element_type3A_7 : vector<2048x8xi32> to vector<2048x8xf32>
    %add3A = arith.addf %convert_element_type3A_3, %convert_element_type3A_8 : vector<2048x8xf32>
    %iota3A_9 = tpu.iota {dimensions = array<i32: 0>} : vector<256x256xi32>
    %iota3A_10 = tpu.iota {dimensions = array<i32: 1>} : vector<256x256xi32>
    %gt3A = arith.cmpi sgt, %iota3A_9, %iota3A_10 : vector<256x256xi32>
    %convert_element_type3A_11 = arith.extui %gt3A : vector<256x256xi1> to vector<256x256xi32>
    %convert_element_type3A_12 = arith.sitofp %convert_element_type3A_11 : vector<256x256xi32> to vector<256x256xf32>
    %broadcast_in_dim3A = arith.constant 1.000000e+00 : f32
    %broadcast_in_dim3A_13 = vector.broadcast %broadcast_in_dim3A : f32 to vector<1x256xf32>
    %broadcast_in_dim3A_14 = arith.constant 0.000000e+00 : f32
    %broadcast_in_dim3A_15 = vector.broadcast %broadcast_in_dim3A_14 : f32 to vector<1x8xf32>
    %slice3A_16 = vector.extract_strided_slice %add3A {offsets = [0, 0], sizes = [256, 8], strides = [1, 1]} : vector<2048x8xf32> to vector<256x8xf32>
    %dot_general3A = arith.constant dense<0.000000e+00> : vector<256x8xf32>
    %dot_general3A_17 = tpu.matmul %convert_element_type3A_12, %slice3A_16, %dot_general3A {dimension_numbers = #tpu.dot_dimension_numbers<[1], [0], [0], [1], [0, 0, 1, 1], [], []>, transpose_lhs_hint = false} : vector<256x256xf32>, vector<256x8xf32>, vector<256x8xf32> -> vector<256x8xf32>
    %add3A_18 = vector.broadcast %broadcast_in_dim3A_15 : vector<1x8xf32> to vector<256x8xf32>
    %add3A_19 = arith.addf %dot_general3A_17, %add3A_18 : vector<256x8xf32>
    %dot_general3A_20 = arith.constant dense<0.000000e+00> : vector<1x8xf32>
    %dot_general3A_21 = tpu.matmul %broadcast_in_dim3A_13, %slice3A_16, %dot_general3A_20 {dimension_numbers = #tpu.dot_dimension_numbers<[1], [0], [0], [1], [0, 0, 1, 1], [], []>, transpose_lhs_hint = false} : vector<1x256xf32>, vector<256x8xf32>, vector<1x8xf32> -> vector<1x8xf32>
    %add3A_22 = arith.addf %broadcast_in_dim3A_15, %dot_general3A_21 : vector<1x8xf32>
    %slice3A_23 = vector.extract_strided_slice %add3A {offsets = [256, 0], sizes = [256, 8], strides = [1, 1]} : vector<2048x8xf32> to vector<256x8xf32>
    %dot_general3A_24 = arith.constant dense<0.000000e+00> : vector<256x8xf32>
    %dot_general3A_25 = tpu.matmul %convert_element_type3A_12, %slice3A_23, %dot_general3A_24 {dimension_numbers = #tpu.dot_dimension_numbers<[1], [0], [0], [1], [0, 0, 1, 1], [], []>, transpose_lhs_hint = false} : vector<256x256xf32>, vector<256x8xf32>, vector<256x8xf32> -> vector<256x8xf32>
    %add3A_26 = vector.broadcast %add3A_22 : vector<1x8xf32> to vector<256x8xf32>
    %add3A_27 = arith.addf %dot_general3A_25, %add3A_26 : vector<256x8xf32>
    %dot_general3A_28 = arith.constant dense<0.000000e+00> : vector<1x8xf32>
    %dot_general3A_29 = tpu.matmul %broadcast_in_dim3A_13, %slice3A_23, %dot_general3A_28 {dimension_numbers = #tpu.dot_dimension_numbers<[1], [0], [0], [1], [0, 0, 1, 1], [], []>, transpose_lhs_hint = false} : vector<1x256xf32>, vector<256x8xf32>, vector<1x8xf32> -> vector<1x8xf32>
    %add3A_30 = arith.addf %add3A_22, %dot_general3A_29 : vector<1x8xf32>
    %slice3A_31 = vector.extract_strided_slice %add3A {offsets = [512, 0], sizes = [256, 8], strides = [1, 1]} : vector<2048x8xf32> to vector<256x8xf32>
    %dot_general3A_32 = arith.constant dense<0.000000e+00> : vector<256x8xf32>
    %dot_general3A_33 = tpu.matmul %convert_element_type3A_12, %slice3A_31, %dot_general3A_32 {dimension_numbers = #tpu.dot_dimension_numbers<[1], [0], [0], [1], [0, 0, 1, 1], [], []>, transpose_lhs_hint = false} : vector<256x256xf32>, vector<256x8xf32>, vector<256x8xf32> -> vector<256x8xf32>
    %add3A_34 = vector.broadcast %add3A_30 : vector<1x8xf32> to vector<256x8xf32>
    %add3A_35 = arith.addf %dot_general3A_33, %add3A_34 : vector<256x8xf32>
    %dot_general3A_36 = arith.constant dense<0.000000e+00> : vector<1x8xf32>
    %dot_general3A_37 = tpu.matmul %broadcast_in_dim3A_13, %slice3A_31, %dot_general3A_36 {dimension_numbers = #tpu.dot_dimension_numbers<[1], [0], [0], [1], [0, 0, 1, 1], [], []>, transpose_lhs_hint = false} : vector<1x256xf32>, vector<256x8xf32>, vector<1x8xf32> -> vector<1x8xf32>
    %add3A_38 = arith.addf %add3A_30, %dot_general3A_37 : vector<1x8xf32>
    %slice3A_39 = vector.extract_strided_slice %add3A {offsets = [768, 0], sizes = [256, 8], strides = [1, 1]} : vector<2048x8xf32> to vector<256x8xf32>
    %dot_general3A_40 = arith.constant dense<0.000000e+00> : vector<256x8xf32>
    %dot_general3A_41 = tpu.matmul %convert_element_type3A_12, %slice3A_39, %dot_general3A_40 {dimension_numbers = #tpu.dot_dimension_numbers<[1], [0], [0], [1], [0, 0, 1, 1], [], []>, transpose_lhs_hint = false} : vector<256x256xf32>, vector<256x8xf32>, vector<256x8xf32> -> vector<256x8xf32>
    %add3A_42 = vector.broadcast %add3A_38 : vector<1x8xf32> to vector<256x8xf32>
    %add3A_43 = arith.addf %dot_general3A_41, %add3A_42 : vector<256x8xf32>
    %dot_general3A_44 = arith.constant dense<0.000000e+00> : vector<1x8xf32>
    %dot_general3A_45 = tpu.matmul %broadcast_in_dim3A_13, %slice3A_39, %dot_general3A_44 {dimension_numbers = #tpu.dot_dimension_numbers<[1], [0], [0], [1], [0, 0, 1, 1], [], []>, transpose_lhs_hint = false} : vector<1x256xf32>, vector<256x8xf32>, vector<1x8xf32> -> vector<1x8xf32>
    %add3A_46 = arith.addf %add3A_38, %dot_general3A_45 : vector<1x8xf32>
    %slice3A_47 = vector.extract_strided_slice %add3A {offsets = [1024, 0], sizes = [256, 8], strides = [1, 1]} : vector<2048x8xf32> to vector<256x8xf32>
    %dot_general3A_48 = arith.constant dense<0.000000e+00> : vector<256x8xf32>
    %dot_general3A_49 = tpu.matmul %convert_element_type3A_12, %slice3A_47, %dot_general3A_48 {dimension_numbers = #tpu.dot_dimension_numbers<[1], [0], [0], [1], [0, 0, 1, 1], [], []>, transpose_lhs_hint = false} : vector<256x256xf32>, vector<256x8xf32>, vector<256x8xf32> -> vector<256x8xf32>
    %add3A_50 = vector.broadcast %add3A_46 : vector<1x8xf32> to vector<256x8xf32>
    %add3A_51 = arith.addf %dot_general3A_49, %add3A_50 : vector<256x8xf32>
    %dot_general3A_52 = arith.constant dense<0.000000e+00> : vector<1x8xf32>
    %dot_general3A_53 = tpu.matmul %broadcast_in_dim3A_13, %slice3A_47, %dot_general3A_52 {dimension_numbers = #tpu.dot_dimension_numbers<[1], [0], [0], [1], [0, 0, 1, 1], [], []>, transpose_lhs_hint = false} : vector<1x256xf32>, vector<256x8xf32>, vector<1x8xf32> -> vector<1x8xf32>
    %add3A_54 = arith.addf %add3A_46, %dot_general3A_53 : vector<1x8xf32>
    %slice3A_55 = vector.extract_strided_slice %add3A {offsets = [1280, 0], sizes = [256, 8], strides = [1, 1]} : vector<2048x8xf32> to vector<256x8xf32>
    %dot_general3A_56 = arith.constant dense<0.000000e+00> : vector<256x8xf32>
    %dot_general3A_57 = tpu.matmul %convert_element_type3A_12, %slice3A_55, %dot_general3A_56 {dimension_numbers = #tpu.dot_dimension_numbers<[1], [0], [0], [1], [0, 0, 1, 1], [], []>, transpose_lhs_hint = false} : vector<256x256xf32>, vector<256x8xf32>, vector<256x8xf32> -> vector<256x8xf32>
    %add3A_58 = vector.broadcast %add3A_54 : vector<1x8xf32> to vector<256x8xf32>
    %add3A_59 = arith.addf %dot_general3A_57, %add3A_58 : vector<256x8xf32>
    %dot_general3A_60 = arith.constant dense<0.000000e+00> : vector<1x8xf32>
    %dot_general3A_61 = tpu.matmul %broadcast_in_dim3A_13, %slice3A_55, %dot_general3A_60 {dimension_numbers = #tpu.dot_dimension_numbers<[1], [0], [0], [1], [0, 0, 1, 1], [], []>, transpose_lhs_hint = false} : vector<1x256xf32>, vector<256x8xf32>, vector<1x8xf32> -> vector<1x8xf32>
    %add3A_62 = arith.addf %add3A_54, %dot_general3A_61 : vector<1x8xf32>
    %slice3A_63 = vector.extract_strided_slice %add3A {offsets = [1536, 0], sizes = [256, 8], strides = [1, 1]} : vector<2048x8xf32> to vector<256x8xf32>
    %dot_general3A_64 = arith.constant dense<0.000000e+00> : vector<256x8xf32>
    %dot_general3A_65 = tpu.matmul %convert_element_type3A_12, %slice3A_63, %dot_general3A_64 {dimension_numbers = #tpu.dot_dimension_numbers<[1], [0], [0], [1], [0, 0, 1, 1], [], []>, transpose_lhs_hint = false} : vector<256x256xf32>, vector<256x8xf32>, vector<256x8xf32> -> vector<256x8xf32>
    %add3A_66 = vector.broadcast %add3A_62 : vector<1x8xf32> to vector<256x8xf32>
    %add3A_67 = arith.addf %dot_general3A_65, %add3A_66 : vector<256x8xf32>
    %dot_general3A_68 = arith.constant dense<0.000000e+00> : vector<1x8xf32>
    %dot_general3A_69 = tpu.matmul %broadcast_in_dim3A_13, %slice3A_63, %dot_general3A_68 {dimension_numbers = #tpu.dot_dimension_numbers<[1], [0], [0], [1], [0, 0, 1, 1], [], []>, transpose_lhs_hint = false} : vector<1x256xf32>, vector<256x8xf32>, vector<1x8xf32> -> vector<1x8xf32>
    %add3A_70 = arith.addf %add3A_62, %dot_general3A_69 : vector<1x8xf32>
    %slice3A_71 = vector.extract_strided_slice %add3A {offsets = [1792, 0], sizes = [256, 8], strides = [1, 1]} : vector<2048x8xf32> to vector<256x8xf32>
    %dot_general3A_72 = arith.constant dense<0.000000e+00> : vector<256x8xf32>
    %dot_general3A_73 = tpu.matmul %convert_element_type3A_12, %slice3A_71, %dot_general3A_72 {dimension_numbers = #tpu.dot_dimension_numbers<[1], [0], [0], [1], [0, 0, 1, 1], [], []>, transpose_lhs_hint = false} : vector<256x256xf32>, vector<256x8xf32>, vector<256x8xf32> -> vector<256x8xf32>
    %add3A_74 = vector.broadcast %add3A_70 : vector<1x8xf32> to vector<256x8xf32>
    %add3A_75 = arith.addf %dot_general3A_73, %add3A_74 : vector<256x8xf32>
    %dot_general3A_76 = arith.constant dense<0.000000e+00> : vector<1x8xf32>
    %dot_general3A_77 = tpu.matmul %broadcast_in_dim3A_13, %slice3A_71, %dot_general3A_76 {dimension_numbers = #tpu.dot_dimension_numbers<[1], [0], [0], [1], [0, 0, 1, 1], [], []>, transpose_lhs_hint = false} : vector<1x256xf32>, vector<256x8xf32>, vector<1x8xf32> -> vector<1x8xf32>
    %add3A_78 = arith.addf %add3A_70, %dot_general3A_77 : vector<1x8xf32>
    %concatenate3A = tpu.concatenate %add3A_19, %add3A_27, %add3A_35, %add3A_43, %add3A_51, %add3A_59, %add3A_67, %add3A_75 in 0 : vector<256x8xf32>, vector<256x8xf32>, vector<256x8xf32>, vector<256x8xf32>, vector<256x8xf32>, vector<256x8xf32>, vector<256x8xf32>, vector<256x8xf32> -> vector<2048x8xf32>
    %add3A_79 = arith.constant 2.550000e+02 : f32
    %add3A_80 = vector.broadcast %add3A_79 : f32 to vector<1x8xf32>
    %add3A_81 = arith.addf %add3A_78, %add3A_80 : vector<1x8xf32>
    %mul3A = arith.constant 3.906250e-03 : f32
    %mul3A_82 = vector.broadcast %mul3A : f32 to vector<1x8xf32>
    %mul3A_83 = arith.mulf %add3A_81, %mul3A_82 : vector<1x8xf32>
    %floor3A = math.floor %mul3A_83 : vector<1x8xf32>
    %iota3A_84 = tpu.iota {dimensions = array<i32: 0>} : vector<8x8xi32>
    %iota3A_85 = tpu.iota {dimensions = array<i32: 1>} : vector<8x8xi32>
    %lt3A = arith.cmpi slt, %iota3A_84, %iota3A_85 : vector<8x8xi32>
    %convert_element_type3A_86 = arith.extui %lt3A : vector<8x8xi1> to vector<8x8xi32>
    %convert_element_type3A_87 = arith.sitofp %convert_element_type3A_86 : vector<8x8xi32> to vector<8x8xf32>
    %dot_general3A_88 = arith.constant dense<0.000000e+00> : vector<1x8xf32>
    %dot_general3A_89 = tpu.matmul %floor3A, %convert_element_type3A_87, %dot_general3A_88 {dimension_numbers = #tpu.dot_dimension_numbers<[1], [0], [0], [1], [0, 0, 1, 1], [], []>, transpose_lhs_hint = false} : vector<1x8xf32>, vector<8x8xf32>, vector<1x8xf32> -> vector<1x8xf32>
    %mul3A_90 = arith.constant 2.560000e+02 : f32
    %mul3A_91 = vector.broadcast %mul3A_90 : f32 to vector<1x8xf32>
    %mul3A_92 = arith.mulf %dot_general3A_89, %mul3A_91 : vector<1x8xf32>
    %mul3A_93 = vector.broadcast %mul3A_92 : vector<1x8xf32> to vector<2048x8xf32>
    %mul3A_94 = arith.mulf %convert_element_type3A_3, %mul3A_93 : vector<2048x8xf32>
    %reduce_sum3A = arith.constant dense<0.000000e+00> : vector<2048xf32>
    %reduce_sum3A_95 = vector.multi_reduction <add>, %mul3A_94, %reduce_sum3A [1] : vector<2048x8xf32> to vector<2048xf32>
    %broadcast_in_dim3A_96 = vector.shape_cast %reduce_sum3A_95 : vector<2048xf32> to vector<2048x1xf32>
    %mul3A_97 = arith.mulf %convert_element_type3A_3, %concatenate3A : vector<2048x8xf32>
    %reduce_sum3A_98 = arith.constant dense<0.000000e+00> : vector<2048xf32>
    %reduce_sum3A_99 = vector.multi_reduction <add>, %mul3A_97, %reduce_sum3A_98 [1] : vector<2048x8xf32> to vector<2048xf32>
    %broadcast_in_dim3A_100 = vector.shape_cast %reduce_sum3A_99 : vector<2048xf32> to vector<2048x1xf32>
    %mul3A_101 = vector.broadcast %mul3A_92 : vector<1x8xf32> to vector<2048x8xf32>
    %mul3A_102 = arith.mulf %convert_element_type3A_8, %mul3A_101 : vector<2048x8xf32>
    %reduce_sum3A_103 = arith.constant dense<0.000000e+00> : vector<2048xf32>
    %reduce_sum3A_104 = vector.multi_reduction <add>, %mul3A_102, %reduce_sum3A_103 [1] : vector<2048x8xf32> to vector<2048xf32>
    %broadcast_in_dim3A_105 = vector.shape_cast %reduce_sum3A_104 : vector<2048xf32> to vector<2048x1xf32>
    %mul3A_106 = arith.mulf %convert_element_type3A_8, %concatenate3A : vector<2048x8xf32>
    %reduce_sum3A_107 = arith.constant dense<0.000000e+00> : vector<2048xf32>
    %reduce_sum3A_108 = vector.multi_reduction <add>, %mul3A_106, %reduce_sum3A_107 [1] : vector<2048x8xf32> to vector<2048xf32>
    %broadcast_in_dim3A_109 = vector.shape_cast %reduce_sum3A_108 : vector<2048xf32> to vector<2048x1xf32>
    %add3A_110 = arith.addf %broadcast_in_dim3A_96, %broadcast_in_dim3A_100 : vector<2048x1xf32>
    %convert_element_type3A_111 = arith.fptosi %add3A_110 : vector<2048x1xf32> to vector<2048x1xi32>
    %swap3A = arith.constant 0 : index
    %swap3A_112 = arith.constant 0 : index
    %swap3A_113 = vector.load %arg2[%swap3A, %swap3A_112] : memref<2048x1xi32, #tpu.memory_space<vmem>>, vector<2048x1xi32>
    tpu.vector_store %arg2[%swap3A, %swap3A_112], %convert_element_type3A_111 {strides = array<i32>} : memref<2048x1xi32, #tpu.memory_space<vmem>>, vector<2048x1xi32>,
    %add3A_114 = arith.addf %broadcast_in_dim3A_105, %broadcast_in_dim3A_109 : vector<2048x1xf32>
    %convert_element_type3A_115 = arith.fptosi %add3A_114 : vector<2048x1xf32> to vector<2048x1xi32>
    %swap3A_116 = arith.constant 0 : index
    %swap3A_117 = arith.constant 0 : index
    %swap3A_118 = vector.load %arg3[%swap3A_116, %swap3A_117] : memref<2048x1xi32, #tpu.memory_space<vmem>>, vector<2048x1xi32>
    tpu.vector_store %arg3[%swap3A_116, %swap3A_117], %convert_element_type3A_115 {strides = array<i32>} : memref<2048x1xi32, #tpu.memory_space<vmem>>, vector<2048x1xi32>,
    %iota3A_119 = tpu.iota {dimensions = array<i32: 0>} : vector<32x8xi32>
    %convert_element_type3A_120 = arith.sitofp %iota3A_119 : vector<32x8xi32> to vector<32x8xf32>
    %ge3A = vector.broadcast %dot_general3A_89 : vector<1x8xf32> to vector<32x8xf32>
    %ge3A_121 = arith.cmpf oge, %convert_element_type3A_120, %ge3A : vector<32x8xf32>
    %convert_element_type3A_122 = arith.extui %ge3A_121 : vector<32x8xi1> to vector<32x8xi32>
    %convert_element_type3A_123 = arith.sitofp %convert_element_type3A_122 : vector<32x8xi32> to vector<32x8xf32>
    %reduce_sum3A_124 = arith.constant dense<0.000000e+00> : vector<32xf32>
    %reduce_sum3A_125 = vector.multi_reduction <add>, %convert_element_type3A_123, %reduce_sum3A_124 [1] : vector<32x8xf32> to vector<32xf32>
    %broadcast_in_dim3A_126 = vector.shape_cast %reduce_sum3A_125 : vector<32xf32> to vector<32x1xf32>
    %sub3A = arith.constant 1.000000e+00 : f32
    %sub3A_127 = vector.broadcast %sub3A : f32 to vector<32x1xf32>
    %sub3A_128 = arith.subf %broadcast_in_dim3A_126, %sub3A_127 : vector<32x1xf32>
    %convert_element_type3A_129 = arith.fptosi %sub3A_128 : vector<32x1xf32> to vector<32x1xi32>
    %swap3A_130 = arith.constant 0 : index
    %swap3A_131 = arith.constant 0 : index
    %swap3A_132 = vector.load %arg4[%swap3A_130, %swap3A_131] : memref<32x1xi32, #tpu.memory_space<vmem>>, vector<32x1xi32>
    tpu.vector_store %arg4[%swap3A_130, %swap3A_131], %convert_element_type3A_129 {strides = array<i32>} : memref<32x1xi32, #tpu.memory_space<vmem>>, vector<32x1xi32>,
    return
  }
  func.func @transform_0(%arg0: i32) -> (i32, i32) {
    %c0_i32 = arith.constant 0 : i32
    %c0_i32_0 = arith.constant 0 : i32
    %c0_i32_1 = arith.constant 0 : i32
    return %c0_i32, %c0_i32_0 : i32, i32
  }
  func.func @transform_1(%arg0: i32) -> (i32, i32) {
    %c0_i32 = arith.constant 0 : i32
    %c0_i32_0 = arith.constant 0 : i32
    %c0_i32_1 = arith.constant 0 : i32
    return %c0_i32, %c0_i32_0 : i32, i32
  }
  func.func @transform_2(%arg0: i32) -> (i32, i32) {
    %c0_i32 = arith.constant 0 : i32
    %c0_i32_0 = arith.constant 0 : i32
    %c0_i32_1 = arith.constant 0 : i32
    return %c0_i32, %c0_i32_0 : i32, i32
  }
  func.func @transform_3(%arg0: i32) -> (i32, i32) {
    %c0_i32 = arith.constant 0 : i32
    %c0_i32_0 = arith.constant 0 : i32
    %c0_i32_1 = arith.constant 0 : i32
    return %c0_i32, %c0_i32_0 : i32, i32
  }
}

module attributes {stable_mosaic.version = 14 : i64} {
  func.func @_ffn_up_body(%arg0: i32, %arg1: memref<256x1024xf32, #tpu.memory_space<vmem>>, %arg2: memref<4096x1024xf32, #tpu.memory_space<vmem>>, %arg3: memref<256x2048xf32, #tpu.memory_space<vmem>>) attributes {dimension_semantics = [#tpu.dimension_semantics<arbitrary>], iteration_bounds = array<i64: 8>, scalar_prefetch = 0 : i64, scratch_operands = 0 : i64, tpu.core_type = #tpu.core_type<tc>, window_params = [{transform_indices = @transform_0, window_bounds = array<i64: 256, 1024>}, {pipeline_mode = #tpu.pipeline_mode<synchronous>, transform_indices = @transform_1, window_bounds = array<i64: 4096, 1024>}, {transform_indices = @transform_2, window_bounds = array<i64: 256, 2048>}]} {
    %get3A = arith.constant 0 : index
    %get3A_0 = arith.constant 0 : index
    %get3A_1 = vector.load %arg1[%get3A, %get3A_0] : memref<256x1024xf32, #tpu.memory_space<vmem>>, vector<256x1024xf32>
    %get3A_2 = arith.constant 0 : index
    %get3A_3 = arith.constant 0 : index
    %get3A_4 = vector.load %arg2[%get3A_2, %get3A_3] : memref<4096x1024xf32, #tpu.memory_space<vmem>>, vector<4096x1024xf32>
    %dot_general3A = arith.constant dense<0.000000e+00> : vector<256x4096xf32>
    %dot_general3A_5 = tpu.matmul %get3A_1, %get3A_4, %dot_general3A {dimension_numbers = #tpu.dot_dimension_numbers<[1], [1], [0], [0], [0, 0, 1, 0], [], []>, transpose_lhs_hint = false} : vector<256x1024xf32>, vector<4096x1024xf32>, vector<256x4096xf32> -> vector<256x4096xf32>
    %split3A = vector.extract_strided_slice %dot_general3A_5 {offsets = [0, 0], sizes = [256, 2048], strides = [1, 1]} : vector<256x4096xf32> to vector<256x2048xf32>
    %split3A_6 = vector.extract_strided_slice %dot_general3A_5 {offsets = [0, 2048], sizes = [256, 2048], strides = [1, 1]} : vector<256x4096xf32> to vector<256x2048xf32>
    %logistic3A = arith.negf %split3A : vector<256x2048xf32>
    %logistic3A_7 = math.exp %logistic3A : vector<256x2048xf32>
    %logistic3A_8 = arith.constant 1.000000e+00 : f32
    %logistic3A_9 = vector.broadcast %logistic3A_8 : f32 to vector<256x2048xf32>
    %logistic3A_10 = arith.addf %logistic3A_9, %logistic3A_7 : vector<256x2048xf32>
    %logistic3A_11 = arith.divf %logistic3A_9, %logistic3A_10 : vector<256x2048xf32>
    %mul3A = arith.mulf %split3A, %logistic3A_11 : vector<256x2048xf32>
    %mul3A_12 = arith.mulf %mul3A, %split3A_6 : vector<256x2048xf32>
    %swap3A = arith.constant 0 : index
    %swap3A_13 = arith.constant 0 : index
    %swap3A_14 = vector.load %arg3[%swap3A, %swap3A_13] : memref<256x2048xf32, #tpu.memory_space<vmem>>, vector<256x2048xf32>
    tpu.vector_store %arg3[%swap3A, %swap3A_13], %mul3A_12 {strides = array<i32>} : memref<256x2048xf32, #tpu.memory_space<vmem>>, vector<256x2048xf32>,
    return
  }
  func.func @transform_0(%arg0: i32) -> (i32, i32) {
    %c0_i32 = arith.constant 0 : i32
    %c0_i32_0 = arith.constant 0 : i32
    return %arg0, %c0_i32 : i32, i32
  }
  func.func @transform_1(%arg0: i32) -> (i32, i32) {
    %c0_i32 = arith.constant 0 : i32
    %c0_i32_0 = arith.constant 0 : i32
    %c0_i32_1 = arith.constant 0 : i32
    return %c0_i32, %c0_i32_0 : i32, i32
  }
  func.func @transform_2(%arg0: i32) -> (i32, i32) {
    %c0_i32 = arith.constant 0 : i32
    %c0_i32_0 = arith.constant 0 : i32
    return %arg0, %c0_i32 : i32, i32
  }
}

module attributes {stable_mosaic.version = 14 : i64} {
  func.func @_gmm_body(%arg0: i32, %arg1: memref<24xi32, #tpu.memory_space<smem>>, %arg2: memref<256x2048xf32, #tpu.memory_space<vmem>>, %arg3: memref<1x1024x2048xf32, #tpu.memory_space<vmem>>, %arg4: memref<256x1024xf32, #tpu.memory_space<vmem>>) attributes {dimension_semantics = [#tpu.dimension_semantics<arbitrary>], iteration_bounds = array<i64: 24>, scalar_prefetch = 1 : i64, scratch_operands = 0 : i64, tpu.core_type = #tpu.core_type<tc>, window_params = [{transform_indices = @transform_0, window_bounds = array<i64: 256, 2048>}, {transform_indices = @transform_1, window_bounds = array<i64: 1, 1024, 2048>}, {transform_indices = @transform_2, window_bounds = array<i64: 256, 1024>}]} {
    %get3A = arith.constant 0 : index
    %get3A_0 = arith.constant 0 : index
    %get3A_1 = vector.load %arg2[%get3A, %get3A_0] : memref<256x2048xf32, #tpu.memory_space<vmem>>, vector<256x2048xf32>
    %get3A_2 = arith.constant 0 : index
    %get3A_3 = arith.constant 0 : index
    %get3A_4 = arith.constant 0 : index
    %get3A_5 = vector.load %arg3[%get3A_2, %get3A_3, %get3A_4] : memref<1x1024x2048xf32, #tpu.memory_space<vmem>>, vector<1x1024x2048xf32>
    %get3A_6 = vector.shape_cast %get3A_5 : vector<1x1024x2048xf32> to vector<1024x2048xf32>
    %dot_general3A = arith.constant dense<0.000000e+00> : vector<256x1024xf32>
    %dot_general3A_7 = tpu.matmul %get3A_1, %get3A_6, %dot_general3A {dimension_numbers = #tpu.dot_dimension_numbers<[1], [1], [0], [0], [0, 0, 1, 0], [], []>, transpose_lhs_hint = false} : vector<256x2048xf32>, vector<1024x2048xf32>, vector<256x1024xf32> -> vector<256x1024xf32>
    %swap3A = arith.constant 0 : index
    %swap3A_8 = arith.constant 0 : index
    %swap3A_9 = vector.load %arg4[%swap3A, %swap3A_8] : memref<256x1024xf32, #tpu.memory_space<vmem>>, vector<256x1024xf32>
    tpu.vector_store %arg4[%swap3A, %swap3A_8], %dot_general3A_7 {strides = array<i32>} : memref<256x1024xf32, #tpu.memory_space<vmem>>, vector<256x1024xf32>,
    return
  }
  func.func @transform_0(%arg0: i32, %arg1: memref<24xi32, #tpu.memory_space<smem>>) -> (i32, i32) {
    %c0_i32 = arith.constant 0 : i32
    %c0_i32_0 = arith.constant 0 : i32
    return %arg0, %c0_i32 : i32, i32
  }
  func.func @transform_1(%arg0: i32, %arg1: memref<24xi32, #tpu.memory_space<smem>>) -> (i32, i32, i32) {
    %get3A = arith.index_cast %arg0 : i32 to index
    %get3A_0 = memref.load %arg1[%get3A] : memref<24xi32, #tpu.memory_space<smem>>
    %c0_i32 = arith.constant 0 : i32
    %c0_i32_1 = arith.constant 0 : i32
    %c0_i32_2 = arith.constant 0 : i32
    return %get3A_0, %c0_i32, %c0_i32_1 : i32, i32, i32
  }
  func.func @transform_2(%arg0: i32, %arg1: memref<24xi32, #tpu.memory_space<smem>>) -> (i32, i32) {
    %c0_i32 = arith.constant 0 : i32
    %c0_i32_0 = arith.constant 0 : i32
    return %arg0, %c0_i32 : i32, i32
  }
}

module attributes {stable_mosaic.version = 14 : i64} {
  func.func @_final_body(%arg0: i32, %arg1: memref<256x1024xf32, #tpu.memory_space<vmem>>, %arg2: memref<256x2048xf32, #tpu.memory_space<vmem>>, %arg3: memref<1024x2048xf32, #tpu.memory_space<vmem>>, %arg4: memref<256x1024xf32, #tpu.memory_space<vmem>>, %arg5: memref<256x1024xf32, #tpu.memory_space<vmem>>, %arg6: memref<256x2xf32, #tpu.memory_space<vmem>>, %arg7: memref<256x1024xf32, #tpu.memory_space<vmem>>) attributes {dimension_semantics = [#tpu.dimension_semantics<arbitrary>], iteration_bounds = array<i64: 8>, scalar_prefetch = 0 : i64, scratch_operands = 0 : i64, tpu.core_type = #tpu.core_type<tc>, window_params = [{transform_indices = @transform_0, window_bounds = array<i64: 256, 1024>}, {transform_indices = @transform_1, window_bounds = array<i64: 256, 2048>}, {pipeline_mode = #tpu.pipeline_mode<synchronous>, transform_indices = @transform_2, window_bounds = array<i64: 1024, 2048>}, {transform_indices = @transform_3, window_bounds = array<i64: 256, 1024>}, {transform_indices = @transform_4, window_bounds = array<i64: 256, 1024>}, {transform_indices = @transform_5, window_bounds = array<i64: 256, 2>}, {transform_indices = @transform_6, window_bounds = array<i64: 256, 1024>}]} {
    %get3A = arith.constant 0 : index
    %get3A_0 = arith.constant 0 : index
    %get3A_1 = vector.load %arg2[%get3A, %get3A_0] : memref<256x2048xf32, #tpu.memory_space<vmem>>, vector<256x2048xf32>
    %get3A_2 = arith.constant 0 : index
    %get3A_3 = arith.constant 0 : index
    %get3A_4 = vector.load %arg3[%get3A_2, %get3A_3] : memref<1024x2048xf32, #tpu.memory_space<vmem>>, vector<1024x2048xf32>
    %dot_general3A = arith.constant dense<0.000000e+00> : vector<256x1024xf32>
    %dot_general3A_5 = tpu.matmul %get3A_1, %get3A_4, %dot_general3A {dimension_numbers = #tpu.dot_dimension_numbers<[1], [1], [0], [0], [0, 0, 1, 0], [], []>, transpose_lhs_hint = false} : vector<256x2048xf32>, vector<1024x2048xf32>, vector<256x1024xf32> -> vector<256x1024xf32>
    %get3A_6 = arith.constant 0 : index
    %get3A_7 = arith.constant 0 : index
    %get3A_8 = vector.load %arg6[%get3A_6, %get3A_7] : memref<256x2xf32, #tpu.memory_space<vmem>>, vector<256x2xf32>
    %get3A_9 = arith.constant 0 : index
    %get3A_10 = arith.constant 0 : index
    %get3A_11 = vector.load %arg4[%get3A_9, %get3A_10] : memref<256x1024xf32, #tpu.memory_space<vmem>>, vector<256x1024xf32>
    %slice3A = vector.extract_strided_slice %get3A_8 {offsets = [0, 0], sizes = [256, 1], strides = [1, 1]} : vector<256x2xf32> to vector<256x1xf32>
    %mul3A = vector.broadcast %slice3A : vector<256x1xf32> to vector<256x1024xf32>
    %mul3A_12 = arith.mulf %get3A_11, %mul3A : vector<256x1024xf32>
    %get3A_13 = arith.constant 0 : index
    %get3A_14 = arith.constant 0 : index
    %get3A_15 = vector.load %arg5[%get3A_13, %get3A_14] : memref<256x1024xf32, #tpu.memory_space<vmem>>, vector<256x1024xf32>
    %slice3A_16 = vector.extract_strided_slice %get3A_8 {offsets = [0, 1], sizes = [256, 1], strides = [1, 1]} : vector<256x2xf32> to vector<256x1xf32>
    %mul3A_17 = vector.broadcast %slice3A_16 : vector<256x1xf32> to vector<256x1024xf32>
    %mul3A_18 = arith.mulf %get3A_15, %mul3A_17 : vector<256x1024xf32>
    %add3A = arith.addf %mul3A_12, %mul3A_18 : vector<256x1024xf32>
    %get3A_19 = arith.constant 0 : index
    %get3A_20 = arith.constant 0 : index
    %get3A_21 = vector.load %arg1[%get3A_19, %get3A_20] : memref<256x1024xf32, #tpu.memory_space<vmem>>, vector<256x1024xf32>
    %add3A_22 = arith.addf %get3A_21, %dot_general3A_5 : vector<256x1024xf32>
    %add3A_23 = arith.addf %add3A_22, %add3A : vector<256x1024xf32>
    %swap3A = arith.constant 0 : index
    %swap3A_24 = arith.constant 0 : index
    %swap3A_25 = vector.load %arg7[%swap3A, %swap3A_24] : memref<256x1024xf32, #tpu.memory_space<vmem>>, vector<256x1024xf32>
    tpu.vector_store %arg7[%swap3A, %swap3A_24], %add3A_23 {strides = array<i32>} : memref<256x1024xf32, #tpu.memory_space<vmem>>, vector<256x1024xf32>,
    return
  }
  func.func @transform_0(%arg0: i32) -> (i32, i32) {
    %c0_i32 = arith.constant 0 : i32
    %c0_i32_0 = arith.constant 0 : i32
    return %arg0, %c0_i32 : i32, i32
  }
  func.func @transform_1(%arg0: i32) -> (i32, i32) {
    %c0_i32 = arith.constant 0 : i32
    %c0_i32_0 = arith.constant 0 : i32
    return %arg0, %c0_i32 : i32, i32
  }
  func.func @transform_2(%arg0: i32) -> (i32, i32) {
    %c0_i32 = arith.constant 0 : i32
    %c0_i32_0 = arith.constant 0 : i32
    %c0_i32_1 = arith.constant 0 : i32
    return %c0_i32, %c0_i32_0 : i32, i32
  }
  func.func @transform_3(%arg0: i32) -> (i32, i32) {
    %c0_i32 = arith.constant 0 : i32
    %c0_i32_0 = arith.constant 0 : i32
    return %arg0, %c0_i32 : i32, i32
  }
  func.func @transform_4(%arg0: i32) -> (i32, i32) {
    %add3A = arith.constant 8 : i32
    %add3A_0 = arith.addi %arg0, %add3A : i32
    %c0_i32 = arith.constant 0 : i32
    %c0_i32_1 = arith.constant 0 : i32
    return %add3A_0, %c0_i32 : i32, i32
  }
  func.func @transform_5(%arg0: i32) -> (i32, i32) {
    %c0_i32 = arith.constant 0 : i32
    %c0_i32_0 = arith.constant 0 : i32
    return %arg0, %c0_i32 : i32, i32
  }
  func.func @transform_6(%arg0: i32) -> (i32, i32) {
    %c0_i32 = arith.constant 0 : i32
    %c0_i32_0 = arith.constant 0 : i32
    return %arg0, %c0_i32 : i32, i32
  }
}

</mosaic_0001>

<sc_bundles>
// kernel: kernel.13.cloned.1.call-start
scs
__scs_entry_jumppad:
0x0: {  	(pc) =	sbr.rel $0x88, $3  }
0x1: {  	(tag) =	ssettag $0x0;
	lr =	simm.s32 $0x1  }
0x2: {  	[smem:$0x3F90] =	sst lr;
	_ =	strace $0xD0000000  }
0x3: {  	_ = 	snop  }
0x4: {  	_ = 	snop  }
0x5: {  	_ = 	snop  }
0x6: {  	_ = 	snop  }
0x7: {  	_ = 	snop  }
__scs_overlays_trampoline_lowered:
0x8: {  	[smem:$0x3F9F] =	sst s0  }
0x9: {  	[smem:$0x3FA0] =	sst s1  }
0xa: {  	[smem:$0x3FA1] =	sst s2  }
0xb: {  	[smem:$0x3FA2] =	sst s3  }
0xc: {  	[smem:$0x3FA3] =	sst s4  }
0xd: {  	[smem:$0x3FA4] =	sst s5  }
0xe: {  	[smem:$0x3FA5] =	sst s6  }
0xf: {  	[smem:$0x3FA6] =	sst s7  }
0x10: {  	[smem:$0x3FA7] =	sst s8  }
0x11: {  	[smem:$0x3FA8] =	sst s9;
	s0 =	simm.s32 @!p0 $0x0  }
0x12: {  	s1 =	sld [smem:$0x3F8E];
	s0 =	simm.s32 @p0 $0x1  }
0x13: {  	[smem:$0x3FA9] =	sst s0;
	s0 =	simm.s32 @!p1 $0x0  }
0x14: {  	s2 =	sld [smem:$0x3F8D];
	s0 =	simm.s32 @p1 $0x1  }
0x15: {  	[smem:$0x3FAA] =	sst s0;
	s0 =	simm.s32 @!p2 $0x0  }
0x16: {  	s3 =	sld [smem:$0x3FDB];
	s0 =	simm.s32 @p2 $0x1  }
0x17: {  	s4 =	simm.s32 $0x1BF5;
	[smem:$0x3FAC] =	sst s0  }
0x18: {  	s0 =	sld [smem:$0x3F8F];
	_ =	swait.ge [sflag:s4], $0x0  }
0x19: {  	s7 =	sld [smem:$0x3F90]  }
0x1a: {  	s8 =	sadd.s32 $0xFFFFE003, lr  }
0x1b: {  	s9 =	sadd.s32 $0xFFFFFEF7, lr;
	s5 =	simm.s32 $0xFFFFFFFF;
	p2 =	slt.u32 s8, $0xFFFFF086  }
0x1c: {  	p1 =	slt.u32 s9, $0xF7A;
	s5 =	simm.s32 @!p2 $0x0  }
0x1d: {  	s5 =	simm.s32 @p1 $0x1;
	p0 =	seq.s32 s7, s2  }
0x1e: {  	s7 =	smul.u32 @!p0 $0xF7A, s2;
	p2 =	seq.s32 @!p0 s5, $0x0  }
0x1f: {  	s9 =	smul.u32 $0xF7A, s1;
	s8 =	simm.s32 @!p0 $0x1BF5;
	p2 =	por !p2, p0  }
0x20: {  	[sflag:s8] =	ssyncset.s32 @!p0 $0xFFFFF086;
	s6 =	sadd.s32 @!p0 s3, s7;
	s7 =	simm.s32 @!p0 $0x108  }
0x21: {  	s3 =	sadd.s32 s3, s9;
	s6 =	sadd.s32 @!p0 $0x88, s6;
	s7 =	simm.s32 @p2 $0x1082  }
0x22: {  	[simem:s7], [sflag:s8] =	dma.local @!p0 [hbm:s6], $0xF7A  }
0x23: {  	s9 =	sor.u32 $0xD0000000, s2;
	s6 =	simm.s32 $0x108;
	_ =	swait.ge @!p0 [sflag:s8], $0x0  }
0x24: {  	s3 =	sadd.s32 $0x88, s3;
	s6 =	simm.s32 @!p1 $0x1082;
	[sflag:s4] =	ssyncset.s32 $0xFFFFF086  }
0x25: {  	[simem:s6], [sflag:s4] =	dma.local [hbm:s3], $0xF7A  }
0x26: {  	[smem:$0x3F90] =	sst s1;
	(tag) =	ssettag s2;
	_ =	strace s9  }
0x27: {  	s1 =	sld [smem:$0x3FA0]  }
0x28: {  	s2 =	sld [smem:$0x3FA1]  }
0x29: {  	s4 =	sld [smem:$0x3FA3]  }
0x2a: {  	p0 =	seq.s32 s5, $0x0;
	s5 =	sld [smem:$0x3FA4]  }
0x2b: {  	s6 =	sld [smem:$0x3FA5]  }
0x2c: {  	s7 =	sld [smem:$0x3FA6]  }
0x2d: {  	s3 =	simm.s32 $0x108;
	s8 =	sld [smem:$0x3FA7]  }
0x2e: {  	s3 =	simm.s32 @!p0 $0x1082;
	s9 =	sld [smem:$0x3FA8]  }
0x2f: {  	lr =	sadd.s32 s0, s3;
	s0 =	sld [smem:$0x3F9F]  }
0x30: {  	s3 =	sld [smem:$0x3FA2]  }
0x31: {  	[smem:$0x3FAB] =	sst s10  }
0x32: {  	s10 =	sld [smem:$0x3FA9];
	_ =	sdelay $0x3  }
0x33: {  	p0 =	seq.s32 s10, $0x1;
	s10 =	sld [smem:$0x3FAB];
	_ =	sdelay $0x3  }
0x34: {  	[smem:$0x3FAB] =	sst s10  }
0x35: {  	s10 =	sld [smem:$0x3FAA];
	_ =	sdelay $0x3  }
0x36: {  	p1 =	seq.s32 s10, $0x1;
	s10 =	sld [smem:$0x3FAB];
	_ =	sdelay $0x3  }
0x37: {  	[smem:$0x3FAB] =	sst s10  }
0x38: {  	s10 =	sld [smem:$0x3FAC]  }
0x39: {  	_ = 	snop;
	(pc) =	sbr.ind lr, $3  }
0x3a: {  	_ = 	snop  }
0x3b: {  	_ = 	snop  }
0x3c: {  	p2 =	seq.s32 s10, $0x1;
	s10 =	sld [smem:$0x3FAB]  }
0x3d: {  	_ =	shalt  }
0x3e: {  	_ =	shalt  }
0x3f: {  	_ =	shalt  }
0x40: {  	_ =	shalt  }
0x41: {  	_ =	shalt  }
0x42: {  	_ =	shalt  }
0x43: {  	_ =	shalt  }
0x44: {  	_ =	shalt  }
0x45: {  	_ =	shalt  }
0x46: {  	_ =	shalt  }
0x47: {  	_ =	shalt  }
0x48: {  	_ =	shalt  }
0x49: {  	_ =	shalt  }
0x4a: {  	_ =	shalt  }
0x4b: {  	_ =	shalt  }
0x4c: {  	_ =	shalt  }
0x4d: {  	_ =	shalt  }
0x4e: {  	_ =	shalt  }
0x4f: {  	_ =	shalt  }
0x50: {  	_ =	shalt  }
0x51: {  	_ =	shalt  }
0x52: {  	_ =	shalt  }
0x53: {  	_ =	shalt  }
0x54: {  	_ =	shalt  }
0x55: {  	_ =	shalt  }
0x56: {  	_ =	shalt  }
0x57: {  	_ =	shalt  }
0x58: {  	_ =	shalt  }
0x59: {  	_ =	shalt  }
0x5a: {  	_ =	shalt  }
0x5b: {  	_ =	shalt  }
0x5c: {  	_ =	shalt  }
0x5d: {  	_ =	shalt  }
0x5e: {  	_ =	shalt  }
0x5f: {  	_ =	shalt  }
0x60: {  	_ =	shalt  }
0x61: {  	_ =	shalt  }
0x62: {  	_ =	shalt  }
0x63: {  	_ =	shalt  }
0x64: {  	_ =	shalt  }
0x65: {  	_ =	shalt  }
0x66: {  	_ =	shalt  }
0x67: {  	_ =	shalt  }
0x68: {  	_ =	shalt  }
0x69: {  	_ =	shalt  }
0x6a: {  	_ =	shalt  }
0x6b: {  	_ =	shalt  }
0x6c: {  	_ =	shalt  }
0x6d: {  	_ =	shalt  }
0x6e: {  	_ =	shalt  }
0x6f: {  	_ =	shalt  }
0x70: {  	_ =	shalt  }
0x71: {  	_ =	shalt  }
0x72: {  	_ =	shalt  }
0x73: {  	_ =	shalt  }
0x74: {  	_ =	shalt  }
0x75: {  	_ =	shalt  }
0x76: {  	_ =	shalt  }
0x77: {  	_ =	shalt  }
0x78: {  	_ =	shalt  }
0x79: {  	_ =	shalt  }
0x7a: {  	_ =	shalt  }
0x7b: {  	_ =	shalt  }
0x7c: {  	_ =	shalt  }
0x7d: {  	_ =	shalt  }
0x7e: {  	_ =	shalt  }
0x7f: {  	_ =	shalt  }
0x80: {  	_ =	shalt  }
0x81: {  	_ =	shalt  }
0x82: {  	_ =	shalt  }
0x83: {  	_ =	shalt  }
0x84: {  	_ =	shalt  }
0x85: {  	_ =	shalt  }
0x86: {  	_ =	shalt  }
0x87: {  	_ =	shalt  }
.Lfunc_end0:
.L_simem_size_0:
called_computation_lowered:
.L_overlay_start_0:
0x88: {  	s2 =	sld [smem:$0x3FD9]  }
0x89: {  	s3 =	sld [smem:$0x3FFE];
	_ =	sdelay $0x1  }
0x8a: {  	s1 =	srdreg.scid  }
0x8b: {  	s0 =	sand.u32 $0x1, s1  }
0x8c: {  	s16 =	sshll.u32 s0, $0xA;
	s2 =	sadd.s32 s3, s2  }
0x8d: {  	s2 =	sadd.s32 s2, s16  }
0x8e: {  	[smem:$0x3FB7] =	sst s2  }
0x8f: {  	_ = 	snop  }
0x90: {  	(tm) =	ssettm $0x1  }
0x91: {  	s17 =	sld [smem:$0x3FFB];
	_ =	sdelay $0x3  }
0x92: {  	_ =	strace s17  }
0x93: {  	s2 =	sld [smem:$0x3FFC];
	_ =	sdelay $0x3  }
0x94: {  	_ =	strace s2  }
0x95: {  	s2 =	sld [smem:$0x3FFD];
	_ =	sdelay $0x3  }
0x96: {  	_ =	strace s2  }
0x97: {  	_ =	strace $0x8FFFFFFF  }
0x98: {  	s18 =	sld [smem:$0x3FDB];
	_ =	sdelay $0x1  }
0x99: {  	s19 =	simm.s32 $_scs_section_size  }
0x9a: {  	s4 =	simm.s32 $_size__tile_overlayer_lowered;
	s5 =	simm.s32 $_tile_overlayer_lowered  }
0x9b: {  	s22 =	simm.s32 $0x1BFF;
	s21 =	sshll.u32 s5, $0x1;
	s2 =	sadd.s32 s19, s18  }
0x9c: {  	s6 =	simm.s32 $0x0;
	s20 =	sshll.u32 s4, $0x1;
	s4 =	sadd.s32 s21, s2  }
0x9d: {  	[timem:s6], [sflag:s22] =	dma.local [hbm:s4], s20  }
0x9e: {  	_ =	swait.ge [sflag:s22], s20  }
0x9f: {  	s3 =	ssub.s32 $0x0, s20;
	[sflag:s22] =	ssyncset.done $0x0  }
0xa0: {  	[sflag:s22] =	ssyncadd.s32 s3;
	_ =	sdelay $0x1  }
0xa1: {  	s23 =	simm.s32 $0x1B8B  }
0xa2: {  	_ =	swait.ge [sflag:s23], $0x1  }
0xa3: {  	[sflag:s23] =	ssyncset.done $0x0  }
0xa4: {  	s25 =	simm.s32 $0x1B8E;
	s24 =	sld [smem:$0x3FFE];
	[sflag:s23] =	ssyncadd.s32 $0xFFFFFFFF  }
0xa5: {  	s26 =	simm.s32 $execute0_lowered;
	[smem:$0x3FD2] =	sst s25  }
0xa6: {  	s4 =	sshll.u32 s26, $0x1;
	_ =	strace $0x80000046;
	[dreg:$0x1] =	wrdreg $0xFFFFFFFF  }
0xa7: {  	s28 =	simm.s32 $_size_execute0_lowered;
	s2 =	sadd.s32 s2, s4;
	[dreg:$0x0] =	wrdreg $0x0  }
0xa8: {  	s4 =	sshll.u32 s28, $0x1;
	[dreg:$0x2] =	wrdreg s2  }
0xa9: {  	[dreg:$0x3] =	wrdreg s4  }
0xaa: {  	[dreg:$0x4] =	wrdreg $0xC0  }
0xab: {  	_ =	task [dreg:s6], $0x5FFFF  }
0xac: {  	[dreg:$0x1] =	wrdreg $0xFFFFFFFF  }
0xad: {  	[dreg:$0x0] =	wrdreg $0x60  }
0xae: {  	[dreg:$0x2] =	wrdreg s24  }
0xaf: {  	[dreg:$0x3] =	wrdreg $0x9  }
0xb0: {  	_ =	task.clear_ibuf [dreg:s6], $0x4FFFF;
	_ =	strace $0x90000046  }
0xb1: {  	s29 =	simm.s32 $0x9;
	_ =	strace $0x80000048  }
0xb2: {  	_ =	swait.ge [sflag:s29], $0x1  }
0xb3: {  	[sflag:s29] =	ssyncadd.s32 $0xFFFFFFFF  }
0xb4: {  	_ =	strace $0x90000048  }
0xb5: {  	_ =	sfence  }
0xb6: {  	s30 =	sld [smem:$0x0];
	_ =	sdelay $0x2  }
0xb7: {  	s31 =	sshll.u32 s1, $0xD;
	s1 =	sshrl.u32 s1, $0x2  }
0xb8: {  	s3 =	sand.u32 $0x4000, s31;
	s1 =	sadd.s32 s1, s30  }
0xb9: {  	s0 =	sor.u32 s3, s0;
	s1 =	sshll.u32 s1, $0x11  }
0xba: {  	s0 =	sor.u32 s1, s0  }
0xbb: {  	s0 =	sadd.s32 $0x8F2B, s0  }
0xbc: {  	[sflag:s0] =	ssyncadd.remote.s32 $0x1  }
0xbd: {  	_ =	sfence.sel $0xFFFF  }
0xbe: {  	[dreg:$0x0] =	wrdreg $0xFFFFFFFF;
	(pc) =	sbr.abs _section_cstart, $3  }
0xbf: {  	[dreg:$0x1] =	wrdreg $0xFFFFFFFF  }
0xc0: {  	_ =	task.clear_ibuf [dreg:s6], $0x2FFFF;
	_ =	strace $0x9FFFFFFF  }
0xc1: {  	(tm) =	ssettm $0x7FFFFFFF  }
tec
execute0_lowered:
.L_overlay_start_1:
0x0: {  	(tag) =	ssettag $0x1  }
0x1: {  	s0 =	rddreg [dreg:$0x0];
	s1 =	simm.s32 $0x0;
	s2 =	srdreg.scid  }
0x2: {  	s3 =	stileid.u32;
	[smem:$0x7FF] =	sst s1;
	s4 =	sadd.s32 $0x4C000, s0  }
0x3: {  	s2 =	sand.u32 $0x1, s2;
	s12 =	sadd.s32 $0x4BC00, s0;
	s3 =	sshll.u32 s3, $0x7  }
0x4: {  	s14 =	sadd.s32 $0x4BE00, s0;
	s7 =	sadd.s32 $0xCC300, s0;
	s8 =	sadd.s32 $0xCC400, s0  }
0x5: {  	s9 =	sadd.s32 $0xCC500, s0;
	s10 =	sadd.s32 $0xCC600, s0;
	s11 =	sadd.s32 $0xCC700, s0  }
0x6: {  	_ =	strace $0x80000047;
	s5 =	sshll.u32 s2, $0x6;
	s2 =	ssub.s32 $0x2, s2  }
0x7: {  	s13 =	sor.u32 s5, s3;
	s3 =	sadd.s32 $0xCC000, s0;
	s28 =	sshrl.u32 s2, $0x1  }
0x8: {  	s5 =	sadd.s32 $0xCC100, s0;
	s15 =	sshrl.u32 s13, $0x3;
	s6 =	sshll.u32 s13, $0x8  }
0x9: {  	s16 =	sor.u32 $0x10, s13;
	s17 =	sor.u32 $0x20, s13;
	s29 =	sadd.s32 s12, s15  }
0xa: {  	s20 =	sor.u32 $0x30, s13;
	s30 =	sadd.s32 s4, s6;
	[dreg:$0x2] =	wrdreg s29  }
0xb: {  	s31 =	sshrl.u32 s16, $0x3;
	s25 =	sadd.s32 s14, s15;
	[dreg:$0xa] =	wrdreg s30  }
0xc: {  	s19 =	sshrl.u32 s17, $0x3;
	s18 =	sadd.s32 s12, s31;
	[dreg:$0x6] =	wrdreg s25  }
0xd: {  	s16 =	sshll.u32 s16, $0x8;
	s21 =	sadd.s32 s12, s19;
	[dreg:$0x3] =	wrdreg s18  }
0xe: {  	s22 =	sshrl.u32 s20, $0x3;
	s24 =	sadd.s32 s4, s16;
	[dreg:$0x4] =	wrdreg s21  }
0xf: {  	s26 =	sshll.u32 s17, $0x8;
	s23 =	sadd.s32 s12, s22;
	[dreg:$0xb] =	wrdreg s24  }
0x10: {  	s2 =	ssub.s32 s2, s28;
	s28 =	sadd.s32 s4, s26;
	[dreg:$0x5] =	wrdreg s23  }
0x11: {  	s6 =	sadd.s32 $0xCC200, s0;
	s0 =	sadd.s32 s14, s31;
	[dreg:$0xc] =	wrdreg s28  }
0x12: {  	s17 =	simm.s32 $0x80;
	s29 =	sadd.s32 s14, s19;
	[dreg:$0x7] =	wrdreg s0  }
0x13: {  	v2 =	vlaneseq.u32;
	s30 =	sshll.u32 s20, $0x8;
	s31 =	sadd.s32 s14, s22;
	[dreg:$0x8] =	wrdreg s29  }
0x14: {  	vm0 =	vmmov $0xffff;
	v1 =	vshrl.u32 v2, $0x3;
	s22 =	smax.u32 s2, $0x1;
	s4 =	sadd.s32 s4, s30;
	[dreg:$0x9] =	wrdreg s31  }
0x15: {  	v0 =	vand.u32 $0x7, v2;
	v2 =	vor.u32 $0x8, v2;
	v1 =	vmul.u32 $0x8, v1;
	s16 =	simm.s32 $0x2;
	[dreg:$0xd] =	wrdreg s4;
	s4 =	simm.s32 $0x1  }
.LBB2_1:
0x16: {  	s12 =	rddreg [dreg:$0x2]  }
0x17: {  	[tilespmem:s1], [sflag:$0x2] =	stream.linear.gather [hbm4b:s12+s1], $0x10, $0x38;
	[tilespmem:$0x8080] =	vst v63  }
0x18: {  	_ =	swait.ge [sflag:s16], $0x10  }
0x19: {  	[sflag:s16] =	ssyncset.done $0x0  }
0x1a: {  	[sflag:s16] =	ssyncadd.s32 $0xFFFFFFF0  }
0x1b: {  	v3 =	vld [tilespmem:$0x0];
	_ =	sdelay $0x4  }
0x1c: {  	v4 =	vshll.u32 v3, $0x4  }
0x1d: {  	v3 =	vand.u32 $0x7, v3;
	v4 =	vand.u32 $0xFFFFFF80, v4  }
0x1e: {  	v3 =	vor.u32 v3, v4  }
0x1f: {  	v4 =	vperm.xlane v3, v0;
	_ =	sdelay $0x1  }
0x20: {  	s20 =	rddreg [dreg:$0xa];
	v4 =	vadd.s32 v1, v4  }
0x21: {  	[tilespmem:s17], [sflag:$0x2] =	stream.linear.gather [hbm4b:s20+s1], $0x8000, $0x38;
	[tilespmem:$0x8080] =	vst v63  }
0x22: {  	_ =	swait.ge [sflag:s16], $0x8000  }
0x23: {  	[sflag:s16] =	ssyncset.done $0x0  }
0x24: {  	[sflag:s16] =	ssyncadd.s32 $0xFFFF8000  }
0x25: {  	[hbm4b:s3+s1] =	stream.indirect_vreg.scatter [tilespmem:s17], [sflag:$0x1], $0x80, v4, vm0, $0xb8;
	[tilespmem:$0x8080] =	vst v63  }
0x26: {  	s0 =	simm.s32 $0x880  }
0x27: {  	[hbm4b:s5+s1] =	stream.indirect_vreg.scatter [tilespmem:s0], [sflag:$0x1], $0x80, v4, vm0, $0xb8;
	[tilespmem:$0x8080] =	vst v63  }
0x28: {  	s15 =	simm.s32 $0x1080  }
0x29: {  	[hbm4b:s6+s1] =	stream.indirect_vreg.scatter [tilespmem:s15], [sflag:$0x1], $0x80, v4, vm0, $0xb8;
	[tilespmem:$0x8080] =	vst v63  }
0x2a: {  	s18 =	simm.s32 $0x1880  }
0x2b: {  	[hbm4b:s7+s1] =	stream.indirect_vreg.scatter [tilespmem:s18], [sflag:$0x1], $0x80, v4, vm0, $0xb8;
	[tilespmem:$0x8080] =	vst v63  }
0x2c: {  	s19 =	simm.s32 $0x2080  }
0x2d: {  	[hbm4b:s8+s1] =	stream.indirect_vreg.scatter [tilespmem:s19], [sflag:$0x1], $0x80, v4, vm0, $0xb8;
	[tilespmem:$0x8080] =	vst v63  }
0x2e: {  	s21 =	simm.s32 $0x2880;
	v3 =	vperm.xlane v3, v2  }
0x2f: {  	[hbm4b:s9+s1] =	stream.indirect_vreg.scatter [tilespmem:s21], [sflag:$0x1], $0x80, v4, vm0, $0xb8;
	[tilespmem:$0x8080] =	vst v63  }
0x30: {  	s23 =	simm.s32 $0x3080;
	v3 =	vadd.s32 v1, v3  }
0x31: {  	[hbm4b:s10+s1] =	stream.indirect_vreg.scatter [tilespmem:s23], [sflag:$0x1], $0x80, v4, vm0, $0xb8;
	[tilespmem:$0x8080] =	vst v63  }
0x32: {  	s24 =	simm.s32 $0x3880  }
0x33: {  	[hbm4b:s11+s1] =	stream.indirect_vreg.scatter [tilespmem:s24], [sflag:$0x1], $0x80, v4, vm0, $0xb8;
	[tilespmem:$0x8080] =	vst v63  }
0x34: {  	s25 =	simm.s32 $0x4080  }
0x35: {  	[hbm4b:s3+s1] =	stream.indirect_vreg.scatter [tilespmem:s25], [sflag:$0x1], $0x80, v3, vm0, $0xb8;
	[tilespmem:$0x8080] =	vst v63  }
0x36: {  	s26 =	simm.s32 $0x4880  }
0x37: {  	[hbm4b:s5+s1] =	stream.indirect_vreg.scatter [tilespmem:s26], [sflag:$0x1], $0x80, v3, vm0, $0xb8;
	[tilespmem:$0x8080] =	vst v63  }
0x38: {  	s28 =	simm.s32 $0x5080  }
0x39: {  	[hbm4b:s6+s1] =	stream.indirect_vreg.scatter [tilespmem:s28], [sflag:$0x1], $0x80, v3, vm0, $0xb8;
	[tilespmem:$0x8080] =	vst v63  }
0x3a: {  	s29 =	simm.s32 $0x5880  }
0x3b: {  	[hbm4b:s7+s1] =	stream.indirect_vreg.scatter [tilespmem:s29], [sflag:$0x1], $0x80, v3, vm0, $0xb8;
	[tilespmem:$0x8080] =	vst v63  }
0x3c: {  	s31 =	simm.s32 $0x6080  }
0x3d: {  	[hbm4b:s8+s1] =	stream.indirect_vreg.scatter [tilespmem:s31], [sflag:$0x1], $0x80, v3, vm0, $0xb8;
	[tilespmem:$0x8080] =	vst v63  }
0x3e: {  	s2 =	simm.s32 $0x6880  }
0x3f: {  	[hbm4b:s9+s1] =	stream.indirect_vreg.scatter [tilespmem:s2], [sflag:$0x1], $0x80, v3, vm0, $0xb8;
	[tilespmem:$0x8080] =	vst v63  }
0x40: {  	s2 =	simm.s32 $0x7080  }
0x41: {  	[hbm4b:s10+s1] =	stream.indirect_vreg.scatter [tilespmem:s2], [sflag:$0x1], $0x80, v3, vm0, $0xb8;
	[tilespmem:$0x8080] =	vst v63  }
0x42: {  	s14 =	simm.s32 $0x7880  }
0x43: {  	[hbm4b:s11+s1] =	stream.indirect_vreg.scatter [tilespmem:s14], [sflag:$0x1], $0x80, v3, vm0, $0xb8;
	[tilespmem:$0x8080] =	vst v63  }
0x44: {  	_ =	swait.ge [sflag:s4], $0x8000  }
0x45: {  	[sflag:s4] =	ssyncset.done $0x0  }
0x46: {  	s15 =	rddreg [dreg:$0x3];
	[sflag:s4] =	ssyncadd.s32 $0xFFFF8000  }
0x47: {  	[tilespmem:s1], [sflag:$0x2] =	stream.linear.gather [hbm4b:s15+s1], $0x10, $0x38;
	[tilespmem:$0x8080] =	vst v63  }
0x48: {  	_ =	swait.ge [sflag:s16], $0x10  }
0x49: {  	[sflag:s16] =	ssyncset.done $0x0  }
0x4a: {  	[sflag:s16] =	ssyncadd.s32 $0xFFFFFFF0  }
0x4b: {  	v3 =	vld [tilespmem:$0x0];
	_ =	sdelay $0x4  }
0x4c: {  	v57 =	vshll.u32 v3, $0x4  }
0x4d: {  	v3 =	vand.u32 $0x7, v3;
	v4 =	vand.u32 $0xFFFFFF80, v57  }
0x4e: {  	v3 =	vor.u32 v3, v4  }
0x4f: {  	v4 =	vperm.xlane v3, v0;
	_ =	sdelay $0x1  }
0x50: {  	s21 =	rddreg [dreg:$0xb];
	v4 =	vadd.s32 v1, v4  }
0x51: {  	[tilespmem:s17], [sflag:$0x2] =	stream.linear.gather [hbm4b:s21+s1], $0x8000, $0x38;
	[tilespmem:$0x8080] =	vst v63  }
0x52: {  	_ =	swait.ge [sflag:s16], $0x8000  }
0x53: {  	[sflag:s16] =	ssyncset.done $0x0  }
0x54: {  	[sflag:s16] =	ssyncadd.s32 $0xFFFF8000  }
0x55: {  	[hbm4b:s3+s1] =	stream.indirect_vreg.scatter [tilespmem:s17], [sflag:$0x1], $0x80, v4, vm0, $0xb8;
	[tilespmem:$0x8080] =	vst v63  }
0x56: {  	s0 =	simm.s32 $0x880  }
0x57: {  	[hbm4b:s5+s1] =	stream.indirect_vreg.scatter [tilespmem:s0], [sflag:$0x1], $0x80, v4, vm0, $0xb8;
	[tilespmem:$0x8080] =	vst v63  }
0x58: {  	s2 =	simm.s32 $0x1080  }
0x59: {  	[hbm4b:s6+s1] =	stream.indirect_vreg.scatter [tilespmem:s2], [sflag:$0x1], $0x80, v4, vm0, $0xb8;
	[tilespmem:$0x8080] =	vst v63  }
0x5a: {  	s13 =	simm.s32 $0x1880  }
0x5b: {  	[hbm4b:s7+s1] =	stream.indirect_vreg.scatter [tilespmem:s13], [sflag:$0x1], $0x80, v4, vm0, $0xb8;
	[tilespmem:$0x8080] =	vst v63  }
0x5c: {  	s15 =	simm.s32 $0x2080  }
0x5d: {  	[hbm4b:s8+s1] =	stream.indirect_vreg.scatter [tilespmem:s15], [sflag:$0x1], $0x80, v4, vm0, $0xb8;
	[tilespmem:$0x8080] =	vst v63  }
0x5e: {  	v3 =	vperm.xlane v3, v2;
	s13 =	simm.s32 $0x2880  }
0x5f: {  	[hbm4b:s9+s1] =	stream.indirect_vreg.scatter [tilespmem:s13], [sflag:$0x1], $0x80, v4, vm0, $0xb8;
	[tilespmem:$0x8080] =	vst v63  }
0x60: {  	s23 =	simm.s32 $0x3080;
	v3 =	vadd.s32 v1, v3  }
0x61: {  	[hbm4b:s10+s1] =	stream.indirect_vreg.scatter [tilespmem:s23], [sflag:$0x1], $0x80, v4, vm0, $0xb8;
	[tilespmem:$0x8080] =	vst v63  }
0x62: {  	s24 =	simm.s32 $0x3880  }
0x63: {  	[hbm4b:s11+s1] =	stream.indirect_vreg.scatter [tilespmem:s24], [sflag:$0x1], $0x80, v4, vm0, $0xb8;
	[tilespmem:$0x8080] =	vst v63  }
0x64: {  	s14 =	simm.s32 $0x4080  }
0x65: {  	[hbm4b:s3+s1] =	stream.indirect_vreg.scatter [tilespmem:s14], [sflag:$0x1], $0x80, v3, vm0, $0xb8;
	[tilespmem:$0x8080] =	vst v63  }
0x66: {  	s23 =	simm.s32 $0x4880  }
0x67: {  	[hbm4b:s5+s1] =	stream.indirect_vreg.scatter [tilespmem:s23], [sflag:$0x1], $0x80, v3, vm0, $0xb8;
	[tilespmem:$0x8080] =	vst v63  }
0x68: {  	s30 =	simm.s32 $0x5080  }
0x69: {  	[hbm4b:s6+s1] =	stream.indirect_vreg.scatter [tilespmem:s30], [sflag:$0x1], $0x80, v3, vm0, $0xb8;
	[tilespmem:$0x8080] =	vst v63  }
0x6a: {  	s28 =	simm.s32 $0x5880  }
0x6b: {  	[hbm4b:s7+s1] =	stream.indirect_vreg.scatter [tilespmem:s28], [sflag:$0x1], $0x80, v3, vm0, $0xb8;
	[tilespmem:$0x8080] =	vst v63  }
0x6c: {  	s29 =	simm.s32 $0x6080  }
0x6d: {  	[hbm4b:s8+s1] =	stream.indirect_vreg.scatter [tilespmem:s29], [sflag:$0x1], $0x80, v3, vm0, $0xb8;
	[tilespmem:$0x8080] =	vst v63  }
0x6e: {  	s26 =	simm.s32 $0x6880  }
0x6f: {  	[hbm4b:s9+s1] =	stream.indirect_vreg.scatter [tilespmem:s26], [sflag:$0x1], $0x80, v3, vm0, $0xb8;
	[tilespmem:$0x8080] =	vst v63  }
0x70: {  	s18 =	simm.s32 $0x7080  }
0x71: {  	[hbm4b:s10+s1] =	stream.indirect_vreg.scatter [tilespmem:s18], [sflag:$0x1], $0x80, v3, vm0, $0xb8;
	[tilespmem:$0x8080] =	vst v63  }
0x72: {  	s19 =	simm.s32 $0x7880  }
0x73: {  	[hbm4b:s11+s1] =	stream.indirect_vreg.scatter [tilespmem:s19], [sflag:$0x1], $0x80, v3, vm0, $0xb8;
	[tilespmem:$0x8080] =	vst v63  }
0x74: {  	_ =	swait.ge [sflag:s4], $0x8000  }
0x75: {  	[sflag:s4] =	ssyncset.done $0x0  }
0x76: {  	s18 =	rddreg [dreg:$0x4];
	[sflag:s4] =	ssyncadd.s32 $0xFFFF8000  }
0x77: {  	[tilespmem:s1], [sflag:$0x2] =	stream.linear.gather [hbm4b:s18+s1], $0x10, $0x38;
	[tilespmem:$0x8080] =	vst v63  }
0x78: {  	_ =	swait.ge [sflag:s16], $0x10  }
0x79: {  	[sflag:s16] =	ssyncset.done $0x0  }
0x7a: {  	[sflag:s16] =	ssyncadd.s32 $0xFFFFFFF0  }
0x7b: {  	v3 =	vld [tilespmem:$0x0];
	_ =	sdelay $0x4  }
0x7c: {  	v58 =	vshll.u32 v3, $0x4  }
0x7d: {  	v3 =	vand.u32 $0x7, v3;
	v4 =	vand.u32 $0xFFFFFF80, v58  }
0x7e: {  	v3 =	vor.u32 v3, v4  }
0x7f: {  	v4 =	vperm.xlane v3, v0;
	_ =	sdelay $0x1  }
0x80: {  	s18 =	rddreg [dreg:$0xc];
	v4 =	vadd.s32 v1, v4  }
0x81: {  	[tilespmem:s17], [sflag:$0x2] =	stream.linear.gather [hbm4b:s18+s1], $0x8000, $0x38;
	[tilespmem:$0x8080] =	vst v63  }
0x82: {  	_ =	swait.ge [sflag:s16], $0x8000  }
0x83: {  	[sflag:s16] =	ssyncset.done $0x0  }
0x84: {  	[sflag:s16] =	ssyncadd.s32 $0xFFFF8000  }
0x85: {  	[hbm4b:s3+s1] =	stream.indirect_vreg.scatter [tilespmem:s17], [sflag:$0x1], $0x80, v4, vm0, $0xb8;
	[tilespmem:$0x8080] =	vst v63  }
0x86: {  	_ = 	snop  }
0x87: {  	[hbm4b:s5+s1] =	stream.indirect_vreg.scatter [tilespmem:s0], [sflag:$0x1], $0x80, v4, vm0, $0xb8;
	[tilespmem:$0x8080] =	vst v63  }
0x88: {  	_ = 	snop  }
0x89: {  	[hbm4b:s6+s1] =	stream.indirect_vreg.scatter [tilespmem:s2], [sflag:$0x1], $0x80, v4, vm0, $0xb8;
	[tilespmem:$0x8080] =	vst v63  }
0x8a: {  	s12 =	simm.s32 $0x1880  }
0x8b: {  	[hbm4b:s7+s1] =	stream.indirect_vreg.scatter [tilespmem:s12], [sflag:$0x1], $0x80, v4, vm0, $0xb8;
	[tilespmem:$0x8080] =	vst v63  }
0x8c: {  	_ = 	snop  }
0x8d: {  	[hbm4b:s8+s1] =	stream.indirect_vreg.scatter [tilespmem:s15], [sflag:$0x1], $0x80, v4, vm0, $0xb8;
	[tilespmem:$0x8080] =	vst v63  }
0x8e: {  	v3 =	vperm.xlane v3, v2  }
0x8f: {  	[hbm4b:s9+s1] =	stream.indirect_vreg.scatter [tilespmem:s13], [sflag:$0x1], $0x80, v4, vm0, $0xb8;
	[tilespmem:$0x8080] =	vst v63  }
0x90: {  	s25 =	simm.s32 $0x3080;
	v3 =	vadd.s32 v1, v3  }
0x91: {  	[hbm4b:s10+s1] =	stream.indirect_vreg.scatter [tilespmem:s25], [sflag:$0x1], $0x80, v4, vm0, $0xb8;
	[tilespmem:$0x8080] =	vst v63  }
0x92: {  	_ = 	snop  }
0x93: {  	[hbm4b:s11+s1] =	stream.indirect_vreg.scatter [tilespmem:s24], [sflag:$0x1], $0x80, v4, vm0, $0xb8;
	[tilespmem:$0x8080] =	vst v63  }
0x94: {  	_ = 	snop  }
0x95: {  	[hbm4b:s3+s1] =	stream.indirect_vreg.scatter [tilespmem:s14], [sflag:$0x1], $0x80, v3, vm0, $0xb8;
	[tilespmem:$0x8080] =	vst v63  }
0x96: {  	_ = 	snop  }
0x97: {  	[hbm4b:s5+s1] =	stream.indirect_vreg.scatter [tilespmem:s23], [sflag:$0x1], $0x80, v3, vm0, $0xb8;
	[tilespmem:$0x8080] =	vst v63  }
0x98: {  	s31 =	simm.s32 $0x5080  }
0x99: {  	[hbm4b:s6+s1] =	stream.indirect_vreg.scatter [tilespmem:s31], [sflag:$0x1], $0x80, v3, vm0, $0xb8;
	[tilespmem:$0x8080] =	vst v63  }
0x9a: {  	_ = 	snop  }
0x9b: {  	[hbm4b:s7+s1] =	stream.indirect_vreg.scatter [tilespmem:s28], [sflag:$0x1], $0x80, v3, vm0, $0xb8;
	[tilespmem:$0x8080] =	vst v63  }
0x9c: {  	s29 =	simm.s32 $0x6080  }
0x9d: {  	[hbm4b:s8+s1] =	stream.indirect_vreg.scatter [tilespmem:s29], [sflag:$0x1], $0x80, v3, vm0, $0xb8;
	[tilespmem:$0x8080] =	vst v63  }
0x9e: {  	s30 =	simm.s32 $0x6880  }
0x9f: {  	[hbm4b:s9+s1] =	stream.indirect_vreg.scatter [tilespmem:s30], [sflag:$0x1], $0x80, v3, vm0, $0xb8;
	[tilespmem:$0x8080] =	vst v63  }
0xa0: {  	s26 =	simm.s32 $0x7080  }
0xa1: {  	[hbm4b:s10+s1] =	stream.indirect_vreg.scatter [tilespmem:s26], [sflag:$0x1], $0x80, v3, vm0, $0xb8;
	[tilespmem:$0x8080] =	vst v63  }
0xa2: {  	s19 =	simm.s32 $0x7880  }
0xa3: {  	[hbm4b:s11+s1] =	stream.indirect_vreg.scatter [tilespmem:s19], [sflag:$0x1], $0x80, v3, vm0, $0xb8;
	[tilespmem:$0x8080] =	vst v63  }
0xa4: {  	_ =	swait.ge [sflag:s4], $0x8000  }
0xa5: {  	[sflag:s4] =	ssyncset.done $0x0  }
0xa6: {  	s19 =	rddreg [dreg:$0x5];
	[sflag:s4] =	ssyncadd.s32 $0xFFFF8000  }
0xa7: {  	[tilespmem:s1], [sflag:$0x2] =	stream.linear.gather [hbm4b:s19+s1], $0x10, $0x38;
	[tilespmem:$0x8080] =	vst v63  }
0xa8: {  	_ =	swait.ge [sflag:s16], $0x10  }
0xa9: {  	[sflag:s16] =	ssyncset.done $0x0  }
0xaa: {  	[sflag:s16] =	ssyncadd.s32 $0xFFFFFFF0  }
0xab: {  	v3 =	vld [tilespmem:$0x0];
	_ =	sdelay $0x4  }
0xac: {  	v59 =	vshll.u32 v3, $0x4  }
0xad: {  	v3 =	vand.u32 $0x7, v3;
	v4 =	vand.u32 $0xFFFFFF80, v59  }
0xae: {  	v3 =	vor.u32 v3, v4  }
0xaf: {  	v4 =	vperm.xlane v3, v0;
	_ =	sdelay $0x1  }
0xb0: {  	s19 =	rddreg [dreg:$0xd];
	v4 =	vadd.s32 v1, v4  }
0xb1: {  	[tilespmem:s17], [sflag:$0x2] =	stream.linear.gather [hbm4b:s19+s1], $0x8000, $0x38;
	[tilespmem:$0x8080] =	vst v63  }
0xb2: {  	_ =	swait.ge [sflag:s16], $0x8000  }
0xb3: {  	[sflag:s16] =	ssyncset.done $0x0  }
0xb4: {  	[sflag:s16] =	ssyncadd.s32 $0xFFFF8000  }
0xb5: {  	[hbm4b:s3+s1] =	stream.indirect_vreg.scatter [tilespmem:s17], [sflag:$0x1], $0x80, v4, vm0, $0xb8;
	[tilespmem:$0x8080] =	vst v63  }
0xb6: {  	s0 =	simm.s32 $0x880  }
0xb7: {  	[hbm4b:s5+s1] =	stream.indirect_vreg.scatter [tilespmem:s0], [sflag:$0x1], $0x80, v4, vm0, $0xb8;
	[tilespmem:$0x8080] =	vst v63  }
0xb8: {  	s2 =	simm.s32 $0x1080  }
0xb9: {  	[hbm4b:s6+s1] =	stream.indirect_vreg.scatter [tilespmem:s2], [sflag:$0x1], $0x80, v4, vm0, $0xb8;
	[tilespmem:$0x8080] =	vst v63  }
0xba: {  	s12 =	simm.s32 $0x1880  }
0xbb: {  	[hbm4b:s7+s1] =	stream.indirect_vreg.scatter [tilespmem:s12], [sflag:$0x1], $0x80, v4, vm0, $0xb8;
	[tilespmem:$0x8080] =	vst v63  }
0xbc: {  	s15 =	simm.s32 $0x2080  }
0xbd: {  	[hbm4b:s8+s1] =	stream.indirect_vreg.scatter [tilespmem:s15], [sflag:$0x1], $0x80, v4, vm0, $0xb8;
	[tilespmem:$0x8080] =	vst v63  }
0xbe: {  	s13 =	simm.s32 $0x2880;
	v3 =	vperm.xlane v3, v2  }
0xbf: {  	[hbm4b:s9+s1] =	stream.indirect_vreg.scatter [tilespmem:s13], [sflag:$0x1], $0x80, v4, vm0, $0xb8;
	[tilespmem:$0x8080] =	vst v63  }
0xc0: {  	s25 =	simm.s32 $0x3080;
	v3 =	vadd.s32 v1, v3  }
0xc1: {  	[hbm4b:s10+s1] =	stream.indirect_vreg.scatter [tilespmem:s25], [sflag:$0x1], $0x80, v4, vm0, $0xb8;
	[tilespmem:$0x8080] =	vst v63  }
0xc2: {  	s24 =	simm.s32 $0x3880  }
0xc3: {  	[hbm4b:s11+s1] =	stream.indirect_vreg.scatter [tilespmem:s24], [sflag:$0x1], $0x80, v4, vm0, $0xb8;
	[tilespmem:$0x8080] =	vst v63  }
0xc4: {  	s14 =	simm.s32 $0x4080  }
0xc5: {  	[hbm4b:s3+s1] =	stream.indirect_vreg.scatter [tilespmem:s14], [sflag:$0x1], $0x80, v3, vm0, $0xb8;
	[tilespmem:$0x8080] =	vst v63  }
0xc6: {  	s23 =	simm.s32 $0x4880  }
0xc7: {  	[hbm4b:s5+s1] =	stream.indirect_vreg.scatter [tilespmem:s23], [sflag:$0x1], $0x80, v3, vm0, $0xb8;
	[tilespmem:$0x8080] =	vst v63  }
0xc8: {  	s31 =	simm.s32 $0x5080  }
0xc9: {  	[hbm4b:s6+s1] =	stream.indirect_vreg.scatter [tilespmem:s31], [sflag:$0x1], $0x80, v3, vm0, $0xb8;
	[tilespmem:$0x8080] =	vst v63  }
0xca: {  	s12 =	simm.s32 $0x5880  }
0xcb: {  	[hbm4b:s7+s1] =	stream.indirect_vreg.scatter [tilespmem:s12], [sflag:$0x1], $0x80, v3, vm0, $0xb8;
	[tilespmem:$0x8080] =	vst v63  }
0xcc: {  	s28 =	simm.s32 $0x6080  }
0xcd: {  	[hbm4b:s8+s1] =	stream.indirect_vreg.scatter [tilespmem:s28], [sflag:$0x1], $0x80, v3, vm0, $0xb8;
	[tilespmem:$0x8080] =	vst v63  }
0xce: {  	s30 =	simm.s32 $0x6880  }
0xcf: {  	[hbm4b:s9+s1] =	stream.indirect_vreg.scatter [tilespmem:s30], [sflag:$0x1], $0x80, v3, vm0, $0xb8;
	[tilespmem:$0x8080] =	vst v63  }
0xd0: {  	s26 =	simm.s32 $0x7080  }
0xd1: {  	[hbm4b:s10+s1] =	stream.indirect_vreg.scatter [tilespmem:s26], [sflag:$0x1], $0x80, v3, vm0, $0xb8;
	[tilespmem:$0x8080] =	vst v63  }
0xd2: {  	s29 =	simm.s32 $0x7880  }
0xd3: {  	[hbm4b:s11+s1] =	stream.indirect_vreg.scatter [tilespmem:s29], [sflag:$0x1], $0x80, v3, vm0, $0xb8;
	[tilespmem:$0x8080] =	vst v63  }
0xd4: {  	_ =	swait.ge [sflag:s4], $0x8000  }
0xd5: {  	[sflag:s4] =	ssyncset.done $0x0  }
0xd6: {  	s12 =	rddreg [dreg:$0x6];
	[sflag:s4] =	ssyncadd.s32 $0xFFFF8000  }
0xd7: {  	[tilespmem:s1], [sflag:$0x2] =	stream.linear.gather [hbm4b:s12+s1], $0x10, $0x38;
	[tilespmem:$0x8080] =	vst v63  }
0xd8: {  	_ =	swait.ge [sflag:s16], $0x10  }
0xd9: {  	[sflag:s16] =	ssyncset.done $0x0  }
0xda: {  	[sflag:s16] =	ssyncadd.s32 $0xFFFFFFF0  }
0xdb: {  	v3 =	vld [tilespmem:$0x0];
	_ =	sdelay $0x4  }
0xdc: {  	v60 =	vshll.u32 v3, $0x4  }
0xdd: {  	v3 =	vand.u32 $0x7, v3;
	v4 =	vand.u32 $0xFFFFFF80, v60  }
0xde: {  	v3 =	vor.u32 v3, v4  }
0xdf: {  	v4 =	vperm.xlane v3, v0;
	_ =	sdelay $0x1  }
0xe0: {  	v4 =	vadd.s32 v1, v4  }
0xe1: {  	[tilespmem:s17], [sflag:$0x2] =	stream.linear.gather [hbm4b:s20+s1], $0x8000, $0x38;
	[tilespmem:$0x8080] =	vst v63  }
0xe2: {  	_ =	swait.ge [sflag:s16], $0x8000  }
0xe3: {  	[sflag:s16] =	ssyncset.done $0x0  }
0xe4: {  	[sflag:s16] =	ssyncadd.s32 $0xFFFF8000  }
0xe5: {  	[hbm4b:s3+s1] =	stream.indirect_vreg.scatter [tilespmem:s17], [sflag:$0x1], $0x80, v4, vm0, $0xb8;
	[tilespmem:$0x8080] =	vst v63  }
0xe6: {  	s0 =	simm.s32 $0x880  }
0xe7: {  	[hbm4b:s5+s1] =	stream.indirect_vreg.scatter [tilespmem:s0], [sflag:$0x1], $0x80, v4, vm0, $0xb8;
	[tilespmem:$0x8080] =	vst v63  }
0xe8: {  	s2 =	simm.s32 $0x1080  }
0xe9: {  	[hbm4b:s6+s1] =	stream.indirect_vreg.scatter [tilespmem:s2], [sflag:$0x1], $0x80, v4, vm0, $0xb8;
	[tilespmem:$0x8080] =	vst v63  }
0xea: {  	s20 =	simm.s32 $0x1880  }
0xeb: {  	[hbm4b:s7+s1] =	stream.indirect_vreg.scatter [tilespmem:s20], [sflag:$0x1], $0x80, v4, vm0, $0xb8;
	[tilespmem:$0x8080] =	vst v63  }
0xec: {  	s15 =	simm.s32 $0x2080  }
0xed: {  	[hbm4b:s8+s1] =	stream.indirect_vreg.scatter [tilespmem:s15], [sflag:$0x1], $0x80, v4, vm0, $0xb8;
	[tilespmem:$0x8080] =	vst v63  }
0xee: {  	s13 =	simm.s32 $0x2880;
	v3 =	vperm.xlane v3, v2  }
0xef: {  	[hbm4b:s9+s1] =	stream.indirect_vreg.scatter [tilespmem:s13], [sflag:$0x1], $0x80, v4, vm0, $0xb8;
	[tilespmem:$0x8080] =	vst v63  }
0xf0: {  	s25 =	simm.s32 $0x3080;
	v3 =	vadd.s32 v1, v3  }
0xf1: {  	[hbm4b:s10+s1] =	stream.indirect_vreg.scatter [tilespmem:s25], [sflag:$0x1], $0x80, v4, vm0, $0xb8;
	[tilespmem:$0x8080] =	vst v63  }
0xf2: {  	s24 =	simm.s32 $0x3880  }
0xf3: {  	[hbm4b:s11+s1] =	stream.indirect_vreg.scatter [tilespmem:s24], [sflag:$0x1], $0x80, v4, vm0, $0xb8;
	[tilespmem:$0x8080] =	vst v63  }
0xf4: {  	s14 =	simm.s32 $0x4080  }
0xf5: {  	[hbm4b:s3+s1] =	stream.indirect_vreg.scatter [tilespmem:s14], [sflag:$0x1], $0x80, v3, vm0, $0xb8;
	[tilespmem:$0x8080] =	vst v63  }
0xf6: {  	s23 =	simm.s32 $0x4880  }
0xf7: {  	[hbm4b:s5+s1] =	stream.indirect_vreg.scatter [tilespmem:s23], [sflag:$0x1], $0x80, v3, vm0, $0xb8;
	[tilespmem:$0x8080] =	vst v63  }
0xf8: {  	s31 =	simm.s32 $0x5080  }
0xf9: {  	[hbm4b:s6+s1] =	stream.indirect_vreg.scatter [tilespmem:s31], [sflag:$0x1], $0x80, v3, vm0, $0xb8;
	[tilespmem:$0x8080] =	vst v63  }
0xfa: {  	s23 =	simm.s32 $0x5880  }
0xfb: {  	[hbm4b:s7+s1] =	stream.indirect_vreg.scatter [tilespmem:s23], [sflag:$0x1], $0x80, v3, vm0, $0xb8;
	[tilespmem:$0x8080] =	vst v63  }
0xfc: {  	s28 =	simm.s32 $0x6080  }
0xfd: {  	[hbm4b:s8+s1] =	stream.indirect_vreg.scatter [tilespmem:s28], [sflag:$0x1], $0x80, v3, vm0, $0xb8;
	[tilespmem:$0x8080] =	vst v63  }
0xfe: {  	s30 =	simm.s32 $0x6880  }
0xff: {  	[hbm4b:s9+s1] =	stream.indirect_vreg.scatter [tilespmem:s30], [sflag:$0x1], $0x80, v3, vm0, $0xb8;
	[tilespmem:$0x8080] =	vst v63  }
0x100: {  	s26 =	simm.s32 $0x7080  }
0x101: {  	[hbm4b:s10+s1] =	stream.indirect_vreg.scatter [tilespmem:s26], [sflag:$0x1], $0x80, v3, vm0, $0xb8;
	[tilespmem:$0x8080] =	vst v63  }
0x102: {  	s29 =	simm.s32 $0x7880  }
0x103: {  	[hbm4b:s11+s1] =	stream.indirect_vreg.scatter [tilespmem:s29], [sflag:$0x1], $0x80, v3, vm0, $0xb8;
	[tilespmem:$0x8080] =	vst v63  }
0x104: {  	_ =	swait.ge [sflag:s4], $0x8000  }
0x105: {  	[sflag:s4] =	ssyncset.done $0x0  }
0x106: {  	s30 =	rddreg [dreg:$0x7];
	[sflag:s4] =	ssyncadd.s32 $0xFFFF8000  }
0x107: {  	[tilespmem:s1], [sflag:$0x2] =	stream.linear.gather [hbm4b:s30+s1], $0x10, $0x38;
	[tilespmem:$0x8080] =	vst v63  }
0x108: {  	_ =	swait.ge [sflag:s16], $0x10  }
0x109: {  	[sflag:s16] =	ssyncset.done $0x0  }
0x10a: {  	[sflag:s16] =	ssyncadd.s32 $0xFFFFFFF0  }
0x10b: {  	v3 =	vld [tilespmem:$0x0];
	_ =	sdelay $0x4  }
0x10c: {  	v61 =	vshll.u32 v3, $0x4  }
0x10d: {  	v3 =	vand.u32 $0x7, v3;
	v4 =	vand.u32 $0xFFFFFF80, v61  }
0x10e: {  	v3 =	vor.u32 v3, v4  }
0x10f: {  	v4 =	vperm.xlane v3, v0;
	_ =	sdelay $0x1  }
0x110: {  	v4 =	vadd.s32 v1, v4  }
0x111: {  	[tilespmem:s17], [sflag:$0x2] =	stream.linear.gather [hbm4b:s21+s1], $0x8000, $0x38;
	[tilespmem:$0x8080] =	vst v63  }
0x112: {  	_ =	swait.ge [sflag:s16], $0x8000  }
0x113: {  	[sflag:s16] =	ssyncset.done $0x0  }
0x114: {  	[sflag:s16] =	ssyncadd.s32 $0xFFFF8000  }
0x115: {  	[hbm4b:s3+s1] =	stream.indirect_vreg.scatter [tilespmem:s17], [sflag:$0x1], $0x80, v4, vm0, $0xb8;
	[tilespmem:$0x8080] =	vst v63  }
0x116: {  	s21 =	simm.s32 $0x880  }
0x117: {  	[hbm4b:s5+s1] =	stream.indirect_vreg.scatter [tilespmem:s21], [sflag:$0x1], $0x80, v4, vm0, $0xb8;
	[tilespmem:$0x8080] =	vst v63  }
0x118: {  	s2 =	simm.s32 $0x1080  }
0x119: {  	[hbm4b:s6+s1] =	stream.indirect_vreg.scatter [tilespmem:s2], [sflag:$0x1], $0x80, v4, vm0, $0xb8;
	[tilespmem:$0x8080] =	vst v63  }
0x11a: {  	s20 =	simm.s32 $0x1880  }
0x11b: {  	[hbm4b:s7+s1] =	stream.indirect_vreg.scatter [tilespmem:s20], [sflag:$0x1], $0x80, v4, vm0, $0xb8;
	[tilespmem:$0x8080] =	vst v63  }
0x11c: {  	s0 =	simm.s32 $0x2080  }
0x11d: {  	[hbm4b:s8+s1] =	stream.indirect_vreg.scatter [tilespmem:s0], [sflag:$0x1], $0x80, v4, vm0, $0xb8;
	[tilespmem:$0x8080] =	vst v63  }
0x11e: {  	s15 =	simm.s32 $0x2880;
	v3 =	vperm.xlane v3, v2  }
0x11f: {  	[hbm4b:s9+s1] =	stream.indirect_vreg.scatter [tilespmem:s15], [sflag:$0x1], $0x80, v4, vm0, $0xb8;
	[tilespmem:$0x8080] =	vst v63  }
0x120: {  	s13 =	simm.s32 $0x3080;
	v3 =	vadd.s32 v1, v3  }
0x121: {  	[hbm4b:s10+s1] =	stream.indirect_vreg.scatter [tilespmem:s13], [sflag:$0x1], $0x80, v4, vm0, $0xb8;
	[tilespmem:$0x8080] =	vst v63  }
0x122: {  	s25 =	simm.s32 $0x3880  }
0x123: {  	[hbm4b:s11+s1] =	stream.indirect_vreg.scatter [tilespmem:s25], [sflag:$0x1], $0x80, v4, vm0, $0xb8;
	[tilespmem:$0x8080] =	vst v63  }
0x124: {  	s24 =	simm.s32 $0x4080  }
0x125: {  	[hbm4b:s3+s1] =	stream.indirect_vreg.scatter [tilespmem:s24], [sflag:$0x1], $0x80, v3, vm0, $0xb8;
	[tilespmem:$0x8080] =	vst v63  }
0x126: {  	s14 =	simm.s32 $0x4880  }
0x127: {  	[hbm4b:s5+s1] =	stream.indirect_vreg.scatter [tilespmem:s14], [sflag:$0x1], $0x80, v3, vm0, $0xb8;
	[tilespmem:$0x8080] =	vst v63  }
0x128: {  	s31 =	simm.s32 $0x5080  }
0x129: {  	[hbm4b:s6+s1] =	stream.indirect_vreg.scatter [tilespmem:s31], [sflag:$0x1], $0x80, v3, vm0, $0xb8;
	[tilespmem:$0x8080] =	vst v63  }
0x12a: {  	s25 =	simm.s32 $0x5880  }
0x12b: {  	[hbm4b:s7+s1] =	stream.indirect_vreg.scatter [tilespmem:s25], [sflag:$0x1], $0x80, v3, vm0, $0xb8;
	[tilespmem:$0x8080] =	vst v63  }
0x12c: {  	s23 =	simm.s32 $0x6080  }
0x12d: {  	[hbm4b:s8+s1] =	stream.indirect_vreg.scatter [tilespmem:s23], [sflag:$0x1], $0x80, v3, vm0, $0xb8;
	[tilespmem:$0x8080] =	vst v63  }
0x12e: {  	s28 =	simm.s32 $0x6880  }
0x12f: {  	[hbm4b:s9+s1] =	stream.indirect_vreg.scatter [tilespmem:s28], [sflag:$0x1], $0x80, v3, vm0, $0xb8;
	[tilespmem:$0x8080] =	vst v63  }
0x130: {  	s26 =	simm.s32 $0x7080  }
0x131: {  	[hbm4b:s10+s1] =	stream.indirect_vreg.scatter [tilespmem:s26], [sflag:$0x1], $0x80, v3, vm0, $0xb8;
	[tilespmem:$0x8080] =	vst v63  }
0x132: {  	s29 =	simm.s32 $0x7880  }
0x133: {  	[hbm4b:s11+s1] =	stream.indirect_vreg.scatter [tilespmem:s29], [sflag:$0x1], $0x80, v3, vm0, $0xb8;
	[tilespmem:$0x8080] =	vst v63  }
0x134: {  	_ =	swait.ge [sflag:s4], $0x8000  }
0x135: {  	[sflag:s4] =	ssyncset.done $0x0  }
0x136: {  	s29 =	rddreg [dreg:$0x8];
	[sflag:s4] =	ssyncadd.s32 $0xFFFF8000  }
0x137: {  	[tilespmem:s1], [sflag:$0x2] =	stream.linear.gather [hbm4b:s29+s1], $0x10, $0x38;
	[tilespmem:$0x8080] =	vst v63  }
0x138: {  	_ =	swait.ge [sflag:s16], $0x10  }
0x139: {  	[sflag:s16] =	ssyncset.done $0x0  }
0x13a: {  	[sflag:s16] =	ssyncadd.s32 $0xFFFFFFF0  }
0x13b: {  	v3 =	vld [tilespmem:$0x0];
	_ =	sdelay $0x4  }
0x13c: {  	v62 =	vshll.u32 v3, $0x4  }
0x13d: {  	v3 =	vand.u32 $0x7, v3;
	v4 =	vand.u32 $0xFFFFFF80, v62  }
0x13e: {  	v3 =	vor.u32 v3, v4  }
0x13f: {  	v4 =	vperm.xlane v3, v0;
	_ =	sdelay $0x1  }
0x140: {  	v4 =	vadd.s32 v1, v4  }
0x141: {  	[tilespmem:s17], [sflag:$0x2] =	stream.linear.gather [hbm4b:s18+s1], $0x8000, $0x38;
	[tilespmem:$0x8080] =	vst v63  }
0x142: {  	_ =	swait.ge [sflag:s16], $0x8000  }
0x143: {  	[sflag:s16] =	ssyncset.done $0x0  }
0x144: {  	[sflag:s16] =	ssyncadd.s32 $0xFFFF8000  }
0x145: {  	[hbm4b:s3+s1] =	stream.indirect_vreg.scatter [tilespmem:s17], [sflag:$0x1], $0x80, v4, vm0, $0xb8;
	[tilespmem:$0x8080] =	vst v63  }
0x146: {  	s18 =	simm.s32 $0x880  }
0x147: {  	[hbm4b:s5+s1] =	stream.indirect_vreg.scatter [tilespmem:s18], [sflag:$0x1], $0x80, v4, vm0, $0xb8;
	[tilespmem:$0x8080] =	vst v63  }
0x148: {  	s2 =	simm.s32 $0x1080  }
0x149: {  	[hbm4b:s6+s1] =	stream.indirect_vreg.scatter [tilespmem:s2], [sflag:$0x1], $0x80, v4, vm0, $0xb8;
	[tilespmem:$0x8080] =	vst v63  }
0x14a: {  	s20 =	simm.s32 $0x1880  }
0x14b: {  	[hbm4b:s7+s1] =	stream.indirect_vreg.scatter [tilespmem:s20], [sflag:$0x1], $0x80, v4, vm0, $0xb8;
	[tilespmem:$0x8080] =	vst v63  }
0x14c: {  	s30 =	simm.s32 $0x2080  }
0x14d: {  	[hbm4b:s8+s1] =	stream.indirect_vreg.scatter [tilespmem:s30], [sflag:$0x1], $0x80, v4, vm0, $0xb8;
	[tilespmem:$0x8080] =	vst v63  }
0x14e: {  	s0 =	simm.s32 $0x2880;
	v3 =	vperm.xlane v3, v2  }
0x14f: {  	[hbm4b:s9+s1] =	stream.indirect_vreg.scatter [tilespmem:s0], [sflag:$0x1], $0x80, v4, vm0, $0xb8;
	[tilespmem:$0x8080] =	vst v63  }
0x150: {  	s13 =	simm.s32 $0x3080;
	v3 =	vadd.s32 v1, v3  }
0x151: {  	[hbm4b:s10+s1] =	stream.indirect_vreg.scatter [tilespmem:s13], [sflag:$0x1], $0x80, v4, vm0, $0xb8;
	[tilespmem:$0x8080] =	vst v63  }
0x152: {  	s20 =	simm.s32 $0x3880  }
0x153: {  	[hbm4b:s11+s1] =	stream.indirect_vreg.scatter [tilespmem:s20], [sflag:$0x1], $0x80, v4, vm0, $0xb8;
	[tilespmem:$0x8080] =	vst v63  }
0x154: {  	s21 =	simm.s32 $0x4080  }
0x155: {  	[hbm4b:s3+s1] =	stream.indirect_vreg.scatter [tilespmem:s21], [sflag:$0x1], $0x80, v3, vm0, $0xb8;
	[tilespmem:$0x8080] =	vst v63  }
0x156: {  	s14 =	simm.s32 $0x4880  }
0x157: {  	[hbm4b:s5+s1] =	stream.indirect_vreg.scatter [tilespmem:s14], [sflag:$0x1], $0x80, v3, vm0, $0xb8;
	[tilespmem:$0x8080] =	vst v63  }
0x158: {  	s24 =	simm.s32 $0x5080  }
0x159: {  	[hbm4b:s6+s1] =	stream.indirect_vreg.scatter [tilespmem:s24], [sflag:$0x1], $0x80, v3, vm0, $0xb8;
	[tilespmem:$0x8080] =	vst v63  }
0x15a: {  	s31 =	simm.s32 $0x5880  }
0x15b: {  	[hbm4b:s7+s1] =	stream.indirect_vreg.scatter [tilespmem:s31], [sflag:$0x1], $0x80, v3, vm0, $0xb8;
	[tilespmem:$0x8080] =	vst v63  }
0x15c: {  	s15 =	simm.s32 $0x6080  }
0x15d: {  	[hbm4b:s8+s1] =	stream.indirect_vreg.scatter [tilespmem:s15], [sflag:$0x1], $0x80, v3, vm0, $0xb8;
	[tilespmem:$0x8080] =	vst v63  }
0x15e: {  	s25 =	simm.s32 $0x6880  }
0x15f: {  	[hbm4b:s9+s1] =	stream.indirect_vreg.scatter [tilespmem:s25], [sflag:$0x1], $0x80, v3, vm0, $0xb8;
	[tilespmem:$0x8080] =	vst v63  }
0x160: {  	s23 =	simm.s32 $0x7080  }
0x161: {  	[hbm4b:s10+s1] =	stream.indirect_vreg.scatter [tilespmem:s23], [sflag:$0x1], $0x80, v3, vm0, $0xb8;
	[tilespmem:$0x8080] =	vst v63  }
0x162: {  	s26 =	simm.s32 $0x7880  }
0x163: {  	[hbm4b:s11+s1] =	stream.indirect_vreg.scatter [tilespmem:s26], [sflag:$0x1], $0x80, v3, vm0, $0xb8;
	[tilespmem:$0x8080] =	vst v63  }
0x164: {  	_ =	swait.ge [sflag:s4], $0x8000  }
0x165: {  	[sflag:s4] =	ssyncset.done $0x0  }
0x166: {  	s25 =	rddreg [dreg:$0x9];
	[sflag:s4] =	ssyncadd.s32 $0xFFFF8000  }
0x167: {  	[tilespmem:s1], [sflag:$0x2] =	stream.linear.gather [hbm4b:s25+s1], $0x10, $0x38;
	[tilespmem:$0x8080] =	vst v63  }
0x168: {  	_ =	swait.ge [sflag:s16], $0x10  }
0x169: {  	[sflag:s16] =	ssyncset.done $0x0  }
0x16a: {  	[sflag:s16] =	ssyncadd.s32 $0xFFFFFFF0  }
0x16b: {  	v3 =	vld [tilespmem:$0x0];
	_ =	sdelay $0x4  }
0x16c: {  	v63 =	vshll.u32 v3, $0x4  }
0x16d: {  	v3 =	vand.u32 $0x7, v3;
	v4 =	vand.u32 $0xFFFFFF80, v63  }
0x16e: {  	v3 =	vor.u32 v3, v4  }
0x16f: {  	v4 =	vperm.xlane v3, v0;
	_ =	sdelay $0x1  }
0x170: {  	v4 =	vadd.s32 v1, v4  }
0x171: {  	[tilespmem:s17], [sflag:$0x2] =	stream.linear.gather [hbm4b:s19+s1], $0x8000, $0x38;
	[tilespmem:$0x8080] =	vst v63  }
0x172: {  	_ =	swait.ge [sflag:s16], $0x8000  }
0x173: {  	[sflag:s16] =	ssyncset.done $0x0  }
0x174: {  	[sflag:s16] =	ssyncadd.s32 $0xFFFF8000  }
0x175: {  	[hbm4b:s3+s1] =	stream.indirect_vreg.scatter [tilespmem:s17], [sflag:$0x1], $0x80, v4, vm0, $0xb8;
	[tilespmem:$0x8080] =	vst v63  }
0x176: {  	s29 =	simm.s32 $0x880  }
0x177: {  	[hbm4b:s5+s1] =	stream.indirect_vreg.scatter [tilespmem:s29], [sflag:$0x1], $0x80, v4, vm0, $0xb8;
	[tilespmem:$0x8080] =	vst v63  }
0x178: {  	s2 =	simm.s32 $0x1080  }
0x179: {  	[hbm4b:s6+s1] =	stream.indirect_vreg.scatter [tilespmem:s2], [sflag:$0x1], $0x80, v4, vm0, $0xb8;
	[tilespmem:$0x8080] =	vst v63  }
0x17a: {  	s18 =	simm.s32 $0x1880  }
0x17b: {  	[hbm4b:s7+s1] =	stream.indirect_vreg.scatter [tilespmem:s18], [sflag:$0x1], $0x80, v4, vm0, $0xb8;
	[tilespmem:$0x8080] =	vst v63  }
0x17c: {  	s28 =	simm.s32 $0x2080  }
0x17d: {  	[hbm4b:s8+s1] =	stream.indirect_vreg.scatter [tilespmem:s28], [sflag:$0x1], $0x80, v4, vm0, $0xb8;
	[tilespmem:$0x8080] =	vst v63  }
0x17e: {  	s0 =	simm.s32 $0x2880;
	v3 =	vperm.xlane v3, v2  }
0x17f: {  	[hbm4b:s9+s1] =	stream.indirect_vreg.scatter [tilespmem:s0], [sflag:$0x1], $0x80, v4, vm0, $0xb8;
	[tilespmem:$0x8080] =	vst v63  }
0x180: {  	s13 =	simm.s32 $0x3080;
	v3 =	vadd.s32 v1, v3  }
0x181: {  	[hbm4b:s10+s1] =	stream.indirect_vreg.scatter [tilespmem:s13], [sflag:$0x1], $0x80, v4, vm0, $0xb8;
	[tilespmem:$0x8080] =	vst v63  }
0x182: {  	s30 =	simm.s32 $0x3880  }
0x183: {  	[hbm4b:s11+s1] =	stream.indirect_vreg.scatter [tilespmem:s30], [sflag:$0x1], $0x80, v4, vm0, $0xb8;
	[tilespmem:$0x8080] =	vst v63  }
0x184: {  	s20 =	simm.s32 $0x4080  }
0x185: {  	[hbm4b:s3+s1] =	stream.indirect_vreg.scatter [tilespmem:s20], [sflag:$0x1], $0x80, v3, vm0, $0xb8;
	[tilespmem:$0x8080] =	vst v63  }
0x186: {  	s14 =	simm.s32 $0x4880  }
0x187: {  	[hbm4b:s5+s1] =	stream.indirect_vreg.scatter [tilespmem:s14], [sflag:$0x1], $0x80, v3, vm0, $0xb8;
	[tilespmem:$0x8080] =	vst v63  }
0x188: {  	s21 =	simm.s32 $0x5080  }
0x189: {  	[hbm4b:s6+s1] =	stream.indirect_vreg.scatter [tilespmem:s21], [sflag:$0x1], $0x80, v3, vm0, $0xb8;
	[tilespmem:$0x8080] =	vst v63  }
0x18a: {  	_ = 	snop  }
0x18b: {  	[hbm4b:s7+s1] =	stream.indirect_vreg.scatter [tilespmem:s31], [sflag:$0x1], $0x80, v3, vm0, $0xb8;
	[tilespmem:$0x8080] =	vst v63  }
0x18c: {  	s15 =	simm.s32 $0x6080  }
0x18d: {  	[hbm4b:s8+s1] =	stream.indirect_vreg.scatter [tilespmem:s15], [sflag:$0x1], $0x80, v3, vm0, $0xb8;
	[tilespmem:$0x8080] =	vst v63  }
0x18e: {  	s24 =	simm.s32 $0x6880  }
0x18f: {  	[hbm4b:s9+s1] =	stream.indirect_vreg.scatter [tilespmem:s24], [sflag:$0x1], $0x80, v3, vm0, $0xb8;
	[tilespmem:$0x8080] =	vst v63  }
0x190: {  	p0 =	sne.s32 s22, $0x1;
	s23 =	simm.s32 $0x7080  }
0x191: {  	[hbm4b:s10+s1] =	stream.indirect_vreg.scatter [tilespmem:s23], [sflag:$0x1], $0x80, v3, vm0, $0xb8;
	[tilespmem:$0x8080] =	vst v63  }
.Ltmp0:
0x192: {  	_ = 	snop;
	(pc) =	sbr.rel @p0 .LBB2_1-.Ltmp0, $4  }
0x193: {  	[hbm4b:s11+s1] =	stream.indirect_vreg.scatter [tilespmem:s26], [sflag:$0x1], $0x80, v3, vm0, $0xb8;
	[tilespmem:$0x8080] =	vst v63  }
0x194: {  	_ =	swait.ge [sflag:s4], $0x8000  }
0x195: {  	[sflag:s4] =	ssyncset.done $0x0  }
0x196: {  	s22 =	sadd.s32 $0xFFFFFFFF, s22;
	[sflag:s4] =	ssyncadd.s32 $0xFFFF8000  }
0x197: {  	_ =	sfence.sel $0x180000  }
0x198: {  	[bflag:$0x0] =	sbarrier.arrive $0xFFFF  }
0x199: {  	_ =	strace $0x90000047  }
0x19a: {  	s0 =	stileid.u32;
	[bflag:$0x2] =	sbarrier.arrive $0xFFFF  }
0x19b: {  	p0 =	sne.s32 s0, $0x0;
	s0 =	rddreg [dreg:$0x1]  }
0x19c: {  	s0 =	sadd.s32 @!p0 $0x100000, s0  }
0x19d: {  	[sflag:s0] =	ssyncadd.tile.s32 @!p0 $0x1;
	_ =	shalt  }
.Lfunc_end2:
_tile_overlayer_lowered:
.L_overlay_start_2:
0x19e: {  	(tag) =	ssettag $0x2  }
0x19f: {  	s0 =	rddreg [dreg:$0x0];
	s2 =	stileid.u32  }
0x1a0: {  	s1 =	rddreg [dreg:$0x1];
	p0 =	sne.s32 s2, $0x0  }
0x1a1: {  	s3 =	rddreg [dreg:$0x2];
	[bflag:$0x3] =	sbarrier.arrive $0xFFFF;
	s2 =	simm.s32 @!p0 $0x1C02  }
0x1a2: {  	[timem:s3], [sflag:s2] =	dma.local @!p0 [hbm:s0], s1  }
0x1a3: {  	s0 =	simm.s32 @!p0 $0x2  }
0x1a4: {  	_ =	swait.ge @!p0 [sflag:s0], s1  }
0x1a5: {  	s1 =	ssub.s32 @!p0 $0x0, s1;
	[sflag:s0] =	ssyncset.done @!p0 $0x0  }
0x1a6: {  	[sflag:s0] =	ssyncadd.s32 @!p0 s1  }
0x1a7: {  	[bflag:$0x3] =	sbarrier.arrive $0xFFFF  }
0x1a8: {  	_ =	shalt  }

// kernel: kernel.16.cloned.1.call-start
scs
__scs_entry_jumppad:
0x0: {  	(pc) =	sbr.rel $0x88, $3  }
0x1: {  	(tag) =	ssettag $0x0;
	lr =	simm.s32 $0x1  }
0x2: {  	[smem:$0x3F90] =	sst lr;
	_ =	strace $0xD0000000  }
0x3: {  	_ = 	snop  }
0x4: {  	_ = 	snop  }
0x5: {  	_ = 	snop  }
0x6: {  	_ = 	snop  }
0x7: {  	_ = 	snop  }
__scs_overlays_trampoline_lowered:
0x8: {  	[smem:$0x3F9F] =	sst s0  }
0x9: {  	[smem:$0x3FA0] =	sst s1  }
0xa: {  	[smem:$0x3FA1] =	sst s2  }
0xb: {  	[smem:$0x3FA2] =	sst s3  }
0xc: {  	[smem:$0x3FA3] =	sst s4  }
0xd: {  	[smem:$0x3FA4] =	sst s5  }
0xe: {  	[smem:$0x3FA5] =	sst s6  }
0xf: {  	[smem:$0x3FA6] =	sst s7  }
0x10: {  	[smem:$0x3FA7] =	sst s8  }
0x11: {  	[smem:$0x3FA8] =	sst s9;
	s0 =	simm.s32 @!p0 $0x0  }
0x12: {  	s1 =	sld [smem:$0x3F8E];
	s0 =	simm.s32 @p0 $0x1  }
0x13: {  	[smem:$0x3FA9] =	sst s0;
	s0 =	simm.s32 @!p1 $0x0  }
0x14: {  	s2 =	sld [smem:$0x3F8D];
	s0 =	simm.s32 @p1 $0x1  }
0x15: {  	[smem:$0x3FAA] =	sst s0;
	s0 =	simm.s32 @!p2 $0x0  }
0x16: {  	s3 =	sld [smem:$0x3FDB];
	s0 =	simm.s32 @p2 $0x1  }
0x17: {  	s4 =	simm.s32 $0x1BF5;
	[smem:$0x3FAC] =	sst s0  }
0x18: {  	s0 =	sld [smem:$0x3F8F];
	_ =	swait.ge [sflag:s4], $0x0  }
0x19: {  	s7 =	sld [smem:$0x3F90]  }
0x1a: {  	s8 =	sadd.s32 $0xFFFFE003, lr  }
0x1b: {  	s9 =	sadd.s32 $0xFFFFFEF7, lr;
	s5 =	simm.s32 $0xFFFFFFFF;
	p2 =	slt.u32 s8, $0xFFFFF086  }
0x1c: {  	p1 =	slt.u32 s9, $0xF7A;
	s5 =	simm.s32 @!p2 $0x0  }
0x1d: {  	s5 =	simm.s32 @p1 $0x1;
	p0 =	seq.s32 s7, s2  }
0x1e: {  	s7 =	smul.u32 @!p0 $0xF7A, s2;
	p2 =	seq.s32 @!p0 s5, $0x0  }
0x1f: {  	s9 =	smul.u32 $0xF7A, s1;
	s8 =	simm.s32 @!p0 $0x1BF5;
	p2 =	por !p2, p0  }
0x20: {  	[sflag:s8] =	ssyncset.s32 @!p0 $0xFFFFF086;
	s6 =	sadd.s32 @!p0 s3, s7;
	s7 =	simm.s32 @!p0 $0x108  }
0x21: {  	s3 =	sadd.s32 s3, s9;
	s6 =	sadd.s32 @!p0 $0x88, s6;
	s7 =	simm.s32 @p2 $0x1082  }
0x22: {  	[simem:s7], [sflag:s8] =	dma.local @!p0 [hbm:s6], $0xF7A  }
0x23: {  	s9 =	sor.u32 $0xD0000000, s2;
	s6 =	simm.s32 $0x108;
	_ =	swait.ge @!p0 [sflag:s8], $0x0  }
0x24: {  	s3 =	sadd.s32 $0x88, s3;
	s6 =	simm.s32 @!p1 $0x1082;
	[sflag:s4] =	ssyncset.s32 $0xFFFFF086  }
0x25: {  	[simem:s6], [sflag:s4] =	dma.local [hbm:s3], $0xF7A  }
0x26: {  	[smem:$0x3F90] =	sst s1;
	(tag) =	ssettag s2;
	_ =	strace s9  }
0x27: {  	s1 =	sld [smem:$0x3FA0]  }
0x28: {  	s2 =	sld [smem:$0x3FA1]  }
0x29: {  	s4 =	sld [smem:$0x3FA3]  }
0x2a: {  	p0 =	seq.s32 s5, $0x0;
	s5 =	sld [smem:$0x3FA4]  }
0x2b: {  	s6 =	sld [smem:$0x3FA5]  }
0x2c: {  	s7 =	sld [smem:$0x3FA6]  }
0x2d: {  	s3 =	simm.s32 $0x108;
	s8 =	sld [smem:$0x3FA7]  }
0x2e: {  	s3 =	simm.s32 @!p0 $0x1082;
	s9 =	sld [smem:$0x3FA8]  }
0x2f: {  	lr =	sadd.s32 s0, s3;
	s0 =	sld [smem:$0x3F9F]  }
0x30: {  	s3 =	sld [smem:$0x3FA2]  }
0x31: {  	[smem:$0x3FAB] =	sst s10  }
0x32: {  	s10 =	sld [smem:$0x3FA9];
	_ =	sdelay $0x3  }
0x33: {  	p0 =	seq.s32 s10, $0x1;
	s10 =	sld [smem:$0x3FAB];
	_ =	sdelay $0x3  }
0x34: {  	[smem:$0x3FAB] =	sst s10  }
0x35: {  	s10 =	sld [smem:$0x3FAA];
	_ =	sdelay $0x3  }
0x36: {  	p1 =	seq.s32 s10, $0x1;
	s10 =	sld [smem:$0x3FAB];
	_ =	sdelay $0x3  }
0x37: {  	[smem:$0x3FAB] =	sst s10  }
0x38: {  	s10 =	sld [smem:$0x3FAC]  }
0x39: {  	_ = 	snop;
	(pc) =	sbr.ind lr, $3  }
0x3a: {  	_ = 	snop  }
0x3b: {  	_ = 	snop  }
0x3c: {  	p2 =	seq.s32 s10, $0x1;
	s10 =	sld [smem:$0x3FAB]  }
0x3d: {  	_ =	shalt  }
0x3e: {  	_ =	shalt  }
0x3f: {  	_ =	shalt  }
0x40: {  	_ =	shalt  }
0x41: {  	_ =	shalt  }
0x42: {  	_ =	shalt  }
0x43: {  	_ =	shalt  }
0x44: {  	_ =	shalt  }
0x45: {  	_ =	shalt  }
0x46: {  	_ =	shalt  }
0x47: {  	_ =	shalt  }
0x48: {  	_ =	shalt  }
0x49: {  	_ =	shalt  }
0x4a: {  	_ =	shalt  }
0x4b: {  	_ =	shalt  }
0x4c: {  	_ =	shalt  }
0x4d: {  	_ =	shalt  }
0x4e: {  	_ =	shalt  }
0x4f: {  	_ =	shalt  }
0x50: {  	_ =	shalt  }
0x51: {  	_ =	shalt  }
0x52: {  	_ =	shalt  }
0x53: {  	_ =	shalt  }
0x54: {  	_ =	shalt  }
0x55: {  	_ =	shalt  }
0x56: {  	_ =	shalt  }
0x57: {  	_ =	shalt  }
0x58: {  	_ =	shalt  }
0x59: {  	_ =	shalt  }
0x5a: {  	_ =	shalt  }
0x5b: {  	_ =	shalt  }
0x5c: {  	_ =	shalt  }
0x5d: {  	_ =	shalt  }
0x5e: {  	_ =	shalt  }
0x5f: {  	_ =	shalt  }
0x60: {  	_ =	shalt  }
0x61: {  	_ =	shalt  }
0x62: {  	_ =	shalt  }
0x63: {  	_ =	shalt  }
0x64: {  	_ =	shalt  }
0x65: {  	_ =	shalt  }
0x66: {  	_ =	shalt  }
0x67: {  	_ =	shalt  }
0x68: {  	_ =	shalt  }
0x69: {  	_ =	shalt  }
0x6a: {  	_ =	shalt  }
0x6b: {  	_ =	shalt  }
0x6c: {  	_ =	shalt  }
0x6d: {  	_ =	shalt  }
0x6e: {  	_ =	shalt  }
0x6f: {  	_ =	shalt  }
0x70: {  	_ =	shalt  }
0x71: {  	_ =	shalt  }
0x72: {  	_ =	shalt  }
0x73: {  	_ =	shalt  }
0x74: {  	_ =	shalt  }
0x75: {  	_ =	shalt  }
0x76: {  	_ =	shalt  }
0x77: {  	_ =	shalt  }
0x78: {  	_ =	shalt  }
0x79: {  	_ =	shalt  }
0x7a: {  	_ =	shalt  }
0x7b: {  	_ =	shalt  }
0x7c: {  	_ =	shalt  }
0x7d: {  	_ =	shalt  }
0x7e: {  	_ =	shalt  }
0x7f: {  	_ =	shalt  }
0x80: {  	_ =	shalt  }
0x81: {  	_ =	shalt  }
0x82: {  	_ =	shalt  }
0x83: {  	_ =	shalt  }
0x84: {  	_ =	shalt  }
0x85: {  	_ =	shalt  }
0x86: {  	_ =	shalt  }
0x87: {  	_ =	shalt  }
.Lfunc_end0:
.L_simem_size_0:
called_computation.1_lowered:
.L_overlay_start_0:
0x88: {  	s2 =	sld [smem:$0x3FD9]  }
0x89: {  	s3 =	sld [smem:$0x3FFE];
	_ =	sdelay $0x1  }
0x8a: {  	s1 =	srdreg.scid  }
0x8b: {  	s0 =	sand.u32 $0x1, s1  }
0x8c: {  	s16 =	sshll.u32 s0, $0xA;
	s2 =	sadd.s32 s3, s2  }
0x8d: {  	s2 =	sadd.s32 s2, s16  }
0x8e: {  	[smem:$0x3FB7] =	sst s2  }
0x8f: {  	_ = 	snop  }
0x90: {  	(tm) =	ssettm $0x1  }
0x91: {  	s17 =	sld [smem:$0x3FFB];
	_ =	sdelay $0x3  }
0x92: {  	_ =	strace s17  }
0x93: {  	s2 =	sld [smem:$0x3FFC];
	_ =	sdelay $0x3  }
0x94: {  	_ =	strace s2  }
0x95: {  	s2 =	sld [smem:$0x3FFD];
	_ =	sdelay $0x3  }
0x96: {  	_ =	strace s2  }
0x97: {  	_ =	strace $0x8FFFFFFF  }
0x98: {  	s18 =	sld [smem:$0x3FDB];
	_ =	sdelay $0x1  }
0x99: {  	s19 =	simm.s32 $_scs_section_size  }
0x9a: {  	s4 =	simm.s32 $_size__tile_overlayer_lowered;
	s5 =	simm.s32 $_tile_overlayer_lowered  }
0x9b: {  	s22 =	simm.s32 $0x1BFF;
	s21 =	sshll.u32 s5, $0x1;
	s2 =	sadd.s32 s19, s18  }
0x9c: {  	s6 =	simm.s32 $0x0;
	s20 =	sshll.u32 s4, $0x1;
	s4 =	sadd.s32 s21, s2  }
0x9d: {  	[timem:s6], [sflag:s22] =	dma.local [hbm:s4], s20  }
0x9e: {  	_ =	swait.ge [sflag:s22], s20  }
0x9f: {  	s3 =	ssub.s32 $0x0, s20;
	[sflag:s22] =	ssyncset.done $0x0  }
0xa0: {  	[sflag:s22] =	ssyncadd.s32 s3;
	_ =	sdelay $0x1  }
0xa1: {  	s23 =	simm.s32 $0x1B8B  }
0xa2: {  	_ =	swait.ge [sflag:s23], $0x1  }
0xa3: {  	[sflag:s23] =	ssyncset.done $0x0  }
0xa4: {  	s25 =	simm.s32 $0x1B8E;
	s24 =	sld [smem:$0x3FFE];
	[sflag:s23] =	ssyncadd.s32 $0xFFFFFFFF  }
0xa5: {  	s26 =	simm.s32 $execute0_lowered;
	[smem:$0x3FD2] =	sst s25  }
0xa6: {  	s4 =	sshll.u32 s26, $0x1;
	_ =	strace $0x80000049;
	[dreg:$0x1] =	wrdreg $0xFFFFFFFF  }
0xa7: {  	s28 =	simm.s32 $_size_execute0_lowered;
	s2 =	sadd.s32 s2, s4;
	[dreg:$0x0] =	wrdreg $0x0  }
0xa8: {  	s4 =	sshll.u32 s28, $0x1;
	[dreg:$0x2] =	wrdreg s2  }
0xa9: {  	[dreg:$0x3] =	wrdreg s4  }
0xaa: {  	[dreg:$0x4] =	wrdreg $0xC0  }
0xab: {  	_ =	task [dreg:s6], $0x5FFFF  }
0xac: {  	[dreg:$0x1] =	wrdreg $0xFFFFFFFF  }
0xad: {  	[dreg:$0x0] =	wrdreg $0x60  }
0xae: {  	[dreg:$0x2] =	wrdreg s24  }
0xaf: {  	[dreg:$0x3] =	wrdreg $0x9  }
0xb0: {  	_ =	task.clear_ibuf [dreg:s6], $0x4FFFF;
	_ =	strace $0x90000049  }
0xb1: {  	s29 =	simm.s32 $0x9;
	_ =	strace $0x8000004B  }
0xb2: {  	_ =	swait.ge [sflag:s29], $0x1  }
0xb3: {  	[sflag:s29] =	ssyncadd.s32 $0xFFFFFFFF  }
0xb4: {  	_ =	strace $0x9000004B  }
0xb5: {  	_ =	sfence  }
0xb6: {  	s30 =	sld [smem:$0x0];
	_ =	sdelay $0x2  }
0xb7: {  	s31 =	sshll.u32 s1, $0xD;
	s1 =	sshrl.u32 s1, $0x2  }
0xb8: {  	s3 =	sand.u32 $0x4000, s31;
	s1 =	sadd.s32 s1, s30  }
0xb9: {  	s0 =	sor.u32 s3, s0;
	s1 =	sshll.u32 s1, $0x11  }
0xba: {  	s0 =	sor.u32 s1, s0  }
0xbb: {  	s0 =	sadd.s32 $0x8F2B, s0  }
0xbc: {  	[sflag:s0] =	ssyncadd.remote.s32 $0x1  }
0xbd: {  	_ =	sfence.sel $0xFFFF  }
0xbe: {  	[dreg:$0x0] =	wrdreg $0xFFFFFFFF;
	(pc) =	sbr.abs _section_cstart, $3  }
0xbf: {  	[dreg:$0x1] =	wrdreg $0xFFFFFFFF  }
0xc0: {  	_ =	task.clear_ibuf [dreg:s6], $0x2FFFF;
	_ =	strace $0x9FFFFFFF  }
0xc1: {  	(tm) =	ssettm $0x7FFFFFFF  }
tec
execute0_lowered:
.L_overlay_start_1:
0x0: {  	(tag) =	ssettag $0x1  }
0x1: {  	s0 =	rddreg [dreg:$0x0];
	s2 =	simm.s32 $0x0;
	s3 =	srdreg.scid  }
0x2: {  	s1 =	stileid.u32;
	s22 =	simm.s32 $0x2;
	s28 =	simm.s32 $0x2080  }
0x3: {  	s29 =	simm.s32 $0x2880;
	s30 =	simm.s32 $0x3080;
	s31 =	simm.s32 $0x3880  }
0x4: {  	[smem:$0x7FF] =	sst s2;
	s4 =	sand.u32 $0x1, s3;
	s5 =	sshll.u32 s1, $0x7  }
0x5: {  	s3 =	sadd.s32 $0x24C000, s0;
	s11 =	sadd.s32 $0x4BC00, s0;
	s19 =	sadd.s32 $0x4BE00, s0  }
0x6: {  	s12 =	sadd.s32 $0x4C000, s0;
	s6 =	sshll.u32 s4, $0x6;
	s4 =	ssub.s32 $0x2, s4  }
0x7: {  	_ =	strace $0x8000004A;
	s10 =	sor.u32 s6, s5;
	s23 =	sshrl.u32 s4, $0x1  }
0x8: {  	s5 =	sadd.s32 $0x24C200, s0;
	s6 =	sadd.s32 $0x24C300, s0;
	s13 =	sshrl.u32 s10, $0x3  }
0x9: {  	s21 =	ssub.s32 s4, s23;
	s4 =	sadd.s32 $0x24C100, s0;
	s7 =	sshll.u32 s10, $0x7  }
0xa: {  	s8 =	sor.u32 $0x10, s10;
	s14 =	sor.u32 $0x20, s10;
	s15 =	sor.u32 $0x30, s10  }
0xb: {  	s23 =	simm.s32 $0x80;
	s0 =	simm.s32 $0x1;
	s24 =	sadd.s32 s11, s13  }
0xc: {  	s7 =	sadd.s32 s12, s7;
	s25 =	sshrl.u32 s8, $0x3;
	s8 =	sshll.u32 s8, $0x7  }
0xd: {  	s17 =	sshrl.u32 s14, $0x3;
	s14 =	sshll.u32 s14, $0x7;
	s20 =	sshrl.u32 s15, $0x3  }
0xe: {  	s26 =	sshll.u32 s15, $0x7;
	s13 =	sadd.s32 s19, s13;
	s21 =	smax.u32 s21, $0x1  }
0xf: {  	[dreg:$0x2] =	wrdreg s24;
	s9 =	sadd.s32 s11, s25;
	s8 =	sadd.s32 s12, s8  }
0x10: {  	s10 =	sadd.s32 s12, s14;
	s12 =	sadd.s32 s12, s26;
	s14 =	sadd.s32 $0x40000, s7  }
0x11: {  	s15 =	sadd.s32 s19, s25;
	s16 =	sadd.s32 $0x40800, s7;
	s18 =	sadd.s32 $0x41000, s7  }
0x12: {  	v2 =	vlaneseq.u32;
	s24 =	simm.s32 $0x880;
	s25 =	simm.s32 $0x1080;
	s26 =	simm.s32 $0x1880  }
0x13: {  	vm0 =	vmmov $0xffff;
	v1 =	vshrl.u32 v2, $0x3;
	[dreg:$0x3] =	wrdreg s9;
	s9 =	sadd.s32 s11, s17;
	s11 =	sadd.s32 s11, s20  }
0x14: {  	v0 =	vand.u32 $0x7, v2;
	v2 =	vor.u32 $0x8, v2;
	v1 =	vmul.u32 $0x8, v1;
	s17 =	sadd.s32 s19, s17;
	s19 =	sadd.s32 s19, s20;
	s20 =	sadd.s32 $0x41800, s7  }
.LBB2_1:
0x15: {  	s1 =	rddreg [dreg:$0x2]  }
0x16: {  	[tilespmem:s2], [sflag:$0x2] =	stream.linear.gather [hbm4b:s1+s2], $0x10, $0x38;
	[tilespmem:$0x4080] =	vst v63  }
0x17: {  	_ =	swait.ge [sflag:s22], $0x10  }
0x18: {  	[sflag:s22] =	ssyncset.done $0x0  }
0x19: {  	[sflag:s22] =	ssyncadd.s32 $0xFFFFFFF0  }
0x1a: {  	v3 =	vld [tilespmem:$0x0];
	_ =	sdelay $0x4  }
0x1b: {  	v4 =	vshll.u32 v3, $0x3  }
0x1c: {  	v3 =	vand.u32 $0x7, v3;
	v4 =	vand.u32 $0xFFFFFFC0, v4  }
0x1d: {  	v3 =	vor.u32 v3, v4  }
0x1e: {  	v4 =	vperm.xlane v3, v0;
	_ =	sdelay $0x1  }
0x1f: {  	v4 =	vadd.s32 v1, v4;
	_ =	sdelay $0x4  }
0x20: {  	[tilespmem:s23], [sflag:$0x1] =	stream.indirect_vreg.gather [hbm4b:s3+s2], $0x80, v4, vm0, $0xb8;
	[tilespmem:$0x4080] =	vst v63  }
0x21: {  	v3 =	vperm.xlane v3, v2  }
0x22: {  	[tilespmem:s24], [sflag:$0x1] =	stream.indirect_vreg.gather [hbm4b:s4+s2], $0x80, v4, vm0, $0xb8;
	[tilespmem:$0x4080] =	vst v63  }
0x23: {  	v3 =	vadd.s32 v1, v3  }
0x24: {  	[tilespmem:s25], [sflag:$0x1] =	stream.indirect_vreg.gather [hbm4b:s5+s2], $0x80, v4, vm0, $0xb8;
	[tilespmem:$0x4080] =	vst v63  }
0x25: {  	_ = 	snop  }
0x26: {  	[tilespmem:s26], [sflag:$0x1] =	stream.indirect_vreg.gather [hbm4b:s6+s2], $0x80, v4, vm0, $0xb8;
	[tilespmem:$0x4080] =	vst v63  }
0x27: {  	_ = 	snop  }
0x28: {  	[tilespmem:s28], [sflag:$0x1] =	stream.indirect_vreg.gather [hbm4b:s3+s2], $0x80, v3, vm0, $0xb8;
	[tilespmem:$0x4080] =	vst v63  }
0x29: {  	_ = 	snop  }
0x2a: {  	[tilespmem:s29], [sflag:$0x1] =	stream.indirect_vreg.gather [hbm4b:s4+s2], $0x80, v3, vm0, $0xb8;
	[tilespmem:$0x4080] =	vst v63  }
0x2b: {  	_ = 	snop  }
0x2c: {  	[tilespmem:s30], [sflag:$0x1] =	stream.indirect_vreg.gather [hbm4b:s5+s2], $0x80, v3, vm0, $0xb8;
	[tilespmem:$0x4080] =	vst v63  }
0x2d: {  	_ = 	snop  }
0x2e: {  	[tilespmem:s31], [sflag:$0x1] =	stream.indirect_vreg.gather [hbm4b:s6+s2], $0x80, v3, vm0, $0xb8;
	[tilespmem:$0x4080] =	vst v63  }
0x2f: {  	_ =	swait.ge [sflag:s0], $0x4000  }
0x30: {  	[sflag:s0] =	ssyncset.done $0x0  }
0x31: {  	[sflag:s0] =	ssyncadd.s32 $0xFFFFC000  }
0x32: {  	[hbm4b:s7+s2] =	stream.linear.scatter [tilespmem:s23], [sflag:$0x2], $0x4000, $0x38;
	[tilespmem:$0x4080] =	vst v63  }
0x33: {  	_ =	swait.ge [sflag:s22], $0x4000  }
0x34: {  	[sflag:s22] =	ssyncset.done $0x0  }
0x35: {  	s1 =	rddreg [dreg:$0x3];
	[sflag:s22] =	ssyncadd.s32 $0xFFFFC000  }
0x36: {  	[tilespmem:s2], [sflag:$0x2] =	stream.linear.gather [hbm4b:s1+s2], $0x10, $0x38;
	[tilespmem:$0x4080] =	vst v63  }
0x37: {  	_ =	swait.ge [sflag:s22], $0x10  }
0x38: {  	[sflag:s22] =	ssyncset.done $0x0  }
0x39: {  	[sflag:s22] =	ssyncadd.s32 $0xFFFFFFF0  }
0x3a: {  	v3 =	vld [tilespmem:$0x0];
	_ =	sdelay $0x4  }
0x3b: {  	v57 =	vshll.u32 v3, $0x3  }
0x3c: {  	v3 =	vand.u32 $0x7, v3;
	v4 =	vand.u32 $0xFFFFFFC0, v57  }
0x3d: {  	v3 =	vor.u32 v3, v4  }
0x3e: {  	v4 =	vperm.xlane v3, v0;
	_ =	sdelay $0x1  }
0x3f: {  	v4 =	vadd.s32 v1, v4;
	_ =	sdelay $0x4  }
0x40: {  	[tilespmem:s23], [sflag:$0x1] =	stream.indirect_vreg.gather [hbm4b:s3+s2], $0x80, v4, vm0, $0xb8;
	[tilespmem:$0x4080] =	vst v63  }
0x41: {  	v3 =	vperm.xlane v3, v2  }
0x42: {  	[tilespmem:s24], [sflag:$0x1] =	stream.indirect_vreg.gather [hbm4b:s4+s2], $0x80, v4, vm0, $0xb8;
	[tilespmem:$0x4080] =	vst v63  }
0x43: {  	v3 =	vadd.s32 v1, v3  }
0x44: {  	[tilespmem:s25], [sflag:$0x1] =	stream.indirect_vreg.gather [hbm4b:s5+s2], $0x80, v4, vm0, $0xb8;
	[tilespmem:$0x4080] =	vst v63  }
0x45: {  	_ = 	snop  }
0x46: {  	[tilespmem:s26], [sflag:$0x1] =	stream.indirect_vreg.gather [hbm4b:s6+s2], $0x80, v4, vm0, $0xb8;
	[tilespmem:$0x4080] =	vst v63  }
0x47: {  	_ = 	snop  }
0x48: {  	[tilespmem:s28], [sflag:$0x1] =	stream.indirect_vreg.gather [hbm4b:s3+s2], $0x80, v3, vm0, $0xb8;
	[tilespmem:$0x4080] =	vst v63  }
0x49: {  	_ = 	snop  }
0x4a: {  	[tilespmem:s29], [sflag:$0x1] =	stream.indirect_vreg.gather [hbm4b:s4+s2], $0x80, v3, vm0, $0xb8;
	[tilespmem:$0x4080] =	vst v63  }
0x4b: {  	_ = 	snop  }
0x4c: {  	[tilespmem:s30], [sflag:$0x1] =	stream.indirect_vreg.gather [hbm4b:s5+s2], $0x80, v3, vm0, $0xb8;
	[tilespmem:$0x4080] =	vst v63  }
0x4d: {  	_ = 	snop  }
0x4e: {  	[tilespmem:s31], [sflag:$0x1] =	stream.indirect_vreg.gather [hbm4b:s6+s2], $0x80, v3, vm0, $0xb8;
	[tilespmem:$0x4080] =	vst v63  }
0x4f: {  	_ =	swait.ge [sflag:s0], $0x4000  }
0x50: {  	[sflag:s0] =	ssyncset.done $0x0  }
0x51: {  	[sflag:s0] =	ssyncadd.s32 $0xFFFFC000  }
0x52: {  	[hbm4b:s8+s2] =	stream.linear.scatter [tilespmem:s23], [sflag:$0x2], $0x4000, $0x38;
	[tilespmem:$0x4080] =	vst v63  }
0x53: {  	_ =	swait.ge [sflag:s22], $0x4000  }
0x54: {  	[sflag:s22] =	ssyncset.done $0x0  }
0x55: {  	[sflag:s22] =	ssyncadd.s32 $0xFFFFC000  }
0x56: {  	[tilespmem:s2], [sflag:$0x2] =	stream.linear.gather [hbm4b:s9+s2], $0x10, $0x38;
	[tilespmem:$0x4080] =	vst v63  }
0x57: {  	_ =	swait.ge [sflag:s22], $0x10  }
0x58: {  	[sflag:s22] =	ssyncset.done $0x0  }
0x59: {  	[sflag:s22] =	ssyncadd.s32 $0xFFFFFFF0  }
0x5a: {  	v3 =	vld [tilespmem:$0x0];
	_ =	sdelay $0x4  }
0x5b: {  	v58 =	vshll.u32 v3, $0x3  }
0x5c: {  	v3 =	vand.u32 $0x7, v3;
	v4 =	vand.u32 $0xFFFFFFC0, v58  }
0x5d: {  	v3 =	vor.u32 v3, v4  }
0x5e: {  	v4 =	vperm.xlane v3, v0;
	_ =	sdelay $0x1  }
0x5f: {  	v4 =	vadd.s32 v1, v4;
	_ =	sdelay $0x4  }
0x60: {  	[tilespmem:s23], [sflag:$0x1] =	stream.indirect_vreg.gather [hbm4b:s3+s2], $0x80, v4, vm0, $0xb8;
	[tilespmem:$0x4080] =	vst v63  }
0x61: {  	v3 =	vperm.xlane v3, v2  }
0x62: {  	[tilespmem:s24], [sflag:$0x1] =	stream.indirect_vreg.gather [hbm4b:s4+s2], $0x80, v4, vm0, $0xb8;
	[tilespmem:$0x4080] =	vst v63  }
0x63: {  	v3 =	vadd.s32 v1, v3  }
0x64: {  	[tilespmem:s25], [sflag:$0x1] =	stream.indirect_vreg.gather [hbm4b:s5+s2], $0x80, v4, vm0, $0xb8;
	[tilespmem:$0x4080] =	vst v63  }
0x65: {  	_ = 	snop  }
0x66: {  	[tilespmem:s26], [sflag:$0x1] =	stream.indirect_vreg.gather [hbm4b:s6+s2], $0x80, v4, vm0, $0xb8;
	[tilespmem:$0x4080] =	vst v63  }
0x67: {  	_ = 	snop  }
0x68: {  	[tilespmem:s28], [sflag:$0x1] =	stream.indirect_vreg.gather [hbm4b:s3+s2], $0x80, v3, vm0, $0xb8;
	[tilespmem:$0x4080] =	vst v63  }
0x69: {  	_ = 	snop  }
0x6a: {  	[tilespmem:s29], [sflag:$0x1] =	stream.indirect_vreg.gather [hbm4b:s4+s2], $0x80, v3, vm0, $0xb8;
	[tilespmem:$0x4080] =	vst v63  }
0x6b: {  	_ = 	snop  }
0x6c: {  	[tilespmem:s30], [sflag:$0x1] =	stream.indirect_vreg.gather [hbm4b:s5+s2], $0x80, v3, vm0, $0xb8;
	[tilespmem:$0x4080] =	vst v63  }
0x6d: {  	_ = 	snop  }
0x6e: {  	[tilespmem:s31], [sflag:$0x1] =	stream.indirect_vreg.gather [hbm4b:s6+s2], $0x80, v3, vm0, $0xb8;
	[tilespmem:$0x4080] =	vst v63  }
0x6f: {  	_ =	swait.ge [sflag:s0], $0x4000  }
0x70: {  	[sflag:s0] =	ssyncset.done $0x0  }
0x71: {  	[sflag:s0] =	ssyncadd.s32 $0xFFFFC000  }
0x72: {  	[hbm4b:s10+s2] =	stream.linear.scatter [tilespmem:s23], [sflag:$0x2], $0x4000, $0x38;
	[tilespmem:$0x4080] =	vst v63  }
0x73: {  	_ =	swait.ge [sflag:s22], $0x4000  }
0x74: {  	[sflag:s22] =	ssyncset.done $0x0  }
0x75: {  	[sflag:s22] =	ssyncadd.s32 $0xFFFFC000  }
0x76: {  	[tilespmem:s2], [sflag:$0x2] =	stream.linear.gather [hbm4b:s11+s2], $0x10, $0x38;
	[tilespmem:$0x4080] =	vst v63  }
0x77: {  	_ =	swait.ge [sflag:s22], $0x10  }
0x78: {  	[sflag:s22] =	ssyncset.done $0x0  }
0x79: {  	[sflag:s22] =	ssyncadd.s32 $0xFFFFFFF0  }
0x7a: {  	v3 =	vld [tilespmem:$0x0];
	_ =	sdelay $0x4  }
0x7b: {  	v59 =	vshll.u32 v3, $0x3  }
0x7c: {  	v3 =	vand.u32 $0x7, v3;
	v4 =	vand.u32 $0xFFFFFFC0, v59  }
0x7d: {  	v3 =	vor.u32 v3, v4  }
0x7e: {  	v4 =	vperm.xlane v3, v0;
	_ =	sdelay $0x1  }
0x7f: {  	v4 =	vadd.s32 v1, v4;
	_ =	sdelay $0x4  }
0x80: {  	[tilespmem:s23], [sflag:$0x1] =	stream.indirect_vreg.gather [hbm4b:s3+s2], $0x80, v4, vm0, $0xb8;
	[tilespmem:$0x4080] =	vst v63  }
0x81: {  	v3 =	vperm.xlane v3, v2  }
0x82: {  	[tilespmem:s24], [sflag:$0x1] =	stream.indirect_vreg.gather [hbm4b:s4+s2], $0x80, v4, vm0, $0xb8;
	[tilespmem:$0x4080] =	vst v63  }
0x83: {  	v3 =	vadd.s32 v1, v3  }
0x84: {  	[tilespmem:s25], [sflag:$0x1] =	stream.indirect_vreg.gather [hbm4b:s5+s2], $0x80, v4, vm0, $0xb8;
	[tilespmem:$0x4080] =	vst v63  }
0x85: {  	_ = 	snop  }
0x86: {  	[tilespmem:s26], [sflag:$0x1] =	stream.indirect_vreg.gather [hbm4b:s6+s2], $0x80, v4, vm0, $0xb8;
	[tilespmem:$0x4080] =	vst v63  }
0x87: {  	_ = 	snop  }
0x88: {  	[tilespmem:s28], [sflag:$0x1] =	stream.indirect_vreg.gather [hbm4b:s3+s2], $0x80, v3, vm0, $0xb8;
	[tilespmem:$0x4080] =	vst v63  }
0x89: {  	_ = 	snop  }
0x8a: {  	[tilespmem:s29], [sflag:$0x1] =	stream.indirect_vreg.gather [hbm4b:s4+s2], $0x80, v3, vm0, $0xb8;
	[tilespmem:$0x4080] =	vst v63  }
0x8b: {  	_ = 	snop  }
0x8c: {  	[tilespmem:s30], [sflag:$0x1] =	stream.indirect_vreg.gather [hbm4b:s5+s2], $0x80, v3, vm0, $0xb8;
	[tilespmem:$0x4080] =	vst v63  }
0x8d: {  	_ = 	snop  }
0x8e: {  	[tilespmem:s31], [sflag:$0x1] =	stream.indirect_vreg.gather [hbm4b:s6+s2], $0x80, v3, vm0, $0xb8;
	[tilespmem:$0x4080] =	vst v63  }
0x8f: {  	_ =	swait.ge [sflag:s0], $0x4000  }
0x90: {  	[sflag:s0] =	ssyncset.done $0x0  }
0x91: {  	[sflag:s0] =	ssyncadd.s32 $0xFFFFC000  }
0x92: {  	[hbm4b:s12+s2] =	stream.linear.scatter [tilespmem:s23], [sflag:$0x2], $0x4000, $0x38;
	[tilespmem:$0x4080] =	vst v63  }
0x93: {  	_ =	swait.ge [sflag:s22], $0x4000  }
0x94: {  	[sflag:s22] =	ssyncset.done $0x0  }
0x95: {  	[sflag:s22] =	ssyncadd.s32 $0xFFFFC000  }
0x96: {  	[tilespmem:s2], [sflag:$0x2] =	stream.linear.gather [hbm4b:s13+s2], $0x10, $0x38;
	[tilespmem:$0x4080] =	vst v63  }
0x97: {  	_ =	swait.ge [sflag:s22], $0x10  }
0x98: {  	[sflag:s22] =	ssyncset.done $0x0  }
0x99: {  	[sflag:s22] =	ssyncadd.s32 $0xFFFFFFF0  }
0x9a: {  	v3 =	vld [tilespmem:$0x0];
	_ =	sdelay $0x4  }
0x9b: {  	v60 =	vshll.u32 v3, $0x3  }
0x9c: {  	v3 =	vand.u32 $0x7, v3;
	v4 =	vand.u32 $0xFFFFFFC0, v60  }
0x9d: {  	v3 =	vor.u32 v3, v4  }
0x9e: {  	v4 =	vperm.xlane v3, v0;
	_ =	sdelay $0x1  }
0x9f: {  	v4 =	vadd.s32 v1, v4;
	_ =	sdelay $0x4  }
0xa0: {  	[tilespmem:s23], [sflag:$0x1] =	stream.indirect_vreg.gather [hbm4b:s3+s2], $0x80, v4, vm0, $0xb8;
	[tilespmem:$0x4080] =	vst v63  }
0xa1: {  	v3 =	vperm.xlane v3, v2  }
0xa2: {  	[tilespmem:s24], [sflag:$0x1] =	stream.indirect_vreg.gather [hbm4b:s4+s2], $0x80, v4, vm0, $0xb8;
	[tilespmem:$0x4080] =	vst v63  }
0xa3: {  	v3 =	vadd.s32 v1, v3  }
0xa4: {  	[tilespmem:s25], [sflag:$0x1] =	stream.indirect_vreg.gather [hbm4b:s5+s2], $0x80, v4, vm0, $0xb8;
	[tilespmem:$0x4080] =	vst v63  }
0xa5: {  	_ = 	snop  }
0xa6: {  	[tilespmem:s26], [sflag:$0x1] =	stream.indirect_vreg.gather [hbm4b:s6+s2], $0x80, v4, vm0, $0xb8;
	[tilespmem:$0x4080] =	vst v63  }
0xa7: {  	_ = 	snop  }
0xa8: {  	[tilespmem:s28], [sflag:$0x1] =	stream.indirect_vreg.gather [hbm4b:s3+s2], $0x80, v3, vm0, $0xb8;
	[tilespmem:$0x4080] =	vst v63  }
0xa9: {  	_ = 	snop  }
0xaa: {  	[tilespmem:s29], [sflag:$0x1] =	stream.indirect_vreg.gather [hbm4b:s4+s2], $0x80, v3, vm0, $0xb8;
	[tilespmem:$0x4080] =	vst v63  }
0xab: {  	_ = 	snop  }
0xac: {  	[tilespmem:s30], [sflag:$0x1] =	stream.indirect_vreg.gather [hbm4b:s5+s2], $0x80, v3, vm0, $0xb8;
	[tilespmem:$0x4080] =	vst v63  }
0xad: {  	_ = 	snop  }
0xae: {  	[tilespmem:s31], [sflag:$0x1] =	stream.indirect_vreg.gather [hbm4b:s6+s2], $0x80, v3, vm0, $0xb8;
	[tilespmem:$0x4080] =	vst v63  }
0xaf: {  	_ =	swait.ge [sflag:s0], $0x4000  }
0xb0: {  	[sflag:s0] =	ssyncset.done $0x0  }
0xb1: {  	[sflag:s0] =	ssyncadd.s32 $0xFFFFC000  }
0xb2: {  	[hbm4b:s14+s2] =	stream.linear.scatter [tilespmem:s23], [sflag:$0x2], $0x4000, $0x38;
	[tilespmem:$0x4080] =	vst v63  }
0xb3: {  	_ =	swait.ge [sflag:s22], $0x4000  }
0xb4: {  	[sflag:s22] =	ssyncset.done $0x0  }
0xb5: {  	[sflag:s22] =	ssyncadd.s32 $0xFFFFC000  }
0xb6: {  	[tilespmem:s2], [sflag:$0x2] =	stream.linear.gather [hbm4b:s15+s2], $0x10, $0x38;
	[tilespmem:$0x4080] =	vst v63  }
0xb7: {  	_ =	swait.ge [sflag:s22], $0x10  }
0xb8: {  	[sflag:s22] =	ssyncset.done $0x0  }
0xb9: {  	[sflag:s22] =	ssyncadd.s32 $0xFFFFFFF0  }
0xba: {  	v3 =	vld [tilespmem:$0x0];
	_ =	sdelay $0x4  }
0xbb: {  	v61 =	vshll.u32 v3, $0x3  }
0xbc: {  	v3 =	vand.u32 $0x7, v3;
	v4 =	vand.u32 $0xFFFFFFC0, v61  }
0xbd: {  	v3 =	vor.u32 v3, v4  }
0xbe: {  	v4 =	vperm.xlane v3, v0;
	_ =	sdelay $0x1  }
0xbf: {  	v4 =	vadd.s32 v1, v4;
	_ =	sdelay $0x4  }
0xc0: {  	[tilespmem:s23], [sflag:$0x1] =	stream.indirect_vreg.gather [hbm4b:s3+s2], $0x80, v4, vm0, $0xb8;
	[tilespmem:$0x4080] =	vst v63  }
0xc1: {  	v3 =	vperm.xlane v3, v2  }
0xc2: {  	[tilespmem:s24], [sflag:$0x1] =	stream.indirect_vreg.gather [hbm4b:s4+s2], $0x80, v4, vm0, $0xb8;
	[tilespmem:$0x4080] =	vst v63  }
0xc3: {  	v3 =	vadd.s32 v1, v3  }
0xc4: {  	[tilespmem:s25], [sflag:$0x1] =	stream.indirect_vreg.gather [hbm4b:s5+s2], $0x80, v4, vm0, $0xb8;
	[tilespmem:$0x4080] =	vst v63  }
0xc5: {  	_ = 	snop  }
0xc6: {  	[tilespmem:s26], [sflag:$0x1] =	stream.indirect_vreg.gather [hbm4b:s6+s2], $0x80, v4, vm0, $0xb8;
	[tilespmem:$0x4080] =	vst v63  }
0xc7: {  	_ = 	snop  }
0xc8: {  	[tilespmem:s28], [sflag:$0x1] =	stream.indirect_vreg.gather [hbm4b:s3+s2], $0x80, v3, vm0, $0xb8;
	[tilespmem:$0x4080] =	vst v63  }
0xc9: {  	_ = 	snop  }
0xca: {  	[tilespmem:s29], [sflag:$0x1] =	stream.indirect_vreg.gather [hbm4b:s4+s2], $0x80, v3, vm0, $0xb8;
	[tilespmem:$0x4080] =	vst v63  }
0xcb: {  	_ = 	snop  }
0xcc: {  	[tilespmem:s30], [sflag:$0x1] =	stream.indirect_vreg.gather [hbm4b:s5+s2], $0x80, v3, vm0, $0xb8;
	[tilespmem:$0x4080] =	vst v63  }
0xcd: {  	_ = 	snop  }
0xce: {  	[tilespmem:s31], [sflag:$0x1] =	stream.indirect_vreg.gather [hbm4b:s6+s2], $0x80, v3, vm0, $0xb8;
	[tilespmem:$0x4080] =	vst v63  }
0xcf: {  	_ =	swait.ge [sflag:s0], $0x4000  }
0xd0: {  	[sflag:s0] =	ssyncset.done $0x0  }
0xd1: {  	[sflag:s0] =	ssyncadd.s32 $0xFFFFC000  }
0xd2: {  	[hbm4b:s16+s2] =	stream.linear.scatter [tilespmem:s23], [sflag:$0x2], $0x4000, $0x38;
	[tilespmem:$0x4080] =	vst v63  }
0xd3: {  	_ =	swait.ge [sflag:s22], $0x4000  }
0xd4: {  	[sflag:s22] =	ssyncset.done $0x0  }
0xd5: {  	[sflag:s22] =	ssyncadd.s32 $0xFFFFC000  }
0xd6: {  	[tilespmem:s2], [sflag:$0x2] =	stream.linear.gather [hbm4b:s17+s2], $0x10, $0x38;
	[tilespmem:$0x4080] =	vst v63  }
0xd7: {  	_ =	swait.ge [sflag:s22], $0x10  }
0xd8: {  	[sflag:s22] =	ssyncset.done $0x0  }
0xd9: {  	[sflag:s22] =	ssyncadd.s32 $0xFFFFFFF0  }
0xda: {  	v3 =	vld [tilespmem:$0x0];
	_ =	sdelay $0x4  }
0xdb: {  	v62 =	vshll.u32 v3, $0x3  }
0xdc: {  	v3 =	vand.u32 $0x7, v3;
	v4 =	vand.u32 $0xFFFFFFC0, v62  }
0xdd: {  	v3 =	vor.u32 v3, v4  }
0xde: {  	v4 =	vperm.xlane v3, v0;
	_ =	sdelay $0x1  }
0xdf: {  	v4 =	vadd.s32 v1, v4;
	_ =	sdelay $0x4  }
0xe0: {  	[tilespmem:s23], [sflag:$0x1] =	stream.indirect_vreg.gather [hbm4b:s3+s2], $0x80, v4, vm0, $0xb8;
	[tilespmem:$0x4080] =	vst v63  }
0xe1: {  	v3 =	vperm.xlane v3, v2  }
0xe2: {  	[tilespmem:s24], [sflag:$0x1] =	stream.indirect_vreg.gather [hbm4b:s4+s2], $0x80, v4, vm0, $0xb8;
	[tilespmem:$0x4080] =	vst v63  }
0xe3: {  	v3 =	vadd.s32 v1, v3  }
0xe4: {  	[tilespmem:s25], [sflag:$0x1] =	stream.indirect_vreg.gather [hbm4b:s5+s2], $0x80, v4, vm0, $0xb8;
	[tilespmem:$0x4080] =	vst v63  }
0xe5: {  	_ = 	snop  }
0xe6: {  	[tilespmem:s26], [sflag:$0x1] =	stream.indirect_vreg.gather [hbm4b:s6+s2], $0x80, v4, vm0, $0xb8;
	[tilespmem:$0x4080] =	vst v63  }
0xe7: {  	_ = 	snop  }
0xe8: {  	[tilespmem:s28], [sflag:$0x1] =	stream.indirect_vreg.gather [hbm4b:s3+s2], $0x80, v3, vm0, $0xb8;
	[tilespmem:$0x4080] =	vst v63  }
0xe9: {  	_ = 	snop  }
0xea: {  	[tilespmem:s29], [sflag:$0x1] =	stream.indirect_vreg.gather [hbm4b:s4+s2], $0x80, v3, vm0, $0xb8;
	[tilespmem:$0x4080] =	vst v63  }
0xeb: {  	_ = 	snop  }
0xec: {  	[tilespmem:s30], [sflag:$0x1] =	stream.indirect_vreg.gather [hbm4b:s5+s2], $0x80, v3, vm0, $0xb8;
	[tilespmem:$0x4080] =	vst v63  }
0xed: {  	_ = 	snop  }
0xee: {  	[tilespmem:s31], [sflag:$0x1] =	stream.indirect_vreg.gather [hbm4b:s6+s2], $0x80, v3, vm0, $0xb8;
	[tilespmem:$0x4080] =	vst v63  }
0xef: {  	_ =	swait.ge [sflag:s0], $0x4000  }
0xf0: {  	[sflag:s0] =	ssyncset.done $0x0  }
0xf1: {  	[sflag:s0] =	ssyncadd.s32 $0xFFFFC000  }
0xf2: {  	[hbm4b:s18+s2] =	stream.linear.scatter [tilespmem:s23], [sflag:$0x2], $0x4000, $0x38;
	[tilespmem:$0x4080] =	vst v63  }
0xf3: {  	_ =	swait.ge [sflag:s22], $0x4000  }
0xf4: {  	[sflag:s22] =	ssyncset.done $0x0  }
0xf5: {  	[sflag:s22] =	ssyncadd.s32 $0xFFFFC000  }
0xf6: {  	[tilespmem:s2], [sflag:$0x2] =	stream.linear.gather [hbm4b:s19+s2], $0x10, $0x38;
	[tilespmem:$0x4080] =	vst v63  }
0xf7: {  	_ =	swait.ge [sflag:s22], $0x10  }
0xf8: {  	[sflag:s22] =	ssyncset.done $0x0  }
0xf9: {  	[sflag:s22] =	ssyncadd.s32 $0xFFFFFFF0  }
0xfa: {  	v3 =	vld [tilespmem:$0x0];
	_ =	sdelay $0x4  }
0xfb: {  	v63 =	vshll.u32 v3, $0x3  }
0xfc: {  	v3 =	vand.u32 $0x7, v3;
	v4 =	vand.u32 $0xFFFFFFC0, v63  }
0xfd: {  	v3 =	vor.u32 v3, v4  }
0xfe: {  	v4 =	vperm.xlane v3, v0;
	_ =	sdelay $0x1  }
0xff: {  	v4 =	vadd.s32 v1, v4;
	_ =	sdelay $0x4  }
0x100: {  	[tilespmem:s23], [sflag:$0x1] =	stream.indirect_vreg.gather [hbm4b:s3+s2], $0x80, v4, vm0, $0xb8;
	[tilespmem:$0x4080] =	vst v63  }
0x101: {  	v3 =	vperm.xlane v3, v2  }
0x102: {  	[tilespmem:s24], [sflag:$0x1] =	stream.indirect_vreg.gather [hbm4b:s4+s2], $0x80, v4, vm0, $0xb8;
	[tilespmem:$0x4080] =	vst v63  }
0x103: {  	v3 =	vadd.s32 v1, v3  }
0x104: {  	[tilespmem:s25], [sflag:$0x1] =	stream.indirect_vreg.gather [hbm4b:s5+s2], $0x80, v4, vm0, $0xb8;
	[tilespmem:$0x4080] =	vst v63  }
0x105: {  	_ = 	snop  }
0x106: {  	[tilespmem:s26], [sflag:$0x1] =	stream.indirect_vreg.gather [hbm4b:s6+s2], $0x80, v4, vm0, $0xb8;
	[tilespmem:$0x4080] =	vst v63  }
0x107: {  	_ = 	snop  }
0x108: {  	[tilespmem:s28], [sflag:$0x1] =	stream.indirect_vreg.gather [hbm4b:s3+s2], $0x80, v3, vm0, $0xb8;
	[tilespmem:$0x4080] =	vst v63  }
0x109: {  	_ = 	snop  }
0x10a: {  	[tilespmem:s29], [sflag:$0x1] =	stream.indirect_vreg.gather [hbm4b:s4+s2], $0x80, v3, vm0, $0xb8;
	[tilespmem:$0x4080] =	vst v63  }
0x10b: {  	_ = 	snop  }
0x10c: {  	[tilespmem:s30], [sflag:$0x1] =	stream.indirect_vreg.gather [hbm4b:s5+s2], $0x80, v3, vm0, $0xb8;
	[tilespmem:$0x4080] =	vst v63  }
0x10d: {  	_ = 	snop  }
0x10e: {  	[tilespmem:s31], [sflag:$0x1] =	stream.indirect_vreg.gather [hbm4b:s6+s2], $0x80, v3, vm0, $0xb8;
	[tilespmem:$0x4080] =	vst v63  }
0x10f: {  	_ =	swait.ge [sflag:s0], $0x4000  }
0x110: {  	p0 =	sne.s32 s21, $0x1;
	[sflag:s0] =	ssyncset.done $0x0  }
.Ltmp0:
0x111: {  	[sflag:s0] =	ssyncadd.s32 $0xFFFFC000;
	(pc) =	sbr.rel @p0 .LBB2_1-.Ltmp0, $4  }
0x112: {  	[hbm4b:s20+s2] =	stream.linear.scatter [tilespmem:s23], [sflag:$0x2], $0x4000, $0x38;
	[tilespmem:$0x4080] =	vst v63  }
0x113: {  	_ =	swait.ge [sflag:s22], $0x4000  }
0x114: {  	[sflag:s22] =	ssyncset.done $0x0  }
0x115: {  	s21 =	sadd.s32 $0xFFFFFFFF, s21;
	[sflag:s22] =	ssyncadd.s32 $0xFFFFC000  }
0x116: {  	_ =	sfence.sel $0x180000  }
0x117: {  	[bflag:$0x0] =	sbarrier.arrive $0xFFFF  }
0x118: {  	_ =	strace $0x9000004A  }
0x119: {  	s0 =	stileid.u32;
	[bflag:$0x2] =	sbarrier.arrive $0xFFFF  }
0x11a: {  	p0 =	sne.s32 s0, $0x0;
	s0 =	rddreg [dreg:$0x1]  }
0x11b: {  	s0 =	sadd.s32 @!p0 $0x100000, s0  }
0x11c: {  	[sflag:s0] =	ssyncadd.tile.s32 @!p0 $0x1;
	_ =	shalt  }
.Lfunc_end2:
_tile_overlayer_lowered:
.L_overlay_start_2:
0x11d: {  	(tag) =	ssettag $0x2  }
0x11e: {  	s0 =	rddreg [dreg:$0x0];
	s2 =	stileid.u32  }
0x11f: {  	s1 =	rddreg [dreg:$0x1];
	p0 =	sne.s32 s2, $0x0  }
0x120: {  	s3 =	rddreg [dreg:$0x2];
	[bflag:$0x3] =	sbarrier.arrive $0xFFFF;
	s2 =	simm.s32 @!p0 $0x1C02  }
0x121: {  	[timem:s3], [sflag:s2] =	dma.local @!p0 [hbm:s0], s1  }
0x122: {  	s0 =	simm.s32 @!p0 $0x2  }
0x123: {  	_ =	swait.ge @!p0 [sflag:s0], s1  }
0x124: {  	s1 =	ssub.s32 @!p0 $0x0, s1;
	[sflag:s0] =	ssyncset.done @!p0 $0x0  }
0x125: {  	[sflag:s0] =	ssyncadd.s32 @!p0 s1  }
0x126: {  	[bflag:$0x3] =	sbarrier.arrive $0xFFFF  }
0x127: {  	_ =	shalt  }

</sc_bundles>
